<compile_context>
chip_gen: v7x
topology: tpu7x:2x2x1
jax: 0.10.2.dev20260603
libtpu: 0.0.44.dev20260713+nightly
codegen_flags: <defaults>
</compile_context>

<pallas_src>
import functools

import numpy as np
import jax
import jax.numpy as jnp
from jax import lax
from jax.experimental import pallas as pl
from jax.experimental.pallas import tpu as pltpu
from jax.experimental.pallas import tpu_sc as plsc

_NE = 128
_B = 64
_ND = 8
_ED = 4
_HID = 128
_OBS = _ND * _NE + _ED * _NE * _NE

_NC = 1
_NS = 16
_NW = _NC * _NS
_EPW = _B * _ED * _NE // _NW
_CHUNK = 128
_NCHUNK = _EPW // _CHUNK


def _build_gather_idx() -> np.ndarray:
    r = np.arange(_B * _ED)[:, None]
    i = np.arange(_NE)[None, :]
    k = r // _B
    b = r % _B
    c = _ND + k * _NE + i
    p = ((b // 8) * 520 + c) * 1024 + (b % 8) * 128
    return p.reshape(_NW, _NCHUNK, _CHUNK).astype(np.int32)


_IDX_NP = _build_gather_idx()


@functools.lru_cache(maxsize=1)
def _get_sc_gather():
    mesh = plsc.VectorSubcoreMesh(
        core_axis_name="c", subcore_axis_name="s", num_cores=_NC
    )

    @functools.partial(
        pl.kernel,
        mesh=mesh,
        out_type=jax.ShapeDtypeStruct((_NW, _NCHUNK, _CHUNK), jnp.float32),
        scratch_types=[
            pltpu.VMEM((_NCHUNK, _CHUNK), jnp.int32),
            pltpu.VMEM((_NCHUNK, _CHUNK), jnp.float32),
            pltpu.SemaphoreType.DMA,
        ],
    )
    def _sc_gather(obs_flat, out_hbm, idx_v, buf_v, sem):
        wid = lax.axis_index("s") * _NC + lax.axis_index("c")
        io = lax.iota(jnp.int32, 16) * 1024
        copies = []
        for j in range(_NCHUNK):
            r = wid * _NCHUNK + j
            k = r // _B
            b = r % _B
            base = ((b // 8) * 520 + _ND + k * _NE) * 1024 + (b % 8) * 128
            for t in range(_CHUNK // 16):
                idx_v[j, pl.ds(t * 16, 16)] = io + (base + t * 16 * 1024)
            copies.append(
                pltpu.async_copy(obs_flat.at[idx_v.at[j]], buf_v.at[j], sem)
            )
        for c in copies:
            c.wait()
        pltpu.sync_copy(buf_v, out_hbm.at[wid])

    return _sc_gather


def _tc_body(obs_ref, eg_ref, weT_ref, beC_ref, w1_ref, b1_ref, w2_ref,
             b2_ref, out_ref):
    Xr = obs_ref[...].reshape(_B * _ND, _NE)
    E2 = eg_ref[...]
    weT = jnp.broadcast_to(
        weT_ref[...].reshape(1, _ND, _ED), (_B, _ND, _ED)
    ).reshape(_B * _ND, _ED)
    beC = jnp.broadcast_to(
        beC_ref[...].reshape(1, _ND, 1), (_B, _ND, 1)
    ).reshape(_B * _ND, 1)
    acc = Xr + beC
    for k in range(_ED):
        Ek = jnp.broadcast_to(
            E2[k * _B:(k + 1) * _B, :].reshape(_B, 1, _NE), (_B, _ND, _NE)
        )
        acc = acc + Ek.reshape(_B * _ND, _NE) * weT[:, k:k + 1]
    msg = jnp.maximum(acc, 0.0)
    h0 = Xr[:, 0:1] + jnp.sum(msg, axis=1, keepdims=True)
    w1b = jnp.broadcast_to(
        w1_ref[...].reshape(1, _ND, _HID), (_B, _ND, _HID)
    ).reshape(_B * _ND, _HID)
    C = (h0 * w1b).reshape(_B, _ND, _HID)
    H1 = jnp.maximum(jnp.sum(C, axis=1) + b1_ref[...], 0.0)
    out = jnp.dot(H1, w2_ref[...], preferred_element_type=jnp.float32)
    out_ref[...] = jnp.maximum(out + b2_ref[...], 0.0)


def kernel(observations, lin_edge_W, lin_edge_b, W1, b1, W2, b2):
    obs_flat = observations.reshape(8, 8, 520, 128).transpose(0, 2, 1, 3)
    obs_flat = obs_flat.reshape(-1)
    eg = _get_sc_gather()(obs_flat)
    eg2 = eg.reshape(_ED * _B, _NE)
    weT = lin_edge_W.T
    beC = lin_edge_b[:, None]
    return pl.pallas_call(
        _tc_body,
        grid=(1,),
        in_specs=[
            pl.BlockSpec((_B, _ND * _NE), lambda i: (0, 0)),
            pl.BlockSpec((_ED * _B, _NE), lambda i: (0, 0)),
            pl.BlockSpec((_ND, _ED), lambda i: (0, 0)),
            pl.BlockSpec((_ND, 1), lambda i: (0, 0)),
            pl.BlockSpec((_ND, _HID), lambda i: (0, 0)),
            pl.BlockSpec((1, _HID), lambda i: (0, 0)),
            pl.BlockSpec((_HID, _HID), lambda i: (0, 0)),
            pl.BlockSpec((1, _HID), lambda i: (0, 0)),
        ],
        out_specs=pl.BlockSpec((_B, _HID), lambda i: (0, 0)),
        out_shape=jax.ShapeDtypeStruct((_B, _HID), jnp.float32),
    )(observations, eg2, weT, beC, W1, b1[None, :], W2, b2[None, :])

# --- scband reference (transcript-rebuilt; emitter-appended) ---
"""Pipeline reference for scband-gnnfeature-extractor-75857712382048 (READ-ONLY COPY).

The authoritative reference and input builder live on the scoring server;
editing this copy changes nothing except your own understanding.
"""

import jax, jax.numpy as jnp
import numpy as np

NE = 128
B = 64
NODE_DIM = 8
EDGE_DIM = 4
HID = 128
OBS_DIM = NODE_DIM * NE + EDGE_DIM * NE * NE  # 66560


def _edge_index():
    # torch: [(i, j) for i in range(ne) for j in range(ne)] -> edge_index[0]=src=i, [1]=dst=j
    src0 = np.repeat(np.arange(NE), NE)
    dst0 = np.tile(np.arange(NE), NE)
    off = np.arange(B) * NE
    src = (src0[None, :] + off[:, None]).reshape(-1)
    dst = (dst0[None, :] + off[:, None]).reshape(-1)
    return jnp.asarray(src, dtype=jnp.int32), jnp.asarray(dst, dtype=jnp.int32)


def setup_inputs(seed: int = 0) -> dict:
    key = jax.random.key(seed)
    ks = jax.random.split(key, 7)
    observations = jax.random.uniform(ks[0], (B, OBS_DIM), dtype=jnp.float32)
    lin_edge_W = jax.random.normal(ks[1], (EDGE_DIM, NODE_DIM), dtype=jnp.float32) * 0.1
    lin_edge_b = jnp.zeros((NODE_DIM,), dtype=jnp.float32)
    W1 = jax.random.normal(ks[2], (NODE_DIM, HID), dtype=jnp.float32) * 0.1
    b1 = jnp.zeros((HID,), dtype=jnp.float32)
    W2 = jax.random.normal(ks[3], (HID, HID), dtype=jnp.float32) * 0.1
    b2 = jnp.zeros((HID,), dtype=jnp.float32)
    return {"observations": observations, "lin_edge_W": lin_edge_W, "lin_edge_b": lin_edge_b,
            "W1": W1, "b1": b1, "W2": W2, "b2": b2}


def reference(observations, lin_edge_W, lin_edge_b, W1, b1, W2, b2):
    src, dst = _edge_index()
    # obs2domainArray: unary preds -> node features [B, NE, NODE_DIM]
    unp = jnp.stack([observations[:, k * NE:(k + 1) * NE] for k in range(NODE_DIM)], axis=-1)
    base = NODE_DIM * NE
    bip = jnp.stack(
        [observations[:, base + k * NE * NE: base + (k + 1) * NE * NE].reshape(B, NE, NE)
         for k in range(EDGE_DIM)], axis=-1)
    bip = bip.reshape(B, NE * NE, EDGE_DIM)
    # Batch.from_data_list: concat nodes/edge_attr, offset edge_index (offsets applied in _edge_index)
    x = unp.reshape(B * NE, NODE_DIM)
    edge_attr = bip.reshape(B * NE * NE, EDGE_DIM)
    # GINEConv (eps=0, train_eps=False, edge_dim=EDGE_DIM):
    # out = nn((1+eps)*x_i + sum_{j->i} ReLU(x_j + lin_edge(e_ji)))
    eproj = edge_attr @ lin_edge_W + lin_edge_b          # [E, NODE_DIM]
    msg = jax.nn.relu(x[src] + eproj)                    # gather on src
    aggr = jax.ops.segment_sum(msg, dst, num_segments=B * NE)  # scatter-add on dst
    h = x + aggr
    h = jax.nn.relu(h @ W1 + b1)
    h = jax.nn.relu(h @ W2 + b2)
    features = h.reshape(B, NE, -1)[:, 0, :].reshape(B, -1)
    return features

if __name__ == "__main__":
    import jax
    _d = setup_inputs()
    print(jax.jit(kernel)(*tuple(_d.values())))

</pallas_src>

<mosaic_0001>
#map = affine_map<(d0, d1) -> (0)>
#map1 = affine_map<(d0, d1) -> (0, 0, 0)>
module attributes {stable_mosaic.version = 14 : i64} {
  func.func @_sc_gather(%arg0: i32, %arg1: i32, %arg2: memref<4259840xf32, #tpu.memory_space<hbm>>, %arg3: memref<16x16x128xf32, #tpu.memory_space<hbm>>, %arg4: memref<16x128xi32, #tpu.memory_space<vmem>>, %arg5: memref<16x128xf32, #tpu.memory_space<vmem>>, %arg6: memref<!tpu.dma_semaphore, #tpu.memory_space<semaphore_mem>>) attributes {dimension_semantics = [#tpu.dimension_semantics<core_parallel>, #tpu.dimension_semantics<subcore_parallel>], iteration_bounds = array<i64: 1, 16>, scalar_prefetch = 0 : i64, scratch_operands = 3 : i64, tpu.core_type = #tpu.core_type<sc_vector_subcore>, window_params = [{transform_indices = #map}, {transform_indices = #map1}]} {
    %mul3A = arith.constant 1 : i32
    %mul3A_0 = arith.muli %arg1, %mul3A : i32
    %add3A = arith.addi %mul3A_0, %arg0 : i32
    %iota3A = tpu.iota {dimensions = array<i32: 0>} : vector<16xi32>
    %mul3A_1 = arith.constant 1024 : i32
    %mul3A_2 = vector.broadcast %mul3A_1 : i32 to vector<16xi32>
    %mul3A_3 = arith.muli %iota3A, %mul3A_2 : vector<16xi32>
    %mul3A_4 = arith.constant 16 : i32
    %mul3A_5 = arith.muli %add3A, %mul3A_4 : i32
    %add3A_6 = arith.constant 0 : i32
    %add3A_7 = arith.addi %mul3A_5, %add3A_6 : i32
    %jit3A = arith.constant 64 : i32
    %div3A = arith.divsi %add3A_7, %jit3A : i32
    %sign3A = arith.constant 0 : i32
    %sign3A_8 = arith.cmpi sgt, %add3A_7, %sign3A : i32
    %sign3A_9 = arith.extui %sign3A_8 : i1 to i32
    %sign3A_10 = arith.constant 0 : i32
    %sign3A_11 = arith.cmpi slt, %add3A_7, %sign3A_10 : i32
    %sign3A_12 = arith.extui %sign3A_11 : i1 to i32
    %sign3A_13 = arith.subi %sign3A_9, %sign3A_12 : i32
    %sign3A_14 = arith.constant 0 : i32
    %sign3A_15 = arith.cmpi sgt, %jit3A, %sign3A_14 : i32
    %sign3A_16 = arith.extui %sign3A_15 : i1 to i32
    %sign3A_17 = arith.constant 0 : i32
    %sign3A_18 = arith.cmpi slt, %jit3A, %sign3A_17 : i32
    %sign3A_19 = arith.extui %sign3A_18 : i1 to i32
    %sign3A_20 = arith.subi %sign3A_16, %sign3A_19 : i32
    %ne3A = arith.cmpi ne, %sign3A_13, %sign3A_20 : i32
    %rem3A = arith.remsi %add3A_7, %jit3A : i32
    %ne3A_21 = arith.constant 0 : i32
    %ne3A_22 = arith.cmpi ne, %rem3A, %ne3A_21 : i32
    %and3A = arith.andi %ne3A, %ne3A_22 : i1
    %sub3A = arith.constant 1 : i32
    %sub3A_23 = arith.subi %div3A, %sub3A : i32
    %select_n3A = arith.select %and3A, %sub3A_23, %div3A : i32
    %jit3A_24 = arith.constant 64 : i32
    %eq3A = arith.constant 0 : i32
    %eq3A_25 = arith.cmpi eq, %jit3A_24, %eq3A : i32
    %jit3A_26 = arith.constant 1 : i32
    %select_n3A_27 = arith.select %eq3A_25, %jit3A_26, %jit3A_24 : i32
    %rem3A_28 = arith.remsi %add3A_7, %select_n3A_27 : i32
    %ne3A_29 = arith.constant 0 : i32
    %ne3A_30 = arith.cmpi ne, %rem3A_28, %ne3A_29 : i32
    %lt3A = arith.constant 0 : i32
    %lt3A_31 = arith.cmpi slt, %rem3A_28, %lt3A : i32
    %lt3A_32 = arith.constant 0 : i32
    %lt3A_33 = arith.cmpi slt, %select_n3A_27, %lt3A_32 : i32
    %ne3A_34 = arith.xori %lt3A_31, %lt3A_33 : i1
    %and3A_35 = arith.andi %ne3A_34, %ne3A_30 : i1
    %add3A_36 = arith.addi %rem3A_28, %select_n3A_27 : i32
    %select_n3A_37 = arith.select %and3A_35, %add3A_36, %rem3A_28 : i32
    %jit3A_38 = arith.constant 8 : i32
    %div3A_39 = arith.divsi %select_n3A_37, %jit3A_38 : i32
    %sign3A_40 = arith.constant 0 : i32
    %sign3A_41 = arith.cmpi sgt, %select_n3A_37, %sign3A_40 : i32
    %sign3A_42 = arith.extui %sign3A_41 : i1 to i32
    %sign3A_43 = arith.constant 0 : i32
    %sign3A_44 = arith.cmpi slt, %select_n3A_37, %sign3A_43 : i32
    %sign3A_45 = arith.extui %sign3A_44 : i1 to i32
    %sign3A_46 = arith.subi %sign3A_42, %sign3A_45 : i32
    %sign3A_47 = arith.constant 0 : i32
    %sign3A_48 = arith.cmpi sgt, %jit3A_38, %sign3A_47 : i32
    %sign3A_49 = arith.extui %sign3A_48 : i1 to i32
    %sign3A_50 = arith.constant 0 : i32
    %sign3A_51 = arith.cmpi slt, %jit3A_38, %sign3A_50 : i32
    %sign3A_52 = arith.extui %sign3A_51 : i1 to i32
    %sign3A_53 = arith.subi %sign3A_49, %sign3A_52 : i32
    %ne3A_54 = arith.cmpi ne, %sign3A_46, %sign3A_53 : i32
    %rem3A_55 = arith.remsi %select_n3A_37, %jit3A_38 : i32
    %ne3A_56 = arith.constant 0 : i32
    %ne3A_57 = arith.cmpi ne, %rem3A_55, %ne3A_56 : i32
    %and3A_58 = arith.andi %ne3A_54, %ne3A_57 : i1
    %sub3A_59 = arith.constant 1 : i32
    %sub3A_60 = arith.subi %div3A_39, %sub3A_59 : i32
    %select_n3A_61 = arith.select %and3A_58, %sub3A_60, %div3A_39 : i32
    %mul3A_62 = arith.constant 520 : i32
    %mul3A_63 = arith.muli %select_n3A_61, %mul3A_62 : i32
    %add3A_64 = arith.constant 8 : i32
    %add3A_65 = arith.addi %mul3A_63, %add3A_64 : i32
    %mul3A_66 = arith.constant 128 : i32
    %mul3A_67 = arith.muli %select_n3A, %mul3A_66 : i32
    %add3A_68 = arith.addi %add3A_65, %mul3A_67 : i32
    %mul3A_69 = arith.constant 1024 : i32
    %mul3A_70 = arith.muli %add3A_68, %mul3A_69 : i32
    %jit3A_71 = arith.constant 8 : i32
    %eq3A_72 = arith.constant 0 : i32
    %eq3A_73 = arith.cmpi eq, %jit3A_71, %eq3A_72 : i32
    %jit3A_74 = arith.constant 1 : i32
    %select_n3A_75 = arith.select %eq3A_73, %jit3A_74, %jit3A_71 : i32
    %rem3A_76 = arith.remsi %select_n3A_37, %select_n3A_75 : i32
    %ne3A_77 = arith.constant 0 : i32
    %ne3A_78 = arith.cmpi ne, %rem3A_76, %ne3A_77 : i32
    %lt3A_79 = arith.constant 0 : i32
    %lt3A_80 = arith.cmpi slt, %rem3A_76, %lt3A_79 : i32
    %lt3A_81 = arith.constant 0 : i32
    %lt3A_82 = arith.cmpi slt, %select_n3A_75, %lt3A_81 : i32
    %ne3A_83 = arith.xori %lt3A_80, %lt3A_82 : i1
    %and3A_84 = arith.andi %ne3A_83, %ne3A_78 : i1
    %add3A_85 = arith.addi %rem3A_76, %select_n3A_75 : i32
    %select_n3A_86 = arith.select %and3A_84, %add3A_85, %rem3A_76 : i32
    %mul3A_87 = arith.constant 128 : i32
    %mul3A_88 = arith.muli %select_n3A_86, %mul3A_87 : i32
    %add3A_89 = arith.addi %mul3A_70, %mul3A_88 : i32
    %add3A_90 = arith.constant 0 : i32
    %add3A_91 = arith.addi %add3A_89, %add3A_90 : i32
    %add3A_92 = vector.broadcast %add3A_91 : i32 to vector<16xi32>
    %add3A_93 = arith.addi %mul3A_3, %add3A_92 : vector<16xi32>
    %swap3A = arith.constant 0 : i32
    %swap3A_94 = arith.index_cast %swap3A : i32 to index
    %swap3A_95 = arith.constant 0 : index
    %swap3A_96 = tpu.vector_load %arg4[%swap3A_94, %swap3A_95] {strides = array<i32>} : memref<16x128xi32, #tpu.memory_space<vmem>>, vector<1x16xi32>,
    %swap3A_97 = vector.shape_cast %swap3A_96 : vector<1x16xi32> to vector<16xi32>
    %swap3A_98 = vector.shape_cast %add3A_93 : vector<16xi32> to vector<1x16xi32>
    tpu.vector_store %arg4[%swap3A_94, %swap3A_95], %swap3A_98 {strides = array<i32>} : memref<16x128xi32, #tpu.memory_space<vmem>>, vector<1x16xi32>,
    %add3A_99 = arith.constant 16384 : i32
    %add3A_100 = arith.addi %add3A_89, %add3A_99 : i32
    %add3A_101 = vector.broadcast %add3A_100 : i32 to vector<16xi32>
    %add3A_102 = arith.addi %mul3A_3, %add3A_101 : vector<16xi32>
    %swap3A_103 = arith.constant 0 : i32
    %swap3A_104 = arith.index_cast %swap3A_103 : i32 to index
    %swap3A_105 = arith.constant 16 : index
    %swap3A_106 = tpu.vector_load %arg4[%swap3A_104, %swap3A_105] {strides = array<i32>} : memref<16x128xi32, #tpu.memory_space<vmem>>, vector<1x16xi32>,
    %swap3A_107 = vector.shape_cast %swap3A_106 : vector<1x16xi32> to vector<16xi32>
    %swap3A_108 = vector.shape_cast %add3A_102 : vector<16xi32> to vector<1x16xi32>
    tpu.vector_store %arg4[%swap3A_104, %swap3A_105], %swap3A_108 {strides = array<i32>} : memref<16x128xi32, #tpu.memory_space<vmem>>, vector<1x16xi32>,
    %add3A_109 = arith.constant 32768 : i32
    %add3A_110 = arith.addi %add3A_89, %add3A_109 : i32
    %add3A_111 = vector.broadcast %add3A_110 : i32 to vector<16xi32>
    %add3A_112 = arith.addi %mul3A_3, %add3A_111 : vector<16xi32>
    %swap3A_113 = arith.constant 0 : i32
    %swap3A_114 = arith.index_cast %swap3A_113 : i32 to index
    %swap3A_115 = arith.constant 32 : index
    %swap3A_116 = tpu.vector_load %arg4[%swap3A_114, %swap3A_115] {strides = array<i32>} : memref<16x128xi32, #tpu.memory_space<vmem>>, vector<1x16xi32>,
    %swap3A_117 = vector.shape_cast %swap3A_116 : vector<1x16xi32> to vector<16xi32>
    %swap3A_118 = vector.shape_cast %add3A_112 : vector<16xi32> to vector<1x16xi32>
    tpu.vector_store %arg4[%swap3A_114, %swap3A_115], %swap3A_118 {strides = array<i32>} : memref<16x128xi32, #tpu.memory_space<vmem>>, vector<1x16xi32>,
    %add3A_119 = arith.constant 49152 : i32
    %add3A_120 = arith.addi %add3A_89, %add3A_119 : i32
    %add3A_121 = vector.broadcast %add3A_120 : i32 to vector<16xi32>
    %add3A_122 = arith.addi %mul3A_3, %add3A_121 : vector<16xi32>
    %swap3A_123 = arith.constant 0 : i32
    %swap3A_124 = arith.index_cast %swap3A_123 : i32 to index
    %swap3A_125 = arith.constant 48 : index
    %swap3A_126 = tpu.vector_load %arg4[%swap3A_124, %swap3A_125] {strides = array<i32>} : memref<16x128xi32, #tpu.memory_space<vmem>>, vector<1x16xi32>,
    %swap3A_127 = vector.shape_cast %swap3A_126 : vector<1x16xi32> to vector<16xi32>
    %swap3A_128 = vector.shape_cast %add3A_122 : vector<16xi32> to vector<1x16xi32>
    tpu.vector_store %arg4[%swap3A_124, %swap3A_125], %swap3A_128 {strides = array<i32>} : memref<16x128xi32, #tpu.memory_space<vmem>>, vector<1x16xi32>,
    %add3A_129 = arith.constant 65536 : i32
    %add3A_130 = arith.addi %add3A_89, %add3A_129 : i32
    %add3A_131 = vector.broadcast %add3A_130 : i32 to vector<16xi32>
    %add3A_132 = arith.addi %mul3A_3, %add3A_131 : vector<16xi32>
    %swap3A_133 = arith.constant 0 : i32
    %swap3A_134 = arith.index_cast %swap3A_133 : i32 to index
    %swap3A_135 = arith.constant 64 : index
    %swap3A_136 = tpu.vector_load %arg4[%swap3A_134, %swap3A_135] {strides = array<i32>} : memref<16x128xi32, #tpu.memory_space<vmem>>, vector<1x16xi32>,
    %swap3A_137 = vector.shape_cast %swap3A_136 : vector<1x16xi32> to vector<16xi32>
    %swap3A_138 = vector.shape_cast %add3A_132 : vector<16xi32> to vector<1x16xi32>
    tpu.vector_store %arg4[%swap3A_134, %swap3A_135], %swap3A_138 {strides = array<i32>} : memref<16x128xi32, #tpu.memory_space<vmem>>, vector<1x16xi32>,
    %add3A_139 = arith.constant 81920 : i32
    %add3A_140 = arith.addi %add3A_89, %add3A_139 : i32
    %add3A_141 = vector.broadcast %add3A_140 : i32 to vector<16xi32>
    %add3A_142 = arith.addi %mul3A_3, %add3A_141 : vector<16xi32>
    %swap3A_143 = arith.constant 0 : i32
    %swap3A_144 = arith.index_cast %swap3A_143 : i32 to index
    %swap3A_145 = arith.constant 80 : index
    %swap3A_146 = tpu.vector_load %arg4[%swap3A_144, %swap3A_145] {strides = array<i32>} : memref<16x128xi32, #tpu.memory_space<vmem>>, vector<1x16xi32>,
    %swap3A_147 = vector.shape_cast %swap3A_146 : vector<1x16xi32> to vector<16xi32>
    %swap3A_148 = vector.shape_cast %add3A_142 : vector<16xi32> to vector<1x16xi32>
    tpu.vector_store %arg4[%swap3A_144, %swap3A_145], %swap3A_148 {strides = array<i32>} : memref<16x128xi32, #tpu.memory_space<vmem>>, vector<1x16xi32>,
    %add3A_149 = arith.constant 98304 : i32
    %add3A_150 = arith.addi %add3A_89, %add3A_149 : i32
    %add3A_151 = vector.broadcast %add3A_150 : i32 to vector<16xi32>
    %add3A_152 = arith.addi %mul3A_3, %add3A_151 : vector<16xi32>
    %swap3A_153 = arith.constant 0 : i32
    %swap3A_154 = arith.index_cast %swap3A_153 : i32 to index
    %swap3A_155 = arith.constant 96 : index
    %swap3A_156 = tpu.vector_load %arg4[%swap3A_154, %swap3A_155] {strides = array<i32>} : memref<16x128xi32, #tpu.memory_space<vmem>>, vector<1x16xi32>,
    %swap3A_157 = vector.shape_cast %swap3A_156 : vector<1x16xi32> to vector<16xi32>
    %swap3A_158 = vector.shape_cast %add3A_152 : vector<16xi32> to vector<1x16xi32>
    tpu.vector_store %arg4[%swap3A_154, %swap3A_155], %swap3A_158 {strides = array<i32>} : memref<16x128xi32, #tpu.memory_space<vmem>>, vector<1x16xi32>,
    %add3A_159 = arith.constant 114688 : i32
    %add3A_160 = arith.addi %add3A_89, %add3A_159 : i32
    %add3A_161 = vector.broadcast %add3A_160 : i32 to vector<16xi32>
    %add3A_162 = arith.addi %mul3A_3, %add3A_161 : vector<16xi32>
    %swap3A_163 = arith.constant 0 : i32
    %swap3A_164 = arith.index_cast %swap3A_163 : i32 to index
    %swap3A_165 = arith.constant 112 : index
    %swap3A_166 = tpu.vector_load %arg4[%swap3A_164, %swap3A_165] {strides = array<i32>} : memref<16x128xi32, #tpu.memory_space<vmem>>, vector<1x16xi32>,
    %swap3A_167 = vector.shape_cast %swap3A_166 : vector<1x16xi32> to vector<16xi32>
    %swap3A_168 = vector.shape_cast %add3A_162 : vector<16xi32> to vector<1x16xi32>
    tpu.vector_store %arg4[%swap3A_164, %swap3A_165], %swap3A_168 {strides = array<i32>} : memref<16x128xi32, #tpu.memory_space<vmem>>, vector<1x16xi32>,
    %dma_start3A = arith.constant 0 : i32
    %dma_start3A_169 = arith.constant 0 : i32
    %dma_start3A_170 = arith.constant 0 : i32
    %dma_start3A_171 = tpu.memref_slice %arg5[%dma_start3A_169, %dma_start3A_170] : memref<16x128xf32, #tpu.memory_space<vmem>> -> memref<1x128xf32, #tpu.memory_space<vmem>>
    %dma_start3A_172 = tpu.memref_squeeze %dma_start3A_171 : memref<1x128xf32, #tpu.memory_space<vmem>> -> memref<128xf32, #tpu.memory_space<vmem>>
    %dma_start3A_173 = arith.constant 0 : i32
    %dma_start3A_174 = tpu.memref_slice %arg4[%dma_start3A, %dma_start3A_173] : memref<16x128xi32, #tpu.memory_space<vmem>> -> memref<1x128xi32, #tpu.memory_space<vmem>>
    %dma_start3A_175 = tpu.memref_squeeze %dma_start3A_174 : memref<1x128xi32, #tpu.memory_space<vmem>> -> memref<128xi32, #tpu.memory_space<vmem>>
    %dma_start3A_176 = arith.constant 0 : i32
    %dma_start3A_177 = tpu.memref_slice %arg2[%dma_start3A_176] : memref<4259840xf32, #tpu.memory_space<hbm>> -> memref<4259840xf32, #tpu.memory_space<hbm>>
    tpu.enqueue_indirect_dma source(%dma_start3A_177 : memref<4259840xf32, #tpu.memory_space<hbm>>) target(%dma_start3A_172 : memref<128xf32, #tpu.memory_space<vmem>>) offsets(%dma_start3A_175 : memref<128xi32, #tpu.memory_space<vmem>>) semaphore(%arg6 : memref<!tpu.dma_semaphore, #tpu.memory_space<semaphore_mem>>)
    %mul3A_178 = arith.constant 16 : i32
    %mul3A_179 = arith.muli %add3A, %mul3A_178 : i32
    %add3A_180 = arith.constant 1 : i32
    %add3A_181 = arith.addi %mul3A_179, %add3A_180 : i32
    %jit3A_182 = arith.constant 64 : i32
    %div3A_183 = arith.divsi %add3A_181, %jit3A_182 : i32
    %sign3A_184 = arith.constant 0 : i32
    %sign3A_185 = arith.cmpi sgt, %add3A_181, %sign3A_184 : i32
    %sign3A_186 = arith.extui %sign3A_185 : i1 to i32
    %sign3A_187 = arith.constant 0 : i32
    %sign3A_188 = arith.cmpi slt, %add3A_181, %sign3A_187 : i32
    %sign3A_189 = arith.extui %sign3A_188 : i1 to i32
    %sign3A_190 = arith.subi %sign3A_186, %sign3A_189 : i32
    %sign3A_191 = arith.constant 0 : i32
    %sign3A_192 = arith.cmpi sgt, %jit3A_182, %sign3A_191 : i32
    %sign3A_193 = arith.extui %sign3A_192 : i1 to i32
    %sign3A_194 = arith.constant 0 : i32
    %sign3A_195 = arith.cmpi slt, %jit3A_182, %sign3A_194 : i32
    %sign3A_196 = arith.extui %sign3A_195 : i1 to i32
    %sign3A_197 = arith.subi %sign3A_193, %sign3A_196 : i32
    %ne3A_198 = arith.cmpi ne, %sign3A_190, %sign3A_197 : i32
    %rem3A_199 = arith.remsi %add3A_181, %jit3A_182 : i32
    %ne3A_200 = arith.constant 0 : i32
    %ne3A_201 = arith.cmpi ne, %rem3A_199, %ne3A_200 : i32
    %and3A_202 = arith.andi %ne3A_198, %ne3A_201 : i1
    %sub3A_203 = arith.constant 1 : i32
    %sub3A_204 = arith.subi %div3A_183, %sub3A_203 : i32
    %select_n3A_205 = arith.select %and3A_202, %sub3A_204, %div3A_183 : i32
    %jit3A_206 = arith.constant 64 : i32
    %eq3A_207 = arith.constant 0 : i32
    %eq3A_208 = arith.cmpi eq, %jit3A_206, %eq3A_207 : i32
    %jit3A_209 = arith.constant 1 : i32
    %select_n3A_210 = arith.select %eq3A_208, %jit3A_209, %jit3A_206 : i32
    %rem3A_211 = arith.remsi %add3A_181, %select_n3A_210 : i32
    %ne3A_212 = arith.constant 0 : i32
    %ne3A_213 = arith.cmpi ne, %rem3A_211, %ne3A_212 : i32
    %lt3A_214 = arith.constant 0 : i32
    %lt3A_215 = arith.cmpi slt, %rem3A_211, %lt3A_214 : i32
    %lt3A_216 = arith.constant 0 : i32
    %lt3A_217 = arith.cmpi slt, %select_n3A_210, %lt3A_216 : i32
    %ne3A_218 = arith.xori %lt3A_215, %lt3A_217 : i1
    %and3A_219 = arith.andi %ne3A_218, %ne3A_213 : i1
    %add3A_220 = arith.addi %rem3A_211, %select_n3A_210 : i32
    %select_n3A_221 = arith.select %and3A_219, %add3A_220, %rem3A_211 : i32
    %jit3A_222 = arith.constant 8 : i32
    %div3A_223 = arith.divsi %select_n3A_221, %jit3A_222 : i32
    %sign3A_224 = arith.constant 0 : i32
    %sign3A_225 = arith.cmpi sgt, %select_n3A_221, %sign3A_224 : i32
    %sign3A_226 = arith.extui %sign3A_225 : i1 to i32
    %sign3A_227 = arith.constant 0 : i32
    %sign3A_228 = arith.cmpi slt, %select_n3A_221, %sign3A_227 : i32
    %sign3A_229 = arith.extui %sign3A_228 : i1 to i32
    %sign3A_230 = arith.subi %sign3A_226, %sign3A_229 : i32
    %sign3A_231 = arith.constant 0 : i32
    %sign3A_232 = arith.cmpi sgt, %jit3A_222, %sign3A_231 : i32
    %sign3A_233 = arith.extui %sign3A_232 : i1 to i32
    %sign3A_234 = arith.constant 0 : i32
    %sign3A_235 = arith.cmpi slt, %jit3A_222, %sign3A_234 : i32
    %sign3A_236 = arith.extui %sign3A_235 : i1 to i32
    %sign3A_237 = arith.subi %sign3A_233, %sign3A_236 : i32
    %ne3A_238 = arith.cmpi ne, %sign3A_230, %sign3A_237 : i32
    %rem3A_239 = arith.remsi %select_n3A_221, %jit3A_222 : i32
    %ne3A_240 = arith.constant 0 : i32
    %ne3A_241 = arith.cmpi ne, %rem3A_239, %ne3A_240 : i32
    %and3A_242 = arith.andi %ne3A_238, %ne3A_241 : i1
    %sub3A_243 = arith.constant 1 : i32
    %sub3A_244 = arith.subi %div3A_223, %sub3A_243 : i32
    %select_n3A_245 = arith.select %and3A_242, %sub3A_244, %div3A_223 : i32
    %mul3A_246 = arith.constant 520 : i32
    %mul3A_247 = arith.muli %select_n3A_245, %mul3A_246 : i32
    %add3A_248 = arith.constant 8 : i32
    %add3A_249 = arith.addi %mul3A_247, %add3A_248 : i32
    %mul3A_250 = arith.constant 128 : i32
    %mul3A_251 = arith.muli %select_n3A_205, %mul3A_250 : i32
    %add3A_252 = arith.addi %add3A_249, %mul3A_251 : i32
    %mul3A_253 = arith.constant 1024 : i32
    %mul3A_254 = arith.muli %add3A_252, %mul3A_253 : i32
    %jit3A_255 = arith.constant 8 : i32
    %eq3A_256 = arith.constant 0 : i32
    %eq3A_257 = arith.cmpi eq, %jit3A_255, %eq3A_256 : i32
    %jit3A_258 = arith.constant 1 : i32
    %select_n3A_259 = arith.select %eq3A_257, %jit3A_258, %jit3A_255 : i32
    %rem3A_260 = arith.remsi %select_n3A_221, %select_n3A_259 : i32
    %ne3A_261 = arith.constant 0 : i32
    %ne3A_262 = arith.cmpi ne, %rem3A_260, %ne3A_261 : i32
    %lt3A_263 = arith.constant 0 : i32
    %lt3A_264 = arith.cmpi slt, %rem3A_260, %lt3A_263 : i32
    %lt3A_265 = arith.constant 0 : i32
    %lt3A_266 = arith.cmpi slt, %select_n3A_259, %lt3A_265 : i32
    %ne3A_267 = arith.xori %lt3A_264, %lt3A_266 : i1
    %and3A_268 = arith.andi %ne3A_267, %ne3A_262 : i1
    %add3A_269 = arith.addi %rem3A_260, %select_n3A_259 : i32
    %select_n3A_270 = arith.select %and3A_268, %add3A_269, %rem3A_260 : i32
    %mul3A_271 = arith.constant 128 : i32
    %mul3A_272 = arith.muli %select_n3A_270, %mul3A_271 : i32
    %add3A_273 = arith.addi %mul3A_254, %mul3A_272 : i32
    %add3A_274 = arith.constant 0 : i32
    %add3A_275 = arith.addi %add3A_273, %add3A_274 : i32
    %add3A_276 = vector.broadcast %add3A_275 : i32 to vector<16xi32>
    %add3A_277 = arith.addi %mul3A_3, %add3A_276 : vector<16xi32>
    %swap3A_278 = arith.constant 1 : i32
    %swap3A_279 = arith.index_cast %swap3A_278 : i32 to index
    %swap3A_280 = arith.constant 0 : index
    %swap3A_281 = tpu.vector_load %arg4[%swap3A_279, %swap3A_280] {strides = array<i32>} : memref<16x128xi32, #tpu.memory_space<vmem>>, vector<1x16xi32>,
    %swap3A_282 = vector.shape_cast %swap3A_281 : vector<1x16xi32> to vector<16xi32>
    %swap3A_283 = vector.shape_cast %add3A_277 : vector<16xi32> to vector<1x16xi32>
    tpu.vector_store %arg4[%swap3A_279, %swap3A_280], %swap3A_283 {strides = array<i32>} : memref<16x128xi32, #tpu.memory_space<vmem>>, vector<1x16xi32>,
    %add3A_284 = arith.constant 16384 : i32
    %add3A_285 = arith.addi %add3A_273, %add3A_284 : i32
    %add3A_286 = vector.broadcast %add3A_285 : i32 to vector<16xi32>
    %add3A_287 = arith.addi %mul3A_3, %add3A_286 : vector<16xi32>
    %swap3A_288 = arith.constant 1 : i32
    %swap3A_289 = arith.index_cast %swap3A_288 : i32 to index
    %swap3A_290 = arith.constant 16 : index
    %swap3A_291 = tpu.vector_load %arg4[%swap3A_289, %swap3A_290] {strides = array<i32>} : memref<16x128xi32, #tpu.memory_space<vmem>>, vector<1x16xi32>,
    %swap3A_292 = vector.shape_cast %swap3A_291 : vector<1x16xi32> to vector<16xi32>
    %swap3A_293 = vector.shape_cast %add3A_287 : vector<16xi32> to vector<1x16xi32>
    tpu.vector_store %arg4[%swap3A_289, %swap3A_290], %swap3A_293 {strides = array<i32>} : memref<16x128xi32, #tpu.memory_space<vmem>>, vector<1x16xi32>,
    %add3A_294 = arith.constant 32768 : i32
    %add3A_295 = arith.addi %add3A_273, %add3A_294 : i32
    %add3A_296 = vector.broadcast %add3A_295 : i32 to vector<16xi32>
    %add3A_297 = arith.addi %mul3A_3, %add3A_296 : vector<16xi32>
    %swap3A_298 = arith.constant 1 : i32
    %swap3A_299 = arith.index_cast %swap3A_298 : i32 to index
    %swap3A_300 = arith.constant 32 : index
    %swap3A_301 = tpu.vector_load %arg4[%swap3A_299, %swap3A_300] {strides = array<i32>} : memref<16x128xi32, #tpu.memory_space<vmem>>, vector<1x16xi32>,
    %swap3A_302 = vector.shape_cast %swap3A_301 : vector<1x16xi32> to vector<16xi32>
    %swap3A_303 = vector.shape_cast %add3A_297 : vector<16xi32> to vector<1x16xi32>
    tpu.vector_store %arg4[%swap3A_299, %swap3A_300], %swap3A_303 {strides = array<i32>} : memref<16x128xi32, #tpu.memory_space<vmem>>, vector<1x16xi32>,
    %add3A_304 = arith.constant 49152 : i32
    %add3A_305 = arith.addi %add3A_273, %add3A_304 : i32
    %add3A_306 = vector.broadcast %add3A_305 : i32 to vector<16xi32>
    %add3A_307 = arith.addi %mul3A_3, %add3A_306 : vector<16xi32>
    %swap3A_308 = arith.constant 1 : i32
    %swap3A_309 = arith.index_cast %swap3A_308 : i32 to index
    %swap3A_310 = arith.constant 48 : index
    %swap3A_311 = tpu.vector_load %arg4[%swap3A_309, %swap3A_310] {strides = array<i32>} : memref<16x128xi32, #tpu.memory_space<vmem>>, vector<1x16xi32>,
    %swap3A_312 = vector.shape_cast %swap3A_311 : vector<1x16xi32> to vector<16xi32>
    %swap3A_313 = vector.shape_cast %add3A_307 : vector<16xi32> to vector<1x16xi32>
    tpu.vector_store %arg4[%swap3A_309, %swap3A_310], %swap3A_313 {strides = array<i32>} : memref<16x128xi32, #tpu.memory_space<vmem>>, vector<1x16xi32>,
    %add3A_314 = arith.constant 65536 : i32
    %add3A_315 = arith.addi %add3A_273, %add3A_314 : i32
    %add3A_316 = vector.broadcast %add3A_315 : i32 to vector<16xi32>
    %add3A_317 = arith.addi %mul3A_3, %add3A_316 : vector<16xi32>
    %swap3A_318 = arith.constant 1 : i32
    %swap3A_319 = arith.index_cast %swap3A_318 : i32 to index
    %swap3A_320 = arith.constant 64 : index
    %swap3A_321 = tpu.vector_load %arg4[%swap3A_319, %swap3A_320] {strides = array<i32>} : memref<16x128xi32, #tpu.memory_space<vmem>>, vector<1x16xi32>,
    %swap3A_322 = vector.shape_cast %swap3A_321 : vector<1x16xi32> to vector<16xi32>
    %swap3A_323 = vector.shape_cast %add3A_317 : vector<16xi32> to vector<1x16xi32>
    tpu.vector_store %arg4[%swap3A_319, %swap3A_320], %swap3A_323 {strides = array<i32>} : memref<16x128xi32, #tpu.memory_space<vmem>>, vector<1x16xi32>,
    %add3A_324 = arith.constant 81920 : i32
    %add3A_325 = arith.addi %add3A_273, %add3A_324 : i32
    %add3A_326 = vector.broadcast %add3A_325 : i32 to vector<16xi32>
    %add3A_327 = arith.addi %mul3A_3, %add3A_326 : vector<16xi32>
    %swap3A_328 = arith.constant 1 : i32
    %swap3A_329 = arith.index_cast %swap3A_328 : i32 to index
    %swap3A_330 = arith.constant 80 : index
    %swap3A_331 = tpu.vector_load %arg4[%swap3A_329, %swap3A_330] {strides = array<i32>} : memref<16x128xi32, #tpu.memory_space<vmem>>, vector<1x16xi32>,
    %swap3A_332 = vector.shape_cast %swap3A_331 : vector<1x16xi32> to vector<16xi32>
    %swap3A_333 = vector.shape_cast %add3A_327 : vector<16xi32> to vector<1x16xi32>
    tpu.vector_store %arg4[%swap3A_329, %swap3A_330], %swap3A_333 {strides = array<i32>} : memref<16x128xi32, #tpu.memory_space<vmem>>, vector<1x16xi32>,
    %add3A_334 = arith.constant 98304 : i32
    %add3A_335 = arith.addi %add3A_273, %add3A_334 : i32
    %add3A_336 = vector.broadcast %add3A_335 : i32 to vector<16xi32>
    %add3A_337 = arith.addi %mul3A_3, %add3A_336 : vector<16xi32>
    %swap3A_338 = arith.constant 1 : i32
    %swap3A_339 = arith.index_cast %swap3A_338 : i32 to index
    %swap3A_340 = arith.constant 96 : index
    %swap3A_341 = tpu.vector_load %arg4[%swap3A_339, %swap3A_340] {strides = array<i32>} : memref<16x128xi32, #tpu.memory_space<vmem>>, vector<1x16xi32>,
    %swap3A_342 = vector.shape_cast %swap3A_341 : vector<1x16xi32> to vector<16xi32>
    %swap3A_343 = vector.shape_cast %add3A_337 : vector<16xi32> to vector<1x16xi32>
    tpu.vector_store %arg4[%swap3A_339, %swap3A_340], %swap3A_343 {strides = array<i32>} : memref<16x128xi32, #tpu.memory_space<vmem>>, vector<1x16xi32>,
    %add3A_344 = arith.constant 114688 : i32
    %add3A_345 = arith.addi %add3A_273, %add3A_344 : i32
    %add3A_346 = vector.broadcast %add3A_345 : i32 to vector<16xi32>
    %add3A_347 = arith.addi %mul3A_3, %add3A_346 : vector<16xi32>
    %swap3A_348 = arith.constant 1 : i32
    %swap3A_349 = arith.index_cast %swap3A_348 : i32 to index
    %swap3A_350 = arith.constant 112 : index
    %swap3A_351 = tpu.vector_load %arg4[%swap3A_349, %swap3A_350] {strides = array<i32>} : memref<16x128xi32, #tpu.memory_space<vmem>>, vector<1x16xi32>,
    %swap3A_352 = vector.shape_cast %swap3A_351 : vector<1x16xi32> to vector<16xi32>
    %swap3A_353 = vector.shape_cast %add3A_347 : vector<16xi32> to vector<1x16xi32>
    tpu.vector_store %arg4[%swap3A_349, %swap3A_350], %swap3A_353 {strides = array<i32>} : memref<16x128xi32, #tpu.memory_space<vmem>>, vector<1x16xi32>,
    %dma_start3A_354 = arith.constant 1 : i32
    %dma_start3A_355 = arith.constant 1 : i32
    %dma_start3A_356 = arith.constant 0 : i32
    %dma_start3A_357 = tpu.memref_slice %arg5[%dma_start3A_355, %dma_start3A_356] : memref<16x128xf32, #tpu.memory_space<vmem>> -> memref<1x128xf32, #tpu.memory_space<vmem>>
    %dma_start3A_358 = tpu.memref_squeeze %dma_start3A_357 : memref<1x128xf32, #tpu.memory_space<vmem>> -> memref<128xf32, #tpu.memory_space<vmem>>
    %dma_start3A_359 = arith.constant 0 : i32
    %dma_start3A_360 = tpu.memref_slice %arg4[%dma_start3A_354, %dma_start3A_359] : memref<16x128xi32, #tpu.memory_space<vmem>> -> memref<1x128xi32, #tpu.memory_space<vmem>>
    %dma_start3A_361 = tpu.memref_squeeze %dma_start3A_360 : memref<1x128xi32, #tpu.memory_space<vmem>> -> memref<128xi32, #tpu.memory_space<vmem>>
    %dma_start3A_362 = arith.constant 0 : i32
    %dma_start3A_363 = tpu.memref_slice %arg2[%dma_start3A_362] : memref<4259840xf32, #tpu.memory_space<hbm>> -> memref<4259840xf32, #tpu.memory_space<hbm>>
    tpu.enqueue_indirect_dma source(%dma_start3A_363 : memref<4259840xf32, #tpu.memory_space<hbm>>) target(%dma_start3A_358 : memref<128xf32, #tpu.memory_space<vmem>>) offsets(%dma_start3A_361 : memref<128xi32, #tpu.memory_space<vmem>>) semaphore(%arg6 : memref<!tpu.dma_semaphore, #tpu.memory_space<semaphore_mem>>)
    %mul3A_364 = arith.constant 16 : i32
    %mul3A_365 = arith.muli %add3A, %mul3A_364 : i32
    %add3A_366 = arith.constant 2 : i32
    %add3A_367 = arith.addi %mul3A_365, %add3A_366 : i32
    %jit3A_368 = arith.constant 64 : i32
    %div3A_369 = arith.divsi %add3A_367, %jit3A_368 : i32
    %sign3A_370 = arith.constant 0 : i32
    %sign3A_371 = arith.cmpi sgt, %add3A_367, %sign3A_370 : i32
    %sign3A_372 = arith.extui %sign3A_371 : i1 to i32
    %sign3A_373 = arith.constant 0 : i32
    %sign3A_374 = arith.cmpi slt, %add3A_367, %sign3A_373 : i32
    %sign3A_375 = arith.extui %sign3A_374 : i1 to i32
    %sign3A_376 = arith.subi %sign3A_372, %sign3A_375 : i32
    %sign3A_377 = arith.constant 0 : i32
    %sign3A_378 = arith.cmpi sgt, %jit3A_368, %sign3A_377 : i32
    %sign3A_379 = arith.extui %sign3A_378 : i1 to i32
    %sign3A_380 = arith.constant 0 : i32
    %sign3A_381 = arith.cmpi slt, %jit3A_368, %sign3A_380 : i32
    %sign3A_382 = arith.extui %sign3A_381 : i1 to i32
    %sign3A_383 = arith.subi %sign3A_379, %sign3A_382 : i32
    %ne3A_384 = arith.cmpi ne, %sign3A_376, %sign3A_383 : i32
    %rem3A_385 = arith.remsi %add3A_367, %jit3A_368 : i32
    %ne3A_386 = arith.constant 0 : i32
    %ne3A_387 = arith.cmpi ne, %rem3A_385, %ne3A_386 : i32
    %and3A_388 = arith.andi %ne3A_384, %ne3A_387 : i1
    %sub3A_389 = arith.constant 1 : i32
    %sub3A_390 = arith.subi %div3A_369, %sub3A_389 : i32
    %select_n3A_391 = arith.select %and3A_388, %sub3A_390, %div3A_369 : i32
    %jit3A_392 = arith.constant 64 : i32
    %eq3A_393 = arith.constant 0 : i32
    %eq3A_394 = arith.cmpi eq, %jit3A_392, %eq3A_393 : i32
    %jit3A_395 = arith.constant 1 : i32
    %select_n3A_396 = arith.select %eq3A_394, %jit3A_395, %jit3A_392 : i32
    %rem3A_397 = arith.remsi %add3A_367, %select_n3A_396 : i32
    %ne3A_398 = arith.constant 0 : i32
    %ne3A_399 = arith.cmpi ne, %rem3A_397, %ne3A_398 : i32
    %lt3A_400 = arith.constant 0 : i32
    %lt3A_401 = arith.cmpi slt, %rem3A_397, %lt3A_400 : i32
    %lt3A_402 = arith.constant 0 : i32
    %lt3A_403 = arith.cmpi slt, %select_n3A_396, %lt3A_402 : i32
    %ne3A_404 = arith.xori %lt3A_401, %lt3A_403 : i1
    %and3A_405 = arith.andi %ne3A_404, %ne3A_399 : i1
    %add3A_406 = arith.addi %rem3A_397, %select_n3A_396 : i32
    %select_n3A_407 = arith.select %and3A_405, %add3A_406, %rem3A_397 : i32
    %jit3A_408 = arith.constant 8 : i32
    %div3A_409 = arith.divsi %select_n3A_407, %jit3A_408 : i32
    %sign3A_410 = arith.constant 0 : i32
    %sign3A_411 = arith.cmpi sgt, %select_n3A_407, %sign3A_410 : i32
    %sign3A_412 = arith.extui %sign3A_411 : i1 to i32
    %sign3A_413 = arith.constant 0 : i32
    %sign3A_414 = arith.cmpi slt, %select_n3A_407, %sign3A_413 : i32
    %sign3A_415 = arith.extui %sign3A_414 : i1 to i32
    %sign3A_416 = arith.subi %sign3A_412, %sign3A_415 : i32
    %sign3A_417 = arith.constant 0 : i32
    %sign3A_418 = arith.cmpi sgt, %jit3A_408, %sign3A_417 : i32
    %sign3A_419 = arith.extui %sign3A_418 : i1 to i32
    %sign3A_420 = arith.constant 0 : i32
    %sign3A_421 = arith.cmpi slt, %jit3A_408, %sign3A_420 : i32
    %sign3A_422 = arith.extui %sign3A_421 : i1 to i32
    %sign3A_423 = arith.subi %sign3A_419, %sign3A_422 : i32
    %ne3A_424 = arith.cmpi ne, %sign3A_416, %sign3A_423 : i32
    %rem3A_425 = arith.remsi %select_n3A_407, %jit3A_408 : i32
    %ne3A_426 = arith.constant 0 : i32
    %ne3A_427 = arith.cmpi ne, %rem3A_425, %ne3A_426 : i32
    %and3A_428 = arith.andi %ne3A_424, %ne3A_427 : i1
    %sub3A_429 = arith.constant 1 : i32
    %sub3A_430 = arith.subi %div3A_409, %sub3A_429 : i32
    %select_n3A_431 = arith.select %and3A_428, %sub3A_430, %div3A_409 : i32
    %mul3A_432 = arith.constant 520 : i32
    %mul3A_433 = arith.muli %select_n3A_431, %mul3A_432 : i32
    %add3A_434 = arith.constant 8 : i32
    %add3A_435 = arith.addi %mul3A_433, %add3A_434 : i32
    %mul3A_436 = arith.constant 128 : i32
    %mul3A_437 = arith.muli %select_n3A_391, %mul3A_436 : i32
    %add3A_438 = arith.addi %add3A_435, %mul3A_437 : i32
    %mul3A_439 = arith.constant 1024 : i32
    %mul3A_440 = arith.muli %add3A_438, %mul3A_439 : i32
    %jit3A_441 = arith.constant 8 : i32
    %eq3A_442 = arith.constant 0 : i32
    %eq3A_443 = arith.cmpi eq, %jit3A_441, %eq3A_442 : i32
    %jit3A_444 = arith.constant 1 : i32
    %select_n3A_445 = arith.select %eq3A_443, %jit3A_444, %jit3A_441 : i32
    %rem3A_446 = arith.remsi %select_n3A_407, %select_n3A_445 : i32
    %ne3A_447 = arith.constant 0 : i32
    %ne3A_448 = arith.cmpi ne, %rem3A_446, %ne3A_447 : i32
    %lt3A_449 = arith.constant 0 : i32
    %lt3A_450 = arith.cmpi slt, %rem3A_446, %lt3A_449 : i32
    %lt3A_451 = arith.constant 0 : i32
    %lt3A_452 = arith.cmpi slt, %select_n3A_445, %lt3A_451 : i32
    %ne3A_453 = arith.xori %lt3A_450, %lt3A_452 : i1
    %and3A_454 = arith.andi %ne3A_453, %ne3A_448 : i1
    %add3A_455 = arith.addi %rem3A_446, %select_n3A_445 : i32
    %select_n3A_456 = arith.select %and3A_454, %add3A_455, %rem3A_446 : i32
    %mul3A_457 = arith.constant 128 : i32
    %mul3A_458 = arith.muli %select_n3A_456, %mul3A_457 : i32
    %add3A_459 = arith.addi %mul3A_440, %mul3A_458 : i32
    %add3A_460 = arith.constant 0 : i32
    %add3A_461 = arith.addi %add3A_459, %add3A_460 : i32
    %add3A_462 = vector.broadcast %add3A_461 : i32 to vector<16xi32>
    %add3A_463 = arith.addi %mul3A_3, %add3A_462 : vector<16xi32>
    %swap3A_464 = arith.constant 2 : i32
    %swap3A_465 = arith.index_cast %swap3A_464 : i32 to index
    %swap3A_466 = arith.constant 0 : index
    %swap3A_467 = tpu.vector_load %arg4[%swap3A_465, %swap3A_466] {strides = array<i32>} : memref<16x128xi32, #tpu.memory_space<vmem>>, vector<1x16xi32>,
    %swap3A_468 = vector.shape_cast %swap3A_467 : vector<1x16xi32> to vector<16xi32>
    %swap3A_469 = vector.shape_cast %add3A_463 : vector<16xi32> to vector<1x16xi32>
    tpu.vector_store %arg4[%swap3A_465, %swap3A_466], %swap3A_469 {strides = array<i32>} : memref<16x128xi32, #tpu.memory_space<vmem>>, vector<1x16xi32>,
    %add3A_470 = arith.constant 16384 : i32
    %add3A_471 = arith.addi %add3A_459, %add3A_470 : i32
    %add3A_472 = vector.broadcast %add3A_471 : i32 to vector<16xi32>
    %add3A_473 = arith.addi %mul3A_3, %add3A_472 : vector<16xi32>
    %swap3A_474 = arith.constant 2 : i32
    %swap3A_475 = arith.index_cast %swap3A_474 : i32 to index
    %swap3A_476 = arith.constant 16 : index
    %swap3A_477 = tpu.vector_load %arg4[%swap3A_475, %swap3A_476] {strides = array<i32>} : memref<16x128xi32, #tpu.memory_space<vmem>>, vector<1x16xi32>,
    %swap3A_478 = vector.shape_cast %swap3A_477 : vector<1x16xi32> to vector<16xi32>
    %swap3A_479 = vector.shape_cast %add3A_473 : vector<16xi32> to vector<1x16xi32>
    tpu.vector_store %arg4[%swap3A_475, %swap3A_476], %swap3A_479 {strides = array<i32>} : memref<16x128xi32, #tpu.memory_space<vmem>>, vector<1x16xi32>,
    %add3A_480 = arith.constant 32768 : i32
    %add3A_481 = arith.addi %add3A_459, %add3A_480 : i32
    %add3A_482 = vector.broadcast %add3A_481 : i32 to vector<16xi32>
    %add3A_483 = arith.addi %mul3A_3, %add3A_482 : vector<16xi32>
    %swap3A_484 = arith.constant 2 : i32
    %swap3A_485 = arith.index_cast %swap3A_484 : i32 to index
    %swap3A_486 = arith.constant 32 : index
    %swap3A_487 = tpu.vector_load %arg4[%swap3A_485, %swap3A_486] {strides = array<i32>} : memref<16x128xi32, #tpu.memory_space<vmem>>, vector<1x16xi32>,
    %swap3A_488 = vector.shape_cast %swap3A_487 : vector<1x16xi32> to vector<16xi32>
    %swap3A_489 = vector.shape_cast %add3A_483 : vector<16xi32> to vector<1x16xi32>
    tpu.vector_store %arg4[%swap3A_485, %swap3A_486], %swap3A_489 {strides = array<i32>} : memref<16x128xi32, #tpu.memory_space<vmem>>, vector<1x16xi32>,
    %add3A_490 = arith.constant 49152 : i32
    %add3A_491 = arith.addi %add3A_459, %add3A_490 : i32
    %add3A_492 = vector.broadcast %add3A_491 : i32 to vector<16xi32>
    %add3A_493 = arith.addi %mul3A_3, %add3A_492 : vector<16xi32>
    %swap3A_494 = arith.constant 2 : i32
    %swap3A_495 = arith.index_cast %swap3A_494 : i32 to index
    %swap3A_496 = arith.constant 48 : index
    %swap3A_497 = tpu.vector_load %arg4[%swap3A_495, %swap3A_496] {strides = array<i32>} : memref<16x128xi32, #tpu.memory_space<vmem>>, vector<1x16xi32>,
    %swap3A_498 = vector.shape_cast %swap3A_497 : vector<1x16xi32> to vector<16xi32>
    %swap3A_499 = vector.shape_cast %add3A_493 : vector<16xi32> to vector<1x16xi32>
    tpu.vector_store %arg4[%swap3A_495, %swap3A_496], %swap3A_499 {strides = array<i32>} : memref<16x128xi32, #tpu.memory_space<vmem>>, vector<1x16xi32>,
    %add3A_500 = arith.constant 65536 : i32
    %add3A_501 = arith.addi %add3A_459, %add3A_500 : i32
    %add3A_502 = vector.broadcast %add3A_501 : i32 to vector<16xi32>
    %add3A_503 = arith.addi %mul3A_3, %add3A_502 : vector<16xi32>
    %swap3A_504 = arith.constant 2 : i32
    %swap3A_505 = arith.index_cast %swap3A_504 : i32 to index
    %swap3A_506 = arith.constant 64 : index
    %swap3A_507 = tpu.vector_load %arg4[%swap3A_505, %swap3A_506] {strides = array<i32>} : memref<16x128xi32, #tpu.memory_space<vmem>>, vector<1x16xi32>,
    %swap3A_508 = vector.shape_cast %swap3A_507 : vector<1x16xi32> to vector<16xi32>
    %swap3A_509 = vector.shape_cast %add3A_503 : vector<16xi32> to vector<1x16xi32>
    tpu.vector_store %arg4[%swap3A_505, %swap3A_506], %swap3A_509 {strides = array<i32>} : memref<16x128xi32, #tpu.memory_space<vmem>>, vector<1x16xi32>,
    %add3A_510 = arith.constant 81920 : i32
    %add3A_511 = arith.addi %add3A_459, %add3A_510 : i32
    %add3A_512 = vector.broadcast %add3A_511 : i32 to vector<16xi32>
    %add3A_513 = arith.addi %mul3A_3, %add3A_512 : vector<16xi32>
    %swap3A_514 = arith.constant 2 : i32
    %swap3A_515 = arith.index_cast %swap3A_514 : i32 to index
    %swap3A_516 = arith.constant 80 : index
    %swap3A_517 = tpu.vector_load %arg4[%swap3A_515, %swap3A_516] {strides = array<i32>} : memref<16x128xi32, #tpu.memory_space<vmem>>, vector<1x16xi32>,
    %swap3A_518 = vector.shape_cast %swap3A_517 : vector<1x16xi32> to vector<16xi32>
    %swap3A_519 = vector.shape_cast %add3A_513 : vector<16xi32> to vector<1x16xi32>
    tpu.vector_store %arg4[%swap3A_515, %swap3A_516], %swap3A_519 {strides = array<i32>} : memref<16x128xi32, #tpu.memory_space<vmem>>, vector<1x16xi32>,
    %add3A_520 = arith.constant 98304 : i32
    %add3A_521 = arith.addi %add3A_459, %add3A_520 : i32
    %add3A_522 = vector.broadcast %add3A_521 : i32 to vector<16xi32>
    %add3A_523 = arith.addi %mul3A_3, %add3A_522 : vector<16xi32>
    %swap3A_524 = arith.constant 2 : i32
    %swap3A_525 = arith.index_cast %swap3A_524 : i32 to index
    %swap3A_526 = arith.constant 96 : index
    %swap3A_527 = tpu.vector_load %arg4[%swap3A_525, %swap3A_526] {strides = array<i32>} : memref<16x128xi32, #tpu.memory_space<vmem>>, vector<1x16xi32>,
    %swap3A_528 = vector.shape_cast %swap3A_527 : vector<1x16xi32> to vector<16xi32>
    %swap3A_529 = vector.shape_cast %add3A_523 : vector<16xi32> to vector<1x16xi32>
    tpu.vector_store %arg4[%swap3A_525, %swap3A_526], %swap3A_529 {strides = array<i32>} : memref<16x128xi32, #tpu.memory_space<vmem>>, vector<1x16xi32>,
    %add3A_530 = arith.constant 114688 : i32
    %add3A_531 = arith.addi %add3A_459, %add3A_530 : i32
    %add3A_532 = vector.broadcast %add3A_531 : i32 to vector<16xi32>
    %add3A_533 = arith.addi %mul3A_3, %add3A_532 : vector<16xi32>
    %swap3A_534 = arith.constant 2 : i32
    %swap3A_535 = arith.index_cast %swap3A_534 : i32 to index
    %swap3A_536 = arith.constant 112 : index
    %swap3A_537 = tpu.vector_load %arg4[%swap3A_535, %swap3A_536] {strides = array<i32>} : memref<16x128xi32, #tpu.memory_space<vmem>>, vector<1x16xi32>,
    %swap3A_538 = vector.shape_cast %swap3A_537 : vector<1x16xi32> to vector<16xi32>
    %swap3A_539 = vector.shape_cast %add3A_533 : vector<16xi32> to vector<1x16xi32>
    tpu.vector_store %arg4[%swap3A_535, %swap3A_536], %swap3A_539 {strides = array<i32>} : memref<16x128xi32, #tpu.memory_space<vmem>>, vector<1x16xi32>,
    %dma_start3A_540 = arith.constant 2 : i32
    %dma_start3A_541 = arith.constant 2 : i32
    %dma_start3A_542 = arith.constant 0 : i32
    %dma_start3A_543 = tpu.memref_slice %arg5[%dma_start3A_541, %dma_start3A_542] : memref<16x128xf32, #tpu.memory_space<vmem>> -> memref<1x128xf32, #tpu.memory_space<vmem>>
    %dma_start3A_544 = tpu.memref_squeeze %dma_start3A_543 : memref<1x128xf32, #tpu.memory_space<vmem>> -> memref<128xf32, #tpu.memory_space<vmem>>
    %dma_start3A_545 = arith.constant 0 : i32
    %dma_start3A_546 = tpu.memref_slice %arg4[%dma_start3A_540, %dma_start3A_545] : memref<16x128xi32, #tpu.memory_space<vmem>> -> memref<1x128xi32, #tpu.memory_space<vmem>>
    %dma_start3A_547 = tpu.memref_squeeze %dma_start3A_546 : memref<1x128xi32, #tpu.memory_space<vmem>> -> memref<128xi32, #tpu.memory_space<vmem>>
    %dma_start3A_548 = arith.constant 0 : i32
    %dma_start3A_549 = tpu.memref_slice %arg2[%dma_start3A_548] : memref<4259840xf32, #tpu.memory_space<hbm>> -> memref<4259840xf32, #tpu.memory_space<hbm>>
    tpu.enqueue_indirect_dma source(%dma_start3A_549 : memref<4259840xf32, #tpu.memory_space<hbm>>) target(%dma_start3A_544 : memref<128xf32, #tpu.memory_space<vmem>>) offsets(%dma_start3A_547 : memref<128xi32, #tpu.memory_space<vmem>>) semaphore(%arg6 : memref<!tpu.dma_semaphore, #tpu.memory_space<semaphore_mem>>)
    %mul3A_550 = arith.constant 16 : i32
    %mul3A_551 = arith.muli %add3A, %mul3A_550 : i32
    %add3A_552 = arith.constant 3 : i32
    %add3A_553 = arith.addi %mul3A_551, %add3A_552 : i32
    %jit3A_554 = arith.constant 64 : i32
    %div3A_555 = arith.divsi %add3A_553, %jit3A_554 : i32
    %sign3A_556 = arith.constant 0 : i32
    %sign3A_557 = arith.cmpi sgt, %add3A_553, %sign3A_556 : i32
    %sign3A_558 = arith.extui %sign3A_557 : i1 to i32
    %sign3A_559 = arith.constant 0 : i32
    %sign3A_560 = arith.cmpi slt, %add3A_553, %sign3A_559 : i32
    %sign3A_561 = arith.extui %sign3A_560 : i1 to i32
    %sign3A_562 = arith.subi %sign3A_558, %sign3A_561 : i32
    %sign3A_563 = arith.constant 0 : i32
    %sign3A_564 = arith.cmpi sgt, %jit3A_554, %sign3A_563 : i32
    %sign3A_565 = arith.extui %sign3A_564 : i1 to i32
    %sign3A_566 = arith.constant 0 : i32
    %sign3A_567 = arith.cmpi slt, %jit3A_554, %sign3A_566 : i32
    %sign3A_568 = arith.extui %sign3A_567 : i1 to i32
    %sign3A_569 = arith.subi %sign3A_565, %sign3A_568 : i32
    %ne3A_570 = arith.cmpi ne, %sign3A_562, %sign3A_569 : i32
    %rem3A_571 = arith.remsi %add3A_553, %jit3A_554 : i32
    %ne3A_572 = arith.constant 0 : i32
    %ne3A_573 = arith.cmpi ne, %rem3A_571, %ne3A_572 : i32
    %and3A_574 = arith.andi %ne3A_570, %ne3A_573 : i1
    %sub3A_575 = arith.constant 1 : i32
    %sub3A_576 = arith.subi %div3A_555, %sub3A_575 : i32
    %select_n3A_577 = arith.select %and3A_574, %sub3A_576, %div3A_555 : i32
    %jit3A_578 = arith.constant 64 : i32
    %eq3A_579 = arith.constant 0 : i32
    %eq3A_580 = arith.cmpi eq, %jit3A_578, %eq3A_579 : i32
    %jit3A_581 = arith.constant 1 : i32
    %select_n3A_582 = arith.select %eq3A_580, %jit3A_581, %jit3A_578 : i32
    %rem3A_583 = arith.remsi %add3A_553, %select_n3A_582 : i32
    %ne3A_584 = arith.constant 0 : i32
    %ne3A_585 = arith.cmpi ne, %rem3A_583, %ne3A_584 : i32
    %lt3A_586 = arith.constant 0 : i32
    %lt3A_587 = arith.cmpi slt, %rem3A_583, %lt3A_586 : i32
    %lt3A_588 = arith.constant 0 : i32
    %lt3A_589 = arith.cmpi slt, %select_n3A_582, %lt3A_588 : i32
    %ne3A_590 = arith.xori %lt3A_587, %lt3A_589 : i1
    %and3A_591 = arith.andi %ne3A_590, %ne3A_585 : i1
    %add3A_592 = arith.addi %rem3A_583, %select_n3A_582 : i32
    %select_n3A_593 = arith.select %and3A_591, %add3A_592, %rem3A_583 : i32
    %jit3A_594 = arith.constant 8 : i32
    %div3A_595 = arith.divsi %select_n3A_593, %jit3A_594 : i32
    %sign3A_596 = arith.constant 0 : i32
    %sign3A_597 = arith.cmpi sgt, %select_n3A_593, %sign3A_596 : i32
    %sign3A_598 = arith.extui %sign3A_597 : i1 to i32
    %sign3A_599 = arith.constant 0 : i32
    %sign3A_600 = arith.cmpi slt, %select_n3A_593, %sign3A_599 : i32
    %sign3A_601 = arith.extui %sign3A_600 : i1 to i32
    %sign3A_602 = arith.subi %sign3A_598, %sign3A_601 : i32
    %sign3A_603 = arith.constant 0 : i32
    %sign3A_604 = arith.cmpi sgt, %jit3A_594, %sign3A_603 : i32
    %sign3A_605 = arith.extui %sign3A_604 : i1 to i32
    %sign3A_606 = arith.constant 0 : i32
    %sign3A_607 = arith.cmpi slt, %jit3A_594, %sign3A_606 : i32
    %sign3A_608 = arith.extui %sign3A_607 : i1 to i32
    %sign3A_609 = arith.subi %sign3A_605, %sign3A_608 : i32
    %ne3A_610 = arith.cmpi ne, %sign3A_602, %sign3A_609 : i32
    %rem3A_611 = arith.remsi %select_n3A_593, %jit3A_594 : i32
    %ne3A_612 = arith.constant 0 : i32
    %ne3A_613 = arith.cmpi ne, %rem3A_611, %ne3A_612 : i32
    %and3A_614 = arith.andi %ne3A_610, %ne3A_613 : i1
    %sub3A_615 = arith.constant 1 : i32
    %sub3A_616 = arith.subi %div3A_595, %sub3A_615 : i32
    %select_n3A_617 = arith.select %and3A_614, %sub3A_616, %div3A_595 : i32
    %mul3A_618 = arith.constant 520 : i32
    %mul3A_619 = arith.muli %select_n3A_617, %mul3A_618 : i32
    %add3A_620 = arith.constant 8 : i32
    %add3A_621 = arith.addi %mul3A_619, %add3A_620 : i32
    %mul3A_622 = arith.constant 128 : i32
    %mul3A_623 = arith.muli %select_n3A_577, %mul3A_622 : i32
    %add3A_624 = arith.addi %add3A_621, %mul3A_623 : i32
    %mul3A_625 = arith.constant 1024 : i32
    %mul3A_626 = arith.muli %add3A_624, %mul3A_625 : i32
    %jit3A_627 = arith.constant 8 : i32
    %eq3A_628 = arith.constant 0 : i32
    %eq3A_629 = arith.cmpi eq, %jit3A_627, %eq3A_628 : i32
    %jit3A_630 = arith.constant 1 : i32
    %select_n3A_631 = arith.select %eq3A_629, %jit3A_630, %jit3A_627 : i32
    %rem3A_632 = arith.remsi %select_n3A_593, %select_n3A_631 : i32
    %ne3A_633 = arith.constant 0 : i32
    %ne3A_634 = arith.cmpi ne, %rem3A_632, %ne3A_633 : i32
    %lt3A_635 = arith.constant 0 : i32
    %lt3A_636 = arith.cmpi slt, %rem3A_632, %lt3A_635 : i32
    %lt3A_637 = arith.constant 0 : i32
    %lt3A_638 = arith.cmpi slt, %select_n3A_631, %lt3A_637 : i32
    %ne3A_639 = arith.xori %lt3A_636, %lt3A_638 : i1
    %and3A_640 = arith.andi %ne3A_639, %ne3A_634 : i1
    %add3A_641 = arith.addi %rem3A_632, %select_n3A_631 : i32
    %select_n3A_642 = arith.select %and3A_640, %add3A_641, %rem3A_632 : i32
    %mul3A_643 = arith.constant 128 : i32
    %mul3A_644 = arith.muli %select_n3A_642, %mul3A_643 : i32
    %add3A_645 = arith.addi %mul3A_626, %mul3A_644 : i32
    %add3A_646 = arith.constant 0 : i32
    %add3A_647 = arith.addi %add3A_645, %add3A_646 : i32
    %add3A_648 = vector.broadcast %add3A_647 : i32 to vector<16xi32>
    %add3A_649 = arith.addi %mul3A_3, %add3A_648 : vector<16xi32>
    %swap3A_650 = arith.constant 3 : i32
    %swap3A_651 = arith.index_cast %swap3A_650 : i32 to index
    %swap3A_652 = arith.constant 0 : index
    %swap3A_653 = tpu.vector_load %arg4[%swap3A_651, %swap3A_652] {strides = array<i32>} : memref<16x128xi32, #tpu.memory_space<vmem>>, vector<1x16xi32>,
    %swap3A_654 = vector.shape_cast %swap3A_653 : vector<1x16xi32> to vector<16xi32>
    %swap3A_655 = vector.shape_cast %add3A_649 : vector<16xi32> to vector<1x16xi32>
    tpu.vector_store %arg4[%swap3A_651, %swap3A_652], %swap3A_655 {strides = array<i32>} : memref<16x128xi32, #tpu.memory_space<vmem>>, vector<1x16xi32>,
    %add3A_656 = arith.constant 16384 : i32
    %add3A_657 = arith.addi %add3A_645, %add3A_656 : i32
    %add3A_658 = vector.broadcast %add3A_657 : i32 to vector<16xi32>
    %add3A_659 = arith.addi %mul3A_3, %add3A_658 : vector<16xi32>
    %swap3A_660 = arith.constant 3 : i32
    %swap3A_661 = arith.index_cast %swap3A_660 : i32 to index
    %swap3A_662 = arith.constant 16 : index
    %swap3A_663 = tpu.vector_load %arg4[%swap3A_661, %swap3A_662] {strides = array<i32>} : memref<16x128xi32, #tpu.memory_space<vmem>>, vector<1x16xi32>,
    %swap3A_664 = vector.shape_cast %swap3A_663 : vector<1x16xi32> to vector<16xi32>
    %swap3A_665 = vector.shape_cast %add3A_659 : vector<16xi32> to vector<1x16xi32>
    tpu.vector_store %arg4[%swap3A_661, %swap3A_662], %swap3A_665 {strides = array<i32>} : memref<16x128xi32, #tpu.memory_space<vmem>>, vector<1x16xi32>,
    %add3A_666 = arith.constant 32768 : i32
    %add3A_667 = arith.addi %add3A_645, %add3A_666 : i32
    %add3A_668 = vector.broadcast %add3A_667 : i32 to vector<16xi32>
    %add3A_669 = arith.addi %mul3A_3, %add3A_668 : vector<16xi32>
    %swap3A_670 = arith.constant 3 : i32
    %swap3A_671 = arith.index_cast %swap3A_670 : i32 to index
    %swap3A_672 = arith.constant 32 : index
    %swap3A_673 = tpu.vector_load %arg4[%swap3A_671, %swap3A_672] {strides = array<i32>} : memref<16x128xi32, #tpu.memory_space<vmem>>, vector<1x16xi32>,
    %swap3A_674 = vector.shape_cast %swap3A_673 : vector<1x16xi32> to vector<16xi32>
    %swap3A_675 = vector.shape_cast %add3A_669 : vector<16xi32> to vector<1x16xi32>
    tpu.vector_store %arg4[%swap3A_671, %swap3A_672], %swap3A_675 {strides = array<i32>} : memref<16x128xi32, #tpu.memory_space<vmem>>, vector<1x16xi32>,
    %add3A_676 = arith.constant 49152 : i32
    %add3A_677 = arith.addi %add3A_645, %add3A_676 : i32
    %add3A_678 = vector.broadcast %add3A_677 : i32 to vector<16xi32>
    %add3A_679 = arith.addi %mul3A_3, %add3A_678 : vector<16xi32>
    %swap3A_680 = arith.constant 3 : i32
    %swap3A_681 = arith.index_cast %swap3A_680 : i32 to index
    %swap3A_682 = arith.constant 48 : index
    %swap3A_683 = tpu.vector_load %arg4[%swap3A_681, %swap3A_682] {strides = array<i32>} : memref<16x128xi32, #tpu.memory_space<vmem>>, vector<1x16xi32>,
    %swap3A_684 = vector.shape_cast %swap3A_683 : vector<1x16xi32> to vector<16xi32>
    %swap3A_685 = vector.shape_cast %add3A_679 : vector<16xi32> to vector<1x16xi32>
    tpu.vector_store %arg4[%swap3A_681, %swap3A_682], %swap3A_685 {strides = array<i32>} : memref<16x128xi32, #tpu.memory_space<vmem>>, vector<1x16xi32>,
    %add3A_686 = arith.constant 65536 : i32
    %add3A_687 = arith.addi %add3A_645, %add3A_686 : i32
    %add3A_688 = vector.broadcast %add3A_687 : i32 to vector<16xi32>
    %add3A_689 = arith.addi %mul3A_3, %add3A_688 : vector<16xi32>
    %swap3A_690 = arith.constant 3 : i32
    %swap3A_691 = arith.index_cast %swap3A_690 : i32 to index
    %swap3A_692 = arith.constant 64 : index
    %swap3A_693 = tpu.vector_load %arg4[%swap3A_691, %swap3A_692] {strides = array<i32>} : memref<16x128xi32, #tpu.memory_space<vmem>>, vector<1x16xi32>,
    %swap3A_694 = vector.shape_cast %swap3A_693 : vector<1x16xi32> to vector<16xi32>
    %swap3A_695 = vector.shape_cast %add3A_689 : vector<16xi32> to vector<1x16xi32>
    tpu.vector_store %arg4[%swap3A_691, %swap3A_692], %swap3A_695 {strides = array<i32>} : memref<16x128xi32, #tpu.memory_space<vmem>>, vector<1x16xi32>,
    %add3A_696 = arith.constant 81920 : i32
    %add3A_697 = arith.addi %add3A_645, %add3A_696 : i32
    %add3A_698 = vector.broadcast %add3A_697 : i32 to vector<16xi32>
    %add3A_699 = arith.addi %mul3A_3, %add3A_698 : vector<16xi32>
    %swap3A_700 = arith.constant 3 : i32
    %swap3A_701 = arith.index_cast %swap3A_700 : i32 to index
    %swap3A_702 = arith.constant 80 : index
    %swap3A_703 = tpu.vector_load %arg4[%swap3A_701, %swap3A_702] {strides = array<i32>} : memref<16x128xi32, #tpu.memory_space<vmem>>, vector<1x16xi32>,
    %swap3A_704 = vector.shape_cast %swap3A_703 : vector<1x16xi32> to vector<16xi32>
    %swap3A_705 = vector.shape_cast %add3A_699 : vector<16xi32> to vector<1x16xi32>
    tpu.vector_store %arg4[%swap3A_701, %swap3A_702], %swap3A_705 {strides = array<i32>} : memref<16x128xi32, #tpu.memory_space<vmem>>, vector<1x16xi32>,
    %add3A_706 = arith.constant 98304 : i32
    %add3A_707 = arith.addi %add3A_645, %add3A_706 : i32
    %add3A_708 = vector.broadcast %add3A_707 : i32 to vector<16xi32>
    %add3A_709 = arith.addi %mul3A_3, %add3A_708 : vector<16xi32>
    %swap3A_710 = arith.constant 3 : i32
    %swap3A_711 = arith.index_cast %swap3A_710 : i32 to index
    %swap3A_712 = arith.constant 96 : index
    %swap3A_713 = tpu.vector_load %arg4[%swap3A_711, %swap3A_712] {strides = array<i32>} : memref<16x128xi32, #tpu.memory_space<vmem>>, vector<1x16xi32>,
    %swap3A_714 = vector.shape_cast %swap3A_713 : vector<1x16xi32> to vector<16xi32>
    %swap3A_715 = vector.shape_cast %add3A_709 : vector<16xi32> to vector<1x16xi32>
    tpu.vector_store %arg4[%swap3A_711, %swap3A_712], %swap3A_715 {strides = array<i32>} : memref<16x128xi32, #tpu.memory_space<vmem>>, vector<1x16xi32>,
    %add3A_716 = arith.constant 114688 : i32
    %add3A_717 = arith.addi %add3A_645, %add3A_716 : i32
    %add3A_718 = vector.broadcast %add3A_717 : i32 to vector<16xi32>
    %add3A_719 = arith.addi %mul3A_3, %add3A_718 : vector<16xi32>
    %swap3A_720 = arith.constant 3 : i32
    %swap3A_721 = arith.index_cast %swap3A_720 : i32 to index
    %swap3A_722 = arith.constant 112 : index
    %swap3A_723 = tpu.vector_load %arg4[%swap3A_721, %swap3A_722] {strides = array<i32>} : memref<16x128xi32, #tpu.memory_space<vmem>>, vector<1x16xi32>,
    %swap3A_724 = vector.shape_cast %swap3A_723 : vector<1x16xi32> to vector<16xi32>
    %swap3A_725 = vector.shape_cast %add3A_719 : vector<16xi32> to vector<1x16xi32>
    tpu.vector_store %arg4[%swap3A_721, %swap3A_722], %swap3A_725 {strides = array<i32>} : memref<16x128xi32, #tpu.memory_space<vmem>>, vector<1x16xi32>,
    %dma_start3A_726 = arith.constant 3 : i32
    %dma_start3A_727 = arith.constant 3 : i32
    %dma_start3A_728 = arith.constant 0 : i32
    %dma_start3A_729 = tpu.memref_slice %arg5[%dma_start3A_727, %dma_start3A_728] : memref<16x128xf32, #tpu.memory_space<vmem>> -> memref<1x128xf32, #tpu.memory_space<vmem>>
    %dma_start3A_730 = tpu.memref_squeeze %dma_start3A_729 : memref<1x128xf32, #tpu.memory_space<vmem>> -> memref<128xf32, #tpu.memory_space<vmem>>
    %dma_start3A_731 = arith.constant 0 : i32
    %dma_start3A_732 = tpu.memref_slice %arg4[%dma_start3A_726, %dma_start3A_731] : memref<16x128xi32, #tpu.memory_space<vmem>> -> memref<1x128xi32, #tpu.memory_space<vmem>>
    %dma_start3A_733 = tpu.memref_squeeze %dma_start3A_732 : memref<1x128xi32, #tpu.memory_space<vmem>> -> memref<128xi32, #tpu.memory_space<vmem>>
    %dma_start3A_734 = arith.constant 0 : i32
    %dma_start3A_735 = tpu.memref_slice %arg2[%dma_start3A_734] : memref<4259840xf32, #tpu.memory_space<hbm>> -> memref<4259840xf32, #tpu.memory_space<hbm>>
    tpu.enqueue_indirect_dma source(%dma_start3A_735 : memref<4259840xf32, #tpu.memory_space<hbm>>) target(%dma_start3A_730 : memref<128xf32, #tpu.memory_space<vmem>>) offsets(%dma_start3A_733 : memref<128xi32, #tpu.memory_space<vmem>>) semaphore(%arg6 : memref<!tpu.dma_semaphore, #tpu.memory_space<semaphore_mem>>)
    %mul3A_736 = arith.constant 16 : i32
    %mul3A_737 = arith.muli %add3A, %mul3A_736 : i32
    %add3A_738 = arith.constant 4 : i32
    %add3A_739 = arith.addi %mul3A_737, %add3A_738 : i32
    %jit3A_740 = arith.constant 64 : i32
    %div3A_741 = arith.divsi %add3A_739, %jit3A_740 : i32
    %sign3A_742 = arith.constant 0 : i32
    %sign3A_743 = arith.cmpi sgt, %add3A_739, %sign3A_742 : i32
    %sign3A_744 = arith.extui %sign3A_743 : i1 to i32
    %sign3A_745 = arith.constant 0 : i32
    %sign3A_746 = arith.cmpi slt, %add3A_739, %sign3A_745 : i32
    %sign3A_747 = arith.extui %sign3A_746 : i1 to i32
    %sign3A_748 = arith.subi %sign3A_744, %sign3A_747 : i32
    %sign3A_749 = arith.constant 0 : i32
    %sign3A_750 = arith.cmpi sgt, %jit3A_740, %sign3A_749 : i32
    %sign3A_751 = arith.extui %sign3A_750 : i1 to i32
    %sign3A_752 = arith.constant 0 : i32
    %sign3A_753 = arith.cmpi slt, %jit3A_740, %sign3A_752 : i32
    %sign3A_754 = arith.extui %sign3A_753 : i1 to i32
    %sign3A_755 = arith.subi %sign3A_751, %sign3A_754 : i32
    %ne3A_756 = arith.cmpi ne, %sign3A_748, %sign3A_755 : i32
    %rem3A_757 = arith.remsi %add3A_739, %jit3A_740 : i32
    %ne3A_758 = arith.constant 0 : i32
    %ne3A_759 = arith.cmpi ne, %rem3A_757, %ne3A_758 : i32
    %and3A_760 = arith.andi %ne3A_756, %ne3A_759 : i1
    %sub3A_761 = arith.constant 1 : i32
    %sub3A_762 = arith.subi %div3A_741, %sub3A_761 : i32
    %select_n3A_763 = arith.select %and3A_760, %sub3A_762, %div3A_741 : i32
    %jit3A_764 = arith.constant 64 : i32
    %eq3A_765 = arith.constant 0 : i32
    %eq3A_766 = arith.cmpi eq, %jit3A_764, %eq3A_765 : i32
    %jit3A_767 = arith.constant 1 : i32
    %select_n3A_768 = arith.select %eq3A_766, %jit3A_767, %jit3A_764 : i32
    %rem3A_769 = arith.remsi %add3A_739, %select_n3A_768 : i32
    %ne3A_770 = arith.constant 0 : i32
    %ne3A_771 = arith.cmpi ne, %rem3A_769, %ne3A_770 : i32
    %lt3A_772 = arith.constant 0 : i32
    %lt3A_773 = arith.cmpi slt, %rem3A_769, %lt3A_772 : i32
    %lt3A_774 = arith.constant 0 : i32
    %lt3A_775 = arith.cmpi slt, %select_n3A_768, %lt3A_774 : i32
    %ne3A_776 = arith.xori %lt3A_773, %lt3A_775 : i1
    %and3A_777 = arith.andi %ne3A_776, %ne3A_771 : i1
    %add3A_778 = arith.addi %rem3A_769, %select_n3A_768 : i32
    %select_n3A_779 = arith.select %and3A_777, %add3A_778, %rem3A_769 : i32
    %jit3A_780 = arith.constant 8 : i32
    %div3A_781 = arith.divsi %select_n3A_779, %jit3A_780 : i32
    %sign3A_782 = arith.constant 0 : i32
    %sign3A_783 = arith.cmpi sgt, %select_n3A_779, %sign3A_782 : i32
    %sign3A_784 = arith.extui %sign3A_783 : i1 to i32
    %sign3A_785 = arith.constant 0 : i32
    %sign3A_786 = arith.cmpi slt, %select_n3A_779, %sign3A_785 : i32
    %sign3A_787 = arith.extui %sign3A_786 : i1 to i32
    %sign3A_788 = arith.subi %sign3A_784, %sign3A_787 : i32
    %sign3A_789 = arith.constant 0 : i32
    %sign3A_790 = arith.cmpi sgt, %jit3A_780, %sign3A_789 : i32
    %sign3A_791 = arith.extui %sign3A_790 : i1 to i32
    %sign3A_792 = arith.constant 0 : i32
    %sign3A_793 = arith.cmpi slt, %jit3A_780, %sign3A_792 : i32
    %sign3A_794 = arith.extui %sign3A_793 : i1 to i32
    %sign3A_795 = arith.subi %sign3A_791, %sign3A_794 : i32
    %ne3A_796 = arith.cmpi ne, %sign3A_788, %sign3A_795 : i32
    %rem3A_797 = arith.remsi %select_n3A_779, %jit3A_780 : i32
    %ne3A_798 = arith.constant 0 : i32
    %ne3A_799 = arith.cmpi ne, %rem3A_797, %ne3A_798 : i32
    %and3A_800 = arith.andi %ne3A_796, %ne3A_799 : i1
    %sub3A_801 = arith.constant 1 : i32
    %sub3A_802 = arith.subi %div3A_781, %sub3A_801 : i32
    %select_n3A_803 = arith.select %and3A_800, %sub3A_802, %div3A_781 : i32
    %mul3A_804 = arith.constant 520 : i32
    %mul3A_805 = arith.muli %select_n3A_803, %mul3A_804 : i32
    %add3A_806 = arith.constant 8 : i32
    %add3A_807 = arith.addi %mul3A_805, %add3A_806 : i32
    %mul3A_808 = arith.constant 128 : i32
    %mul3A_809 = arith.muli %select_n3A_763, %mul3A_808 : i32
    %add3A_810 = arith.addi %add3A_807, %mul3A_809 : i32
    %mul3A_811 = arith.constant 1024 : i32
    %mul3A_812 = arith.muli %add3A_810, %mul3A_811 : i32
    %jit3A_813 = arith.constant 8 : i32
    %eq3A_814 = arith.constant 0 : i32
    %eq3A_815 = arith.cmpi eq, %jit3A_813, %eq3A_814 : i32
    %jit3A_816 = arith.constant 1 : i32
    %select_n3A_817 = arith.select %eq3A_815, %jit3A_816, %jit3A_813 : i32
    %rem3A_818 = arith.remsi %select_n3A_779, %select_n3A_817 : i32
    %ne3A_819 = arith.constant 0 : i32
    %ne3A_820 = arith.cmpi ne, %rem3A_818, %ne3A_819 : i32
    %lt3A_821 = arith.constant 0 : i32
    %lt3A_822 = arith.cmpi slt, %rem3A_818, %lt3A_821 : i32
    %lt3A_823 = arith.constant 0 : i32
    %lt3A_824 = arith.cmpi slt, %select_n3A_817, %lt3A_823 : i32
    %ne3A_825 = arith.xori %lt3A_822, %lt3A_824 : i1
    %and3A_826 = arith.andi %ne3A_825, %ne3A_820 : i1
    %add3A_827 = arith.addi %rem3A_818, %select_n3A_817 : i32
    %select_n3A_828 = arith.select %and3A_826, %add3A_827, %rem3A_818 : i32
    %mul3A_829 = arith.constant 128 : i32
    %mul3A_830 = arith.muli %select_n3A_828, %mul3A_829 : i32
    %add3A_831 = arith.addi %mul3A_812, %mul3A_830 : i32
    %add3A_832 = arith.constant 0 : i32
    %add3A_833 = arith.addi %add3A_831, %add3A_832 : i32
    %add3A_834 = vector.broadcast %add3A_833 : i32 to vector<16xi32>
    %add3A_835 = arith.addi %mul3A_3, %add3A_834 : vector<16xi32>
    %swap3A_836 = arith.constant 4 : i32
    %swap3A_837 = arith.index_cast %swap3A_836 : i32 to index
    %swap3A_838 = arith.constant 0 : index
    %swap3A_839 = tpu.vector_load %arg4[%swap3A_837, %swap3A_838] {strides = array<i32>} : memref<16x128xi32, #tpu.memory_space<vmem>>, vector<1x16xi32>,
    %swap3A_840 = vector.shape_cast %swap3A_839 : vector<1x16xi32> to vector<16xi32>
    %swap3A_841 = vector.shape_cast %add3A_835 : vector<16xi32> to vector<1x16xi32>
    tpu.vector_store %arg4[%swap3A_837, %swap3A_838], %swap3A_841 {strides = array<i32>} : memref<16x128xi32, #tpu.memory_space<vmem>>, vector<1x16xi32>,
    %add3A_842 = arith.constant 16384 : i32
    %add3A_843 = arith.addi %add3A_831, %add3A_842 : i32
    %add3A_844 = vector.broadcast %add3A_843 : i32 to vector<16xi32>
    %add3A_845 = arith.addi %mul3A_3, %add3A_844 : vector<16xi32>
    %swap3A_846 = arith.constant 4 : i32
    %swap3A_847 = arith.index_cast %swap3A_846 : i32 to index
    %swap3A_848 = arith.constant 16 : index
    %swap3A_849 = tpu.vector_load %arg4[%swap3A_847, %swap3A_848] {strides = array<i32>} : memref<16x128xi32, #tpu.memory_space<vmem>>, vector<1x16xi32>,
    %swap3A_850 = vector.shape_cast %swap3A_849 : vector<1x16xi32> to vector<16xi32>
    %swap3A_851 = vector.shape_cast %add3A_845 : vector<16xi32> to vector<1x16xi32>
    tpu.vector_store %arg4[%swap3A_847, %swap3A_848], %swap3A_851 {strides = array<i32>} : memref<16x128xi32, #tpu.memory_space<vmem>>, vector<1x16xi32>,
    %add3A_852 = arith.constant 32768 : i32
    %add3A_853 = arith.addi %add3A_831, %add3A_852 : i32
    %add3A_854 = vector.broadcast %add3A_853 : i32 to vector<16xi32>
    %add3A_855 = arith.addi %mul3A_3, %add3A_854 : vector<16xi32>
    %swap3A_856 = arith.constant 4 : i32
    %swap3A_857 = arith.index_cast %swap3A_856 : i32 to index
    %swap3A_858 = arith.constant 32 : index
    %swap3A_859 = tpu.vector_load %arg4[%swap3A_857, %swap3A_858] {strides = array<i32>} : memref<16x128xi32, #tpu.memory_space<vmem>>, vector<1x16xi32>,
    %swap3A_860 = vector.shape_cast %swap3A_859 : vector<1x16xi32> to vector<16xi32>
    %swap3A_861 = vector.shape_cast %add3A_855 : vector<16xi32> to vector<1x16xi32>
    tpu.vector_store %arg4[%swap3A_857, %swap3A_858], %swap3A_861 {strides = array<i32>} : memref<16x128xi32, #tpu.memory_space<vmem>>, vector<1x16xi32>,
    %add3A_862 = arith.constant 49152 : i32
    %add3A_863 = arith.addi %add3A_831, %add3A_862 : i32
    %add3A_864 = vector.broadcast %add3A_863 : i32 to vector<16xi32>
    %add3A_865 = arith.addi %mul3A_3, %add3A_864 : vector<16xi32>
    %swap3A_866 = arith.constant 4 : i32
    %swap3A_867 = arith.index_cast %swap3A_866 : i32 to index
    %swap3A_868 = arith.constant 48 : index
    %swap3A_869 = tpu.vector_load %arg4[%swap3A_867, %swap3A_868] {strides = array<i32>} : memref<16x128xi32, #tpu.memory_space<vmem>>, vector<1x16xi32>,
    %swap3A_870 = vector.shape_cast %swap3A_869 : vector<1x16xi32> to vector<16xi32>
    %swap3A_871 = vector.shape_cast %add3A_865 : vector<16xi32> to vector<1x16xi32>
    tpu.vector_store %arg4[%swap3A_867, %swap3A_868], %swap3A_871 {strides = array<i32>} : memref<16x128xi32, #tpu.memory_space<vmem>>, vector<1x16xi32>,
    %add3A_872 = arith.constant 65536 : i32
    %add3A_873 = arith.addi %add3A_831, %add3A_872 : i32
    %add3A_874 = vector.broadcast %add3A_873 : i32 to vector<16xi32>
    %add3A_875 = arith.addi %mul3A_3, %add3A_874 : vector<16xi32>
    %swap3A_876 = arith.constant 4 : i32
    %swap3A_877 = arith.index_cast %swap3A_876 : i32 to index
    %swap3A_878 = arith.constant 64 : index
    %swap3A_879 = tpu.vector_load %arg4[%swap3A_877, %swap3A_878] {strides = array<i32>} : memref<16x128xi32, #tpu.memory_space<vmem>>, vector<1x16xi32>,
    %swap3A_880 = vector.shape_cast %swap3A_879 : vector<1x16xi32> to vector<16xi32>
    %swap3A_881 = vector.shape_cast %add3A_875 : vector<16xi32> to vector<1x16xi32>
    tpu.vector_store %arg4[%swap3A_877, %swap3A_878], %swap3A_881 {strides = array<i32>} : memref<16x128xi32, #tpu.memory_space<vmem>>, vector<1x16xi32>,
    %add3A_882 = arith.constant 81920 : i32
    %add3A_883 = arith.addi %add3A_831, %add3A_882 : i32
    %add3A_884 = vector.broadcast %add3A_883 : i32 to vector<16xi32>
    %add3A_885 = arith.addi %mul3A_3, %add3A_884 : vector<16xi32>
    %swap3A_886 = arith.constant 4 : i32
    %swap3A_887 = arith.index_cast %swap3A_886 : i32 to index
    %swap3A_888 = arith.constant 80 : index
    %swap3A_889 = tpu.vector_load %arg4[%swap3A_887, %swap3A_888] {strides = array<i32>} : memref<16x128xi32, #tpu.memory_space<vmem>>, vector<1x16xi32>,
    %swap3A_890 = vector.shape_cast %swap3A_889 : vector<1x16xi32> to vector<16xi32>
    %swap3A_891 = vector.shape_cast %add3A_885 : vector<16xi32> to vector<1x16xi32>
    tpu.vector_store %arg4[%swap3A_887, %swap3A_888], %swap3A_891 {strides = array<i32>} : memref<16x128xi32, #tpu.memory_space<vmem>>, vector<1x16xi32>,
    %add3A_892 = arith.constant 98304 : i32
    %add3A_893 = arith.addi %add3A_831, %add3A_892 : i32
    %add3A_894 = vector.broadcast %add3A_893 : i32 to vector<16xi32>
    %add3A_895 = arith.addi %mul3A_3, %add3A_894 : vector<16xi32>
    %swap3A_896 = arith.constant 4 : i32
    %swap3A_897 = arith.index_cast %swap3A_896 : i32 to index
    %swap3A_898 = arith.constant 96 : index
    %swap3A_899 = tpu.vector_load %arg4[%swap3A_897, %swap3A_898] {strides = array<i32>} : memref<16x128xi32, #tpu.memory_space<vmem>>, vector<1x16xi32>,
    %swap3A_900 = vector.shape_cast %swap3A_899 : vector<1x16xi32> to vector<16xi32>
    %swap3A_901 = vector.shape_cast %add3A_895 : vector<16xi32> to vector<1x16xi32>
    tpu.vector_store %arg4[%swap3A_897, %swap3A_898], %swap3A_901 {strides = array<i32>} : memref<16x128xi32, #tpu.memory_space<vmem>>, vector<1x16xi32>,
    %add3A_902 = arith.constant 114688 : i32
    %add3A_903 = arith.addi %add3A_831, %add3A_902 : i32
    %add3A_904 = vector.broadcast %add3A_903 : i32 to vector<16xi32>
    %add3A_905 = arith.addi %mul3A_3, %add3A_904 : vector<16xi32>
    %swap3A_906 = arith.constant 4 : i32
    %swap3A_907 = arith.index_cast %swap3A_906 : i32 to index
    %swap3A_908 = arith.constant 112 : index
    %swap3A_909 = tpu.vector_load %arg4[%swap3A_907, %swap3A_908] {strides = array<i32>} : memref<16x128xi32, #tpu.memory_space<vmem>>, vector<1x16xi32>,
    %swap3A_910 = vector.shape_cast %swap3A_909 : vector<1x16xi32> to vector<16xi32>
    %swap3A_911 = vector.shape_cast %add3A_905 : vector<16xi32> to vector<1x16xi32>
    tpu.vector_store %arg4[%swap3A_907, %swap3A_908], %swap3A_911 {strides = array<i32>} : memref<16x128xi32, #tpu.memory_space<vmem>>, vector<1x16xi32>,
    %dma_start3A_912 = arith.constant 4 : i32
    %dma_start3A_913 = arith.constant 4 : i32
    %dma_start3A_914 = arith.constant 0 : i32
    %dma_start3A_915 = tpu.memref_slice %arg5[%dma_start3A_913, %dma_start3A_914] : memref<16x128xf32, #tpu.memory_space<vmem>> -> memref<1x128xf32, #tpu.memory_space<vmem>>
    %dma_start3A_916 = tpu.memref_squeeze %dma_start3A_915 : memref<1x128xf32, #tpu.memory_space<vmem>> -> memref<128xf32, #tpu.memory_space<vmem>>
    %dma_start3A_917 = arith.constant 0 : i32
    %dma_start3A_918 = tpu.memref_slice %arg4[%dma_start3A_912, %dma_start3A_917] : memref<16x128xi32, #tpu.memory_space<vmem>> -> memref<1x128xi32, #tpu.memory_space<vmem>>
    %dma_start3A_919 = tpu.memref_squeeze %dma_start3A_918 : memref<1x128xi32, #tpu.memory_space<vmem>> -> memref<128xi32, #tpu.memory_space<vmem>>
    %dma_start3A_920 = arith.constant 0 : i32
    %dma_start3A_921 = tpu.memref_slice %arg2[%dma_start3A_920] : memref<4259840xf32, #tpu.memory_space<hbm>> -> memref<4259840xf32, #tpu.memory_space<hbm>>
    tpu.enqueue_indirect_dma source(%dma_start3A_921 : memref<4259840xf32, #tpu.memory_space<hbm>>) target(%dma_start3A_916 : memref<128xf32, #tpu.memory_space<vmem>>) offsets(%dma_start3A_919 : memref<128xi32, #tpu.memory_space<vmem>>) semaphore(%arg6 : memref<!tpu.dma_semaphore, #tpu.memory_space<semaphore_mem>>)
    %mul3A_922 = arith.constant 16 : i32
    %mul3A_923 = arith.muli %add3A, %mul3A_922 : i32
    %add3A_924 = arith.constant 5 : i32
    %add3A_925 = arith.addi %mul3A_923, %add3A_924 : i32
    %jit3A_926 = arith.constant 64 : i32
    %div3A_927 = arith.divsi %add3A_925, %jit3A_926 : i32
    %sign3A_928 = arith.constant 0 : i32
    %sign3A_929 = arith.cmpi sgt, %add3A_925, %sign3A_928 : i32
    %sign3A_930 = arith.extui %sign3A_929 : i1 to i32
    %sign3A_931 = arith.constant 0 : i32
    %sign3A_932 = arith.cmpi slt, %add3A_925, %sign3A_931 : i32
    %sign3A_933 = arith.extui %sign3A_932 : i1 to i32
    %sign3A_934 = arith.subi %sign3A_930, %sign3A_933 : i32
    %sign3A_935 = arith.constant 0 : i32
    %sign3A_936 = arith.cmpi sgt, %jit3A_926, %sign3A_935 : i32
    %sign3A_937 = arith.extui %sign3A_936 : i1 to i32
    %sign3A_938 = arith.constant 0 : i32
    %sign3A_939 = arith.cmpi slt, %jit3A_926, %sign3A_938 : i32
    %sign3A_940 = arith.extui %sign3A_939 : i1 to i32
    %sign3A_941 = arith.subi %sign3A_937, %sign3A_940 : i32
    %ne3A_942 = arith.cmpi ne, %sign3A_934, %sign3A_941 : i32
    %rem3A_943 = arith.remsi %add3A_925, %jit3A_926 : i32
    %ne3A_944 = arith.constant 0 : i32
    %ne3A_945 = arith.cmpi ne, %rem3A_943, %ne3A_944 : i32
    %and3A_946 = arith.andi %ne3A_942, %ne3A_945 : i1
    %sub3A_947 = arith.constant 1 : i32
    %sub3A_948 = arith.subi %div3A_927, %sub3A_947 : i32
    %select_n3A_949 = arith.select %and3A_946, %sub3A_948, %div3A_927 : i32
    %jit3A_950 = arith.constant 64 : i32
    %eq3A_951 = arith.constant 0 : i32
    %eq3A_952 = arith.cmpi eq, %jit3A_950, %eq3A_951 : i32
    %jit3A_953 = arith.constant 1 : i32
    %select_n3A_954 = arith.select %eq3A_952, %jit3A_953, %jit3A_950 : i32
    %rem3A_955 = arith.remsi %add3A_925, %select_n3A_954 : i32
    %ne3A_956 = arith.constant 0 : i32
    %ne3A_957 = arith.cmpi ne, %rem3A_955, %ne3A_956 : i32
    %lt3A_958 = arith.constant 0 : i32
    %lt3A_959 = arith.cmpi slt, %rem3A_955, %lt3A_958 : i32
    %lt3A_960 = arith.constant 0 : i32
    %lt3A_961 = arith.cmpi slt, %select_n3A_954, %lt3A_960 : i32
    %ne3A_962 = arith.xori %lt3A_959, %lt3A_961 : i1
    %and3A_963 = arith.andi %ne3A_962, %ne3A_957 : i1
    %add3A_964 = arith.addi %rem3A_955, %select_n3A_954 : i32
    %select_n3A_965 = arith.select %and3A_963, %add3A_964, %rem3A_955 : i32
    %jit3A_966 = arith.constant 8 : i32
    %div3A_967 = arith.divsi %select_n3A_965, %jit3A_966 : i32
    %sign3A_968 = arith.constant 0 : i32
    %sign3A_969 = arith.cmpi sgt, %select_n3A_965, %sign3A_968 : i32
    %sign3A_970 = arith.extui %sign3A_969 : i1 to i32
    %sign3A_971 = arith.constant 0 : i32
    %sign3A_972 = arith.cmpi slt, %select_n3A_965, %sign3A_971 : i32
    %sign3A_973 = arith.extui %sign3A_972 : i1 to i32
    %sign3A_974 = arith.subi %sign3A_970, %sign3A_973 : i32
    %sign3A_975 = arith.constant 0 : i32
    %sign3A_976 = arith.cmpi sgt, %jit3A_966, %sign3A_975 : i32
    %sign3A_977 = arith.extui %sign3A_976 : i1 to i32
    %sign3A_978 = arith.constant 0 : i32
    %sign3A_979 = arith.cmpi slt, %jit3A_966, %sign3A_978 : i32
    %sign3A_980 = arith.extui %sign3A_979 : i1 to i32
    %sign3A_981 = arith.subi %sign3A_977, %sign3A_980 : i32
    %ne3A_982 = arith.cmpi ne, %sign3A_974, %sign3A_981 : i32
    %rem3A_983 = arith.remsi %select_n3A_965, %jit3A_966 : i32
    %ne3A_984 = arith.constant 0 : i32
    %ne3A_985 = arith.cmpi ne, %rem3A_983, %ne3A_984 : i32
    %and3A_986 = arith.andi %ne3A_982, %ne3A_985 : i1
    %sub3A_987 = arith.constant 1 : i32
    %sub3A_988 = arith.subi %div3A_967, %sub3A_987 : i32
    %select_n3A_989 = arith.select %and3A_986, %sub3A_988, %div3A_967 : i32
    %mul3A_990 = arith.constant 520 : i32
    %mul3A_991 = arith.muli %select_n3A_989, %mul3A_990 : i32
    %add3A_992 = arith.constant 8 : i32
    %add3A_993 = arith.addi %mul3A_991, %add3A_992 : i32
    %mul3A_994 = arith.constant 128 : i32
    %mul3A_995 = arith.muli %select_n3A_949, %mul3A_994 : i32
    %add3A_996 = arith.addi %add3A_993, %mul3A_995 : i32
    %mul3A_997 = arith.constant 1024 : i32
    %mul3A_998 = arith.muli %add3A_996, %mul3A_997 : i32
    %jit3A_999 = arith.constant 8 : i32
    %eq3A_1000 = arith.constant 0 : i32
    %eq3A_1001 = arith.cmpi eq, %jit3A_999, %eq3A_1000 : i32
    %jit3A_1002 = arith.constant 1 : i32
    %select_n3A_1003 = arith.select %eq3A_1001, %jit3A_1002, %jit3A_999 : i32
    %rem3A_1004 = arith.remsi %select_n3A_965, %select_n3A_1003 : i32
    %ne3A_1005 = arith.constant 0 : i32
    %ne3A_1006 = arith.cmpi ne, %rem3A_1004, %ne3A_1005 : i32
    %lt3A_1007 = arith.constant 0 : i32
    %lt3A_1008 = arith.cmpi slt, %rem3A_1004, %lt3A_1007 : i32
    %lt3A_1009 = arith.constant 0 : i32
    %lt3A_1010 = arith.cmpi slt, %select_n3A_1003, %lt3A_1009 : i32
    %ne3A_1011 = arith.xori %lt3A_1008, %lt3A_1010 : i1
    %and3A_1012 = arith.andi %ne3A_1011, %ne3A_1006 : i1
    %add3A_1013 = arith.addi %rem3A_1004, %select_n3A_1003 : i32
    %select_n3A_1014 = arith.select %and3A_1012, %add3A_1013, %rem3A_1004 : i32
    %mul3A_1015 = arith.constant 128 : i32
    %mul3A_1016 = arith.muli %select_n3A_1014, %mul3A_1015 : i32
    %add3A_1017 = arith.addi %mul3A_998, %mul3A_1016 : i32
    %add3A_1018 = arith.constant 0 : i32
    %add3A_1019 = arith.addi %add3A_1017, %add3A_1018 : i32
    %add3A_1020 = vector.broadcast %add3A_1019 : i32 to vector<16xi32>
    %add3A_1021 = arith.addi %mul3A_3, %add3A_1020 : vector<16xi32>
    %swap3A_1022 = arith.constant 5 : i32
    %swap3A_1023 = arith.index_cast %swap3A_1022 : i32 to index
    %swap3A_1024 = arith.constant 0 : index
    %swap3A_1025 = tpu.vector_load %arg4[%swap3A_1023, %swap3A_1024] {strides = array<i32>} : memref<16x128xi32, #tpu.memory_space<vmem>>, vector<1x16xi32>,
    %swap3A_1026 = vector.shape_cast %swap3A_1025 : vector<1x16xi32> to vector<16xi32>
    %swap3A_1027 = vector.shape_cast %add3A_1021 : vector<16xi32> to vector<1x16xi32>
    tpu.vector_store %arg4[%swap3A_1023, %swap3A_1024], %swap3A_1027 {strides = array<i32>} : memref<16x128xi32, #tpu.memory_space<vmem>>, vector<1x16xi32>,
    %add3A_1028 = arith.constant 16384 : i32
    %add3A_1029 = arith.addi %add3A_1017, %add3A_1028 : i32
    %add3A_1030 = vector.broadcast %add3A_1029 : i32 to vector<16xi32>
    %add3A_1031 = arith.addi %mul3A_3, %add3A_1030 : vector<16xi32>
    %swap3A_1032 = arith.constant 5 : i32
    %swap3A_1033 = arith.index_cast %swap3A_1032 : i32 to index
    %swap3A_1034 = arith.constant 16 : index
    %swap3A_1035 = tpu.vector_load %arg4[%swap3A_1033, %swap3A_1034] {strides = array<i32>} : memref<16x128xi32, #tpu.memory_space<vmem>>, vector<1x16xi32>,
    %swap3A_1036 = vector.shape_cast %swap3A_1035 : vector<1x16xi32> to vector<16xi32>
    %swap3A_1037 = vector.shape_cast %add3A_1031 : vector<16xi32> to vector<1x16xi32>
    tpu.vector_store %arg4[%swap3A_1033, %swap3A_1034], %swap3A_1037 {strides = array<i32>} : memref<16x128xi32, #tpu.memory_space<vmem>>, vector<1x16xi32>,
    %add3A_1038 = arith.constant 32768 : i32
    %add3A_1039 = arith.addi %add3A_1017, %add3A_1038 : i32
    %add3A_1040 = vector.broadcast %add3A_1039 : i32 to vector<16xi32>
    %add3A_1041 = arith.addi %mul3A_3, %add3A_1040 : vector<16xi32>
    %swap3A_1042 = arith.constant 5 : i32
    %swap3A_1043 = arith.index_cast %swap3A_1042 : i32 to index
    %swap3A_1044 = arith.constant 32 : index
    %swap3A_1045 = tpu.vector_load %arg4[%swap3A_1043, %swap3A_1044] {strides = array<i32>} : memref<16x128xi32, #tpu.memory_space<vmem>>, vector<1x16xi32>,
    %swap3A_1046 = vector.shape_cast %swap3A_1045 : vector<1x16xi32> to vector<16xi32>
    %swap3A_1047 = vector.shape_cast %add3A_1041 : vector<16xi32> to vector<1x16xi32>
    tpu.vector_store %arg4[%swap3A_1043, %swap3A_1044], %swap3A_1047 {strides = array<i32>} : memref<16x128xi32, #tpu.memory_space<vmem>>, vector<1x16xi32>,
    %add3A_1048 = arith.constant 49152 : i32
    %add3A_1049 = arith.addi %add3A_1017, %add3A_1048 : i32
    %add3A_1050 = vector.broadcast %add3A_1049 : i32 to vector<16xi32>
    %add3A_1051 = arith.addi %mul3A_3, %add3A_1050 : vector<16xi32>
    %swap3A_1052 = arith.constant 5 : i32
    %swap3A_1053 = arith.index_cast %swap3A_1052 : i32 to index
    %swap3A_1054 = arith.constant 48 : index
    %swap3A_1055 = tpu.vector_load %arg4[%swap3A_1053, %swap3A_1054] {strides = array<i32>} : memref<16x128xi32, #tpu.memory_space<vmem>>, vector<1x16xi32>,
    %swap3A_1056 = vector.shape_cast %swap3A_1055 : vector<1x16xi32> to vector<16xi32>
    %swap3A_1057 = vector.shape_cast %add3A_1051 : vector<16xi32> to vector<1x16xi32>
    tpu.vector_store %arg4[%swap3A_1053, %swap3A_1054], %swap3A_1057 {strides = array<i32>} : memref<16x128xi32, #tpu.memory_space<vmem>>, vector<1x16xi32>,
    %add3A_1058 = arith.constant 65536 : i32
    %add3A_1059 = arith.addi %add3A_1017, %add3A_1058 : i32
    %add3A_1060 = vector.broadcast %add3A_1059 : i32 to vector<16xi32>
    %add3A_1061 = arith.addi %mul3A_3, %add3A_1060 : vector<16xi32>
    %swap3A_1062 = arith.constant 5 : i32
    %swap3A_1063 = arith.index_cast %swap3A_1062 : i32 to index
    %swap3A_1064 = arith.constant 64 : index
    %swap3A_1065 = tpu.vector_load %arg4[%swap3A_1063, %swap3A_1064] {strides = array<i32>} : memref<16x128xi32, #tpu.memory_space<vmem>>, vector<1x16xi32>,
    %swap3A_1066 = vector.shape_cast %swap3A_1065 : vector<1x16xi32> to vector<16xi32>
    %swap3A_1067 = vector.shape_cast %add3A_1061 : vector<16xi32> to vector<1x16xi32>
    tpu.vector_store %arg4[%swap3A_1063, %swap3A_1064], %swap3A_1067 {strides = array<i32>} : memref<16x128xi32, #tpu.memory_space<vmem>>, vector<1x16xi32>,
    %add3A_1068 = arith.constant 81920 : i32
    %add3A_1069 = arith.addi %add3A_1017, %add3A_1068 : i32
    %add3A_1070 = vector.broadcast %add3A_1069 : i32 to vector<16xi32>
    %add3A_1071 = arith.addi %mul3A_3, %add3A_1070 : vector<16xi32>
    %swap3A_1072 = arith.constant 5 : i32
    %swap3A_1073 = arith.index_cast %swap3A_1072 : i32 to index
    %swap3A_1074 = arith.constant 80 : index
    %swap3A_1075 = tpu.vector_load %arg4[%swap3A_1073, %swap3A_1074] {strides = array<i32>} : memref<16x128xi32, #tpu.memory_space<vmem>>, vector<1x16xi32>,
    %swap3A_1076 = vector.shape_cast %swap3A_1075 : vector<1x16xi32> to vector<16xi32>
    %swap3A_1077 = vector.shape_cast %add3A_1071 : vector<16xi32> to vector<1x16xi32>
    tpu.vector_store %arg4[%swap3A_1073, %swap3A_1074], %swap3A_1077 {strides = array<i32>} : memref<16x128xi32, #tpu.memory_space<vmem>>, vector<1x16xi32>,
    %add3A_1078 = arith.constant 98304 : i32
    %add3A_1079 = arith.addi %add3A_1017, %add3A_1078 : i32
    %add3A_1080 = vector.broadcast %add3A_1079 : i32 to vector<16xi32>
    %add3A_1081 = arith.addi %mul3A_3, %add3A_1080 : vector<16xi32>
    %swap3A_1082 = arith.constant 5 : i32
    %swap3A_1083 = arith.index_cast %swap3A_1082 : i32 to index
    %swap3A_1084 = arith.constant 96 : index
    %swap3A_1085 = tpu.vector_load %arg4[%swap3A_1083, %swap3A_1084] {strides = array<i32>} : memref<16x128xi32, #tpu.memory_space<vmem>>, vector<1x16xi32>,
    %swap3A_1086 = vector.shape_cast %swap3A_1085 : vector<1x16xi32> to vector<16xi32>
    %swap3A_1087 = vector.shape_cast %add3A_1081 : vector<16xi32> to vector<1x16xi32>
    tpu.vector_store %arg4[%swap3A_1083, %swap3A_1084], %swap3A_1087 {strides = array<i32>} : memref<16x128xi32, #tpu.memory_space<vmem>>, vector<1x16xi32>,
    %add3A_1088 = arith.constant 114688 : i32
    %add3A_1089 = arith.addi %add3A_1017, %add3A_1088 : i32
    %add3A_1090 = vector.broadcast %add3A_1089 : i32 to vector<16xi32>
    %add3A_1091 = arith.addi %mul3A_3, %add3A_1090 : vector<16xi32>
    %swap3A_1092 = arith.constant 5 : i32
    %swap3A_1093 = arith.index_cast %swap3A_1092 : i32 to index
    %swap3A_1094 = arith.constant 112 : index
    %swap3A_1095 = tpu.vector_load %arg4[%swap3A_1093, %swap3A_1094] {strides = array<i32>} : memref<16x128xi32, #tpu.memory_space<vmem>>, vector<1x16xi32>,
    %swap3A_1096 = vector.shape_cast %swap3A_1095 : vector<1x16xi32> to vector<16xi32>
    %swap3A_1097 = vector.shape_cast %add3A_1091 : vector<16xi32> to vector<1x16xi32>
    tpu.vector_store %arg4[%swap3A_1093, %swap3A_1094], %swap3A_1097 {strides = array<i32>} : memref<16x128xi32, #tpu.memory_space<vmem>>, vector<1x16xi32>,
    %dma_start3A_1098 = arith.constant 5 : i32
    %dma_start3A_1099 = arith.constant 5 : i32
    %dma_start3A_1100 = arith.constant 0 : i32
    %dma_start3A_1101 = tpu.memref_slice %arg5[%dma_start3A_1099, %dma_start3A_1100] : memref<16x128xf32, #tpu.memory_space<vmem>> -> memref<1x128xf32, #tpu.memory_space<vmem>>
    %dma_start3A_1102 = tpu.memref_squeeze %dma_start3A_1101 : memref<1x128xf32, #tpu.memory_space<vmem>> -> memref<128xf32, #tpu.memory_space<vmem>>
    %dma_start3A_1103 = arith.constant 0 : i32
    %dma_start3A_1104 = tpu.memref_slice %arg4[%dma_start3A_1098, %dma_start3A_1103] : memref<16x128xi32, #tpu.memory_space<vmem>> -> memref<1x128xi32, #tpu.memory_space<vmem>>
    %dma_start3A_1105 = tpu.memref_squeeze %dma_start3A_1104 : memref<1x128xi32, #tpu.memory_space<vmem>> -> memref<128xi32, #tpu.memory_space<vmem>>
    %dma_start3A_1106 = arith.constant 0 : i32
    %dma_start3A_1107 = tpu.memref_slice %arg2[%dma_start3A_1106] : memref<4259840xf32, #tpu.memory_space<hbm>> -> memref<4259840xf32, #tpu.memory_space<hbm>>
    tpu.enqueue_indirect_dma source(%dma_start3A_1107 : memref<4259840xf32, #tpu.memory_space<hbm>>) target(%dma_start3A_1102 : memref<128xf32, #tpu.memory_space<vmem>>) offsets(%dma_start3A_1105 : memref<128xi32, #tpu.memory_space<vmem>>) semaphore(%arg6 : memref<!tpu.dma_semaphore, #tpu.memory_space<semaphore_mem>>)
    %mul3A_1108 = arith.constant 16 : i32
    %mul3A_1109 = arith.muli %add3A, %mul3A_1108 : i32
    %add3A_1110 = arith.constant 6 : i32
    %add3A_1111 = arith.addi %mul3A_1109, %add3A_1110 : i32
    %jit3A_1112 = arith.constant 64 : i32
    %div3A_1113 = arith.divsi %add3A_1111, %jit3A_1112 : i32
    %sign3A_1114 = arith.constant 0 : i32
    %sign3A_1115 = arith.cmpi sgt, %add3A_1111, %sign3A_1114 : i32
    %sign3A_1116 = arith.extui %sign3A_1115 : i1 to i32
    %sign3A_1117 = arith.constant 0 : i32
    %sign3A_1118 = arith.cmpi slt, %add3A_1111, %sign3A_1117 : i32
    %sign3A_1119 = arith.extui %sign3A_1118 : i1 to i32
    %sign3A_1120 = arith.subi %sign3A_1116, %sign3A_1119 : i32
    %sign3A_1121 = arith.constant 0 : i32
    %sign3A_1122 = arith.cmpi sgt, %jit3A_1112, %sign3A_1121 : i32
    %sign3A_1123 = arith.extui %sign3A_1122 : i1 to i32
    %sign3A_1124 = arith.constant 0 : i32
    %sign3A_1125 = arith.cmpi slt, %jit3A_1112, %sign3A_1124 : i32
    %sign3A_1126 = arith.extui %sign3A_1125 : i1 to i32
    %sign3A_1127 = arith.subi %sign3A_1123, %sign3A_1126 : i32
    %ne3A_1128 = arith.cmpi ne, %sign3A_1120, %sign3A_1127 : i32
    %rem3A_1129 = arith.remsi %add3A_1111, %jit3A_1112 : i32
    %ne3A_1130 = arith.constant 0 : i32
    %ne3A_1131 = arith.cmpi ne, %rem3A_1129, %ne3A_1130 : i32
    %and3A_1132 = arith.andi %ne3A_1128, %ne3A_1131 : i1
    %sub3A_1133 = arith.constant 1 : i32
    %sub3A_1134 = arith.subi %div3A_1113, %sub3A_1133 : i32
    %select_n3A_1135 = arith.select %and3A_1132, %sub3A_1134, %div3A_1113 : i32
    %jit3A_1136 = arith.constant 64 : i32
    %eq3A_1137 = arith.constant 0 : i32
    %eq3A_1138 = arith.cmpi eq, %jit3A_1136, %eq3A_1137 : i32
    %jit3A_1139 = arith.constant 1 : i32
    %select_n3A_1140 = arith.select %eq3A_1138, %jit3A_1139, %jit3A_1136 : i32
    %rem3A_1141 = arith.remsi %add3A_1111, %select_n3A_1140 : i32
    %ne3A_1142 = arith.constant 0 : i32
    %ne3A_1143 = arith.cmpi ne, %rem3A_1141, %ne3A_1142 : i32
    %lt3A_1144 = arith.constant 0 : i32
    %lt3A_1145 = arith.cmpi slt, %rem3A_1141, %lt3A_1144 : i32
    %lt3A_1146 = arith.constant 0 : i32
    %lt3A_1147 = arith.cmpi slt, %select_n3A_1140, %lt3A_1146 : i32
    %ne3A_1148 = arith.xori %lt3A_1145, %lt3A_1147 : i1
    %and3A_1149 = arith.andi %ne3A_1148, %ne3A_1143 : i1
    %add3A_1150 = arith.addi %rem3A_1141, %select_n3A_1140 : i32
    %select_n3A_1151 = arith.select %and3A_1149, %add3A_1150, %rem3A_1141 : i32
    %jit3A_1152 = arith.constant 8 : i32
    %div3A_1153 = arith.divsi %select_n3A_1151, %jit3A_1152 : i32
    %sign3A_1154 = arith.constant 0 : i32
    %sign3A_1155 = arith.cmpi sgt, %select_n3A_1151, %sign3A_1154 : i32
    %sign3A_1156 = arith.extui %sign3A_1155 : i1 to i32
    %sign3A_1157 = arith.constant 0 : i32
    %sign3A_1158 = arith.cmpi slt, %select_n3A_1151, %sign3A_1157 : i32
    %sign3A_1159 = arith.extui %sign3A_1158 : i1 to i32
    %sign3A_1160 = arith.subi %sign3A_1156, %sign3A_1159 : i32
    %sign3A_1161 = arith.constant 0 : i32
    %sign3A_1162 = arith.cmpi sgt, %jit3A_1152, %sign3A_1161 : i32
    %sign3A_1163 = arith.extui %sign3A_1162 : i1 to i32
    %sign3A_1164 = arith.constant 0 : i32
    %sign3A_1165 = arith.cmpi slt, %jit3A_1152, %sign3A_1164 : i32
    %sign3A_1166 = arith.extui %sign3A_1165 : i1 to i32
    %sign3A_1167 = arith.subi %sign3A_1163, %sign3A_1166 : i32
    %ne3A_1168 = arith.cmpi ne, %sign3A_1160, %sign3A_1167 : i32
    %rem3A_1169 = arith.remsi %select_n3A_1151, %jit3A_1152 : i32
    %ne3A_1170 = arith.constant 0 : i32
    %ne3A_1171 = arith.cmpi ne, %rem3A_1169, %ne3A_1170 : i32
    %and3A_1172 = arith.andi %ne3A_1168, %ne3A_1171 : i1
    %sub3A_1173 = arith.constant 1 : i32
    %sub3A_1174 = arith.subi %div3A_1153, %sub3A_1173 : i32
    %select_n3A_1175 = arith.select %and3A_1172, %sub3A_1174, %div3A_1153 : i32
    %mul3A_1176 = arith.constant 520 : i32
    %mul3A_1177 = arith.muli %select_n3A_1175, %mul3A_1176 : i32
    %add3A_1178 = arith.constant 8 : i32
    %add3A_1179 = arith.addi %mul3A_1177, %add3A_1178 : i32
    %mul3A_1180 = arith.constant 128 : i32
    %mul3A_1181 = arith.muli %select_n3A_1135, %mul3A_1180 : i32
    %add3A_1182 = arith.addi %add3A_1179, %mul3A_1181 : i32
    %mul3A_1183 = arith.constant 1024 : i32
    %mul3A_1184 = arith.muli %add3A_1182, %mul3A_1183 : i32
    %jit3A_1185 = arith.constant 8 : i32
    %eq3A_1186 = arith.constant 0 : i32
    %eq3A_1187 = arith.cmpi eq, %jit3A_1185, %eq3A_1186 : i32
    %jit3A_1188 = arith.constant 1 : i32
    %select_n3A_1189 = arith.select %eq3A_1187, %jit3A_1188, %jit3A_1185 : i32
    %rem3A_1190 = arith.remsi %select_n3A_1151, %select_n3A_1189 : i32
    %ne3A_1191 = arith.constant 0 : i32
    %ne3A_1192 = arith.cmpi ne, %rem3A_1190, %ne3A_1191 : i32
    %lt3A_1193 = arith.constant 0 : i32
    %lt3A_1194 = arith.cmpi slt, %rem3A_1190, %lt3A_1193 : i32
    %lt3A_1195 = arith.constant 0 : i32
    %lt3A_1196 = arith.cmpi slt, %select_n3A_1189, %lt3A_1195 : i32
    %ne3A_1197 = arith.xori %lt3A_1194, %lt3A_1196 : i1
    %and3A_1198 = arith.andi %ne3A_1197, %ne3A_1192 : i1
    %add3A_1199 = arith.addi %rem3A_1190, %select_n3A_1189 : i32
    %select_n3A_1200 = arith.select %and3A_1198, %add3A_1199, %rem3A_1190 : i32
    %mul3A_1201 = arith.constant 128 : i32
    %mul3A_1202 = arith.muli %select_n3A_1200, %mul3A_1201 : i32
    %add3A_1203 = arith.addi %mul3A_1184, %mul3A_1202 : i32
    %add3A_1204 = arith.constant 0 : i32
    %add3A_1205 = arith.addi %add3A_1203, %add3A_1204 : i32
    %add3A_1206 = vector.broadcast %add3A_1205 : i32 to vector<16xi32>
    %add3A_1207 = arith.addi %mul3A_3, %add3A_1206 : vector<16xi32>
    %swap3A_1208 = arith.constant 6 : i32
    %swap3A_1209 = arith.index_cast %swap3A_1208 : i32 to index
    %swap3A_1210 = arith.constant 0 : index
    %swap3A_1211 = tpu.vector_load %arg4[%swap3A_1209, %swap3A_1210] {strides = array<i32>} : memref<16x128xi32, #tpu.memory_space<vmem>>, vector<1x16xi32>,
    %swap3A_1212 = vector.shape_cast %swap3A_1211 : vector<1x16xi32> to vector<16xi32>
    %swap3A_1213 = vector.shape_cast %add3A_1207 : vector<16xi32> to vector<1x16xi32>
    tpu.vector_store %arg4[%swap3A_1209, %swap3A_1210], %swap3A_1213 {strides = array<i32>} : memref<16x128xi32, #tpu.memory_space<vmem>>, vector<1x16xi32>,
    %add3A_1214 = arith.constant 16384 : i32
    %add3A_1215 = arith.addi %add3A_1203, %add3A_1214 : i32
    %add3A_1216 = vector.broadcast %add3A_1215 : i32 to vector<16xi32>
    %add3A_1217 = arith.addi %mul3A_3, %add3A_1216 : vector<16xi32>
    %swap3A_1218 = arith.constant 6 : i32
    %swap3A_1219 = arith.index_cast %swap3A_1218 : i32 to index
    %swap3A_1220 = arith.constant 16 : index
    %swap3A_1221 = tpu.vector_load %arg4[%swap3A_1219, %swap3A_1220] {strides = array<i32>} : memref<16x128xi32, #tpu.memory_space<vmem>>, vector<1x16xi32>,
    %swap3A_1222 = vector.shape_cast %swap3A_1221 : vector<1x16xi32> to vector<16xi32>
    %swap3A_1223 = vector.shape_cast %add3A_1217 : vector<16xi32> to vector<1x16xi32>
    tpu.vector_store %arg4[%swap3A_1219, %swap3A_1220], %swap3A_1223 {strides = array<i32>} : memref<16x128xi32, #tpu.memory_space<vmem>>, vector<1x16xi32>,
    %add3A_1224 = arith.constant 32768 : i32
    %add3A_1225 = arith.addi %add3A_1203, %add3A_1224 : i32
    %add3A_1226 = vector.broadcast %add3A_1225 : i32 to vector<16xi32>
    %add3A_1227 = arith.addi %mul3A_3, %add3A_1226 : vector<16xi32>
    %swap3A_1228 = arith.constant 6 : i32
    %swap3A_1229 = arith.index_cast %swap3A_1228 : i32 to index
    %swap3A_1230 = arith.constant 32 : index
    %swap3A_1231 = tpu.vector_load %arg4[%swap3A_1229, %swap3A_1230] {strides = array<i32>} : memref<16x128xi32, #tpu.memory_space<vmem>>, vector<1x16xi32>,
    %swap3A_1232 = vector.shape_cast %swap3A_1231 : vector<1x16xi32> to vector<16xi32>
    %swap3A_1233 = vector.shape_cast %add3A_1227 : vector<16xi32> to vector<1x16xi32>
    tpu.vector_store %arg4[%swap3A_1229, %swap3A_1230], %swap3A_1233 {strides = array<i32>} : memref<16x128xi32, #tpu.memory_space<vmem>>, vector<1x16xi32>,
    %add3A_1234 = arith.constant 49152 : i32
    %add3A_1235 = arith.addi %add3A_1203, %add3A_1234 : i32
    %add3A_1236 = vector.broadcast %add3A_1235 : i32 to vector<16xi32>
    %add3A_1237 = arith.addi %mul3A_3, %add3A_1236 : vector<16xi32>
    %swap3A_1238 = arith.constant 6 : i32
    %swap3A_1239 = arith.index_cast %swap3A_1238 : i32 to index
    %swap3A_1240 = arith.constant 48 : index
    %swap3A_1241 = tpu.vector_load %arg4[%swap3A_1239, %swap3A_1240] {strides = array<i32>} : memref<16x128xi32, #tpu.memory_space<vmem>>, vector<1x16xi32>,
    %swap3A_1242 = vector.shape_cast %swap3A_1241 : vector<1x16xi32> to vector<16xi32>
    %swap3A_1243 = vector.shape_cast %add3A_1237 : vector<16xi32> to vector<1x16xi32>
    tpu.vector_store %arg4[%swap3A_1239, %swap3A_1240], %swap3A_1243 {strides = array<i32>} : memref<16x128xi32, #tpu.memory_space<vmem>>, vector<1x16xi32>,
    %add3A_1244 = arith.constant 65536 : i32
    %add3A_1245 = arith.addi %add3A_1203, %add3A_1244 : i32
    %add3A_1246 = vector.broadcast %add3A_1245 : i32 to vector<16xi32>
    %add3A_1247 = arith.addi %mul3A_3, %add3A_1246 : vector<16xi32>
    %swap3A_1248 = arith.constant 6 : i32
    %swap3A_1249 = arith.index_cast %swap3A_1248 : i32 to index
    %swap3A_1250 = arith.constant 64 : index
    %swap3A_1251 = tpu.vector_load %arg4[%swap3A_1249, %swap3A_1250] {strides = array<i32>} : memref<16x128xi32, #tpu.memory_space<vmem>>, vector<1x16xi32>,
    %swap3A_1252 = vector.shape_cast %swap3A_1251 : vector<1x16xi32> to vector<16xi32>
    %swap3A_1253 = vector.shape_cast %add3A_1247 : vector<16xi32> to vector<1x16xi32>
    tpu.vector_store %arg4[%swap3A_1249, %swap3A_1250], %swap3A_1253 {strides = array<i32>} : memref<16x128xi32, #tpu.memory_space<vmem>>, vector<1x16xi32>,
    %add3A_1254 = arith.constant 81920 : i32
    %add3A_1255 = arith.addi %add3A_1203, %add3A_1254 : i32
    %add3A_1256 = vector.broadcast %add3A_1255 : i32 to vector<16xi32>
    %add3A_1257 = arith.addi %mul3A_3, %add3A_1256 : vector<16xi32>
    %swap3A_1258 = arith.constant 6 : i32
    %swap3A_1259 = arith.index_cast %swap3A_1258 : i32 to index
    %swap3A_1260 = arith.constant 80 : index
    %swap3A_1261 = tpu.vector_load %arg4[%swap3A_1259, %swap3A_1260] {strides = array<i32>} : memref<16x128xi32, #tpu.memory_space<vmem>>, vector<1x16xi32>,
    %swap3A_1262 = vector.shape_cast %swap3A_1261 : vector<1x16xi32> to vector<16xi32>
    %swap3A_1263 = vector.shape_cast %add3A_1257 : vector<16xi32> to vector<1x16xi32>
    tpu.vector_store %arg4[%swap3A_1259, %swap3A_1260], %swap3A_1263 {strides = array<i32>} : memref<16x128xi32, #tpu.memory_space<vmem>>, vector<1x16xi32>,
    %add3A_1264 = arith.constant 98304 : i32
    %add3A_1265 = arith.addi %add3A_1203, %add3A_1264 : i32
    %add3A_1266 = vector.broadcast %add3A_1265 : i32 to vector<16xi32>
    %add3A_1267 = arith.addi %mul3A_3, %add3A_1266 : vector<16xi32>
    %swap3A_1268 = arith.constant 6 : i32
    %swap3A_1269 = arith.index_cast %swap3A_1268 : i32 to index
    %swap3A_1270 = arith.constant 96 : index
    %swap3A_1271 = tpu.vector_load %arg4[%swap3A_1269, %swap3A_1270] {strides = array<i32>} : memref<16x128xi32, #tpu.memory_space<vmem>>, vector<1x16xi32>,
    %swap3A_1272 = vector.shape_cast %swap3A_1271 : vector<1x16xi32> to vector<16xi32>
    %swap3A_1273 = vector.shape_cast %add3A_1267 : vector<16xi32> to vector<1x16xi32>
    tpu.vector_store %arg4[%swap3A_1269, %swap3A_1270], %swap3A_1273 {strides = array<i32>} : memref<16x128xi32, #tpu.memory_space<vmem>>, vector<1x16xi32>,
    %add3A_1274 = arith.constant 114688 : i32
    %add3A_1275 = arith.addi %add3A_1203, %add3A_1274 : i32
    %add3A_1276 = vector.broadcast %add3A_1275 : i32 to vector<16xi32>
    %add3A_1277 = arith.addi %mul3A_3, %add3A_1276 : vector<16xi32>
    %swap3A_1278 = arith.constant 6 : i32
    %swap3A_1279 = arith.index_cast %swap3A_1278 : i32 to index
    %swap3A_1280 = arith.constant 112 : index
    %swap3A_1281 = tpu.vector_load %arg4[%swap3A_1279, %swap3A_1280] {strides = array<i32>} : memref<16x128xi32, #tpu.memory_space<vmem>>, vector<1x16xi32>,
    %swap3A_1282 = vector.shape_cast %swap3A_1281 : vector<1x16xi32> to vector<16xi32>
    %swap3A_1283 = vector.shape_cast %add3A_1277 : vector<16xi32> to vector<1x16xi32>
    tpu.vector_store %arg4[%swap3A_1279, %swap3A_1280], %swap3A_1283 {strides = array<i32>} : memref<16x128xi32, #tpu.memory_space<vmem>>, vector<1x16xi32>,
    %dma_start3A_1284 = arith.constant 6 : i32
    %dma_start3A_1285 = arith.constant 6 : i32
    %dma_start3A_1286 = arith.constant 0 : i32
    %dma_start3A_1287 = tpu.memref_slice %arg5[%dma_start3A_1285, %dma_start3A_1286] : memref<16x128xf32, #tpu.memory_space<vmem>> -> memref<1x128xf32, #tpu.memory_space<vmem>>
    %dma_start3A_1288 = tpu.memref_squeeze %dma_start3A_1287 : memref<1x128xf32, #tpu.memory_space<vmem>> -> memref<128xf32, #tpu.memory_space<vmem>>
    %dma_start3A_1289 = arith.constant 0 : i32
    %dma_start3A_1290 = tpu.memref_slice %arg4[%dma_start3A_1284, %dma_start3A_1289] : memref<16x128xi32, #tpu.memory_space<vmem>> -> memref<1x128xi32, #tpu.memory_space<vmem>>
    %dma_start3A_1291 = tpu.memref_squeeze %dma_start3A_1290 : memref<1x128xi32, #tpu.memory_space<vmem>> -> memref<128xi32, #tpu.memory_space<vmem>>
    %dma_start3A_1292 = arith.constant 0 : i32
    %dma_start3A_1293 = tpu.memref_slice %arg2[%dma_start3A_1292] : memref<4259840xf32, #tpu.memory_space<hbm>> -> memref<4259840xf32, #tpu.memory_space<hbm>>
    tpu.enqueue_indirect_dma source(%dma_start3A_1293 : memref<4259840xf32, #tpu.memory_space<hbm>>) target(%dma_start3A_1288 : memref<128xf32, #tpu.memory_space<vmem>>) offsets(%dma_start3A_1291 : memref<128xi32, #tpu.memory_space<vmem>>) semaphore(%arg6 : memref<!tpu.dma_semaphore, #tpu.memory_space<semaphore_mem>>)
    %mul3A_1294 = arith.constant 16 : i32
    %mul3A_1295 = arith.muli %add3A, %mul3A_1294 : i32
    %add3A_1296 = arith.constant 7 : i32
    %add3A_1297 = arith.addi %mul3A_1295, %add3A_1296 : i32
    %jit3A_1298 = arith.constant 64 : i32
    %div3A_1299 = arith.divsi %add3A_1297, %jit3A_1298 : i32
    %sign3A_1300 = arith.constant 0 : i32
    %sign3A_1301 = arith.cmpi sgt, %add3A_1297, %sign3A_1300 : i32
    %sign3A_1302 = arith.extui %sign3A_1301 : i1 to i32
    %sign3A_1303 = arith.constant 0 : i32
    %sign3A_1304 = arith.cmpi slt, %add3A_1297, %sign3A_1303 : i32
    %sign3A_1305 = arith.extui %sign3A_1304 : i1 to i32
    %sign3A_1306 = arith.subi %sign3A_1302, %sign3A_1305 : i32
    %sign3A_1307 = arith.constant 0 : i32
    %sign3A_1308 = arith.cmpi sgt, %jit3A_1298, %sign3A_1307 : i32
    %sign3A_1309 = arith.extui %sign3A_1308 : i1 to i32
    %sign3A_1310 = arith.constant 0 : i32
    %sign3A_1311 = arith.cmpi slt, %jit3A_1298, %sign3A_1310 : i32
    %sign3A_1312 = arith.extui %sign3A_1311 : i1 to i32
    %sign3A_1313 = arith.subi %sign3A_1309, %sign3A_1312 : i32
    %ne3A_1314 = arith.cmpi ne, %sign3A_1306, %sign3A_1313 : i32
    %rem3A_1315 = arith.remsi %add3A_1297, %jit3A_1298 : i32
    %ne3A_1316 = arith.constant 0 : i32
    %ne3A_1317 = arith.cmpi ne, %rem3A_1315, %ne3A_1316 : i32
    %and3A_1318 = arith.andi %ne3A_1314, %ne3A_1317 : i1
    %sub3A_1319 = arith.constant 1 : i32
    %sub3A_1320 = arith.subi %div3A_1299, %sub3A_1319 : i32
    %select_n3A_1321 = arith.select %and3A_1318, %sub3A_1320, %div3A_1299 : i32
    %jit3A_1322 = arith.constant 64 : i32
    %eq3A_1323 = arith.constant 0 : i32
    %eq3A_1324 = arith.cmpi eq, %jit3A_1322, %eq3A_1323 : i32
    %jit3A_1325 = arith.constant 1 : i32
    %select_n3A_1326 = arith.select %eq3A_1324, %jit3A_1325, %jit3A_1322 : i32
    %rem3A_1327 = arith.remsi %add3A_1297, %select_n3A_1326 : i32
    %ne3A_1328 = arith.constant 0 : i32
    %ne3A_1329 = arith.cmpi ne, %rem3A_1327, %ne3A_1328 : i32
    %lt3A_1330 = arith.constant 0 : i32
    %lt3A_1331 = arith.cmpi slt, %rem3A_1327, %lt3A_1330 : i32
    %lt3A_1332 = arith.constant 0 : i32
    %lt3A_1333 = arith.cmpi slt, %select_n3A_1326, %lt3A_1332 : i32
    %ne3A_1334 = arith.xori %lt3A_1331, %lt3A_1333 : i1
    %and3A_1335 = arith.andi %ne3A_1334, %ne3A_1329 : i1
    %add3A_1336 = arith.addi %rem3A_1327, %select_n3A_1326 : i32
    %select_n3A_1337 = arith.select %and3A_1335, %add3A_1336, %rem3A_1327 : i32
    %jit3A_1338 = arith.constant 8 : i32
    %div3A_1339 = arith.divsi %select_n3A_1337, %jit3A_1338 : i32
    %sign3A_1340 = arith.constant 0 : i32
    %sign3A_1341 = arith.cmpi sgt, %select_n3A_1337, %sign3A_1340 : i32
    %sign3A_1342 = arith.extui %sign3A_1341 : i1 to i32
    %sign3A_1343 = arith.constant 0 : i32
    %sign3A_1344 = arith.cmpi slt, %select_n3A_1337, %sign3A_1343 : i32
    %sign3A_1345 = arith.extui %sign3A_1344 : i1 to i32
    %sign3A_1346 = arith.subi %sign3A_1342, %sign3A_1345 : i32
    %sign3A_1347 = arith.constant 0 : i32
    %sign3A_1348 = arith.cmpi sgt, %jit3A_1338, %sign3A_1347 : i32
    %sign3A_1349 = arith.extui %sign3A_1348 : i1 to i32
    %sign3A_1350 = arith.constant 0 : i32
    %sign3A_1351 = arith.cmpi slt, %jit3A_1338, %sign3A_1350 : i32
    %sign3A_1352 = arith.extui %sign3A_1351 : i1 to i32
    %sign3A_1353 = arith.subi %sign3A_1349, %sign3A_1352 : i32
    %ne3A_1354 = arith.cmpi ne, %sign3A_1346, %sign3A_1353 : i32
    %rem3A_1355 = arith.remsi %select_n3A_1337, %jit3A_1338 : i32
    %ne3A_1356 = arith.constant 0 : i32
    %ne3A_1357 = arith.cmpi ne, %rem3A_1355, %ne3A_1356 : i32
    %and3A_1358 = arith.andi %ne3A_1354, %ne3A_1357 : i1
    %sub3A_1359 = arith.constant 1 : i32
    %sub3A_1360 = arith.subi %div3A_1339, %sub3A_1359 : i32
    %select_n3A_1361 = arith.select %and3A_1358, %sub3A_1360, %div3A_1339 : i32
    %mul3A_1362 = arith.constant 520 : i32
    %mul3A_1363 = arith.muli %select_n3A_1361, %mul3A_1362 : i32
    %add3A_1364 = arith.constant 8 : i32
    %add3A_1365 = arith.addi %mul3A_1363, %add3A_1364 : i32
    %mul3A_1366 = arith.constant 128 : i32
    %mul3A_1367 = arith.muli %select_n3A_1321, %mul3A_1366 : i32
    %add3A_1368 = arith.addi %add3A_1365, %mul3A_1367 : i32
    %mul3A_1369 = arith.constant 1024 : i32
    %mul3A_1370 = arith.muli %add3A_1368, %mul3A_1369 : i32
    %jit3A_1371 = arith.constant 8 : i32
    %eq3A_1372 = arith.constant 0 : i32
    %eq3A_1373 = arith.cmpi eq, %jit3A_1371, %eq3A_1372 : i32
    %jit3A_1374 = arith.constant 1 : i32
    %select_n3A_1375 = arith.select %eq3A_1373, %jit3A_1374, %jit3A_1371 : i32
    %rem3A_1376 = arith.remsi %select_n3A_1337, %select_n3A_1375 : i32
    %ne3A_1377 = arith.constant 0 : i32
    %ne3A_1378 = arith.cmpi ne, %rem3A_1376, %ne3A_1377 : i32
    %lt3A_1379 = arith.constant 0 : i32
    %lt3A_1380 = arith.cmpi slt, %rem3A_1376, %lt3A_1379 : i32
    %lt3A_1381 = arith.constant 0 : i32
    %lt3A_1382 = arith.cmpi slt, %select_n3A_1375, %lt3A_1381 : i32
    %ne3A_1383 = arith.xori %lt3A_1380, %lt3A_1382 : i1
    %and3A_1384 = arith.andi %ne3A_1383, %ne3A_1378 : i1
    %add3A_1385 = arith.addi %rem3A_1376, %select_n3A_1375 : i32
    %select_n3A_1386 = arith.select %and3A_1384, %add3A_1385, %rem3A_1376 : i32
    %mul3A_1387 = arith.constant 128 : i32
    %mul3A_1388 = arith.muli %select_n3A_1386, %mul3A_1387 : i32
    %add3A_1389 = arith.addi %mul3A_1370, %mul3A_1388 : i32
    %add3A_1390 = arith.constant 0 : i32
    %add3A_1391 = arith.addi %add3A_1389, %add3A_1390 : i32
    %add3A_1392 = vector.broadcast %add3A_1391 : i32 to vector<16xi32>
    %add3A_1393 = arith.addi %mul3A_3, %add3A_1392 : vector<16xi32>
    %swap3A_1394 = arith.constant 7 : i32
    %swap3A_1395 = arith.index_cast %swap3A_1394 : i32 to index
    %swap3A_1396 = arith.constant 0 : index
    %swap3A_1397 = tpu.vector_load %arg4[%swap3A_1395, %swap3A_1396] {strides = array<i32>} : memref<16x128xi32, #tpu.memory_space<vmem>>, vector<1x16xi32>,
    %swap3A_1398 = vector.shape_cast %swap3A_1397 : vector<1x16xi32> to vector<16xi32>
    %swap3A_1399 = vector.shape_cast %add3A_1393 : vector<16xi32> to vector<1x16xi32>
    tpu.vector_store %arg4[%swap3A_1395, %swap3A_1396], %swap3A_1399 {strides = array<i32>} : memref<16x128xi32, #tpu.memory_space<vmem>>, vector<1x16xi32>,
    %add3A_1400 = arith.constant 16384 : i32
    %add3A_1401 = arith.addi %add3A_1389, %add3A_1400 : i32
    %add3A_1402 = vector.broadcast %add3A_1401 : i32 to vector<16xi32>
    %add3A_1403 = arith.addi %mul3A_3, %add3A_1402 : vector<16xi32>
    %swap3A_1404 = arith.constant 7 : i32
    %swap3A_1405 = arith.index_cast %swap3A_1404 : i32 to index
    %swap3A_1406 = arith.constant 16 : index
    %swap3A_1407 = tpu.vector_load %arg4[%swap3A_1405, %swap3A_1406] {strides = array<i32>} : memref<16x128xi32, #tpu.memory_space<vmem>>, vector<1x16xi32>,
    %swap3A_1408 = vector.shape_cast %swap3A_1407 : vector<1x16xi32> to vector<16xi32>
    %swap3A_1409 = vector.shape_cast %add3A_1403 : vector<16xi32> to vector<1x16xi32>
    tpu.vector_store %arg4[%swap3A_1405, %swap3A_1406], %swap3A_1409 {strides = array<i32>} : memref<16x128xi32, #tpu.memory_space<vmem>>, vector<1x16xi32>,
    %add3A_1410 = arith.constant 32768 : i32
    %add3A_1411 = arith.addi %add3A_1389, %add3A_1410 : i32
    %add3A_1412 = vector.broadcast %add3A_1411 : i32 to vector<16xi32>
    %add3A_1413 = arith.addi %mul3A_3, %add3A_1412 : vector<16xi32>
    %swap3A_1414 = arith.constant 7 : i32
    %swap3A_1415 = arith.index_cast %swap3A_1414 : i32 to index
    %swap3A_1416 = arith.constant 32 : index
    %swap3A_1417 = tpu.vector_load %arg4[%swap3A_1415, %swap3A_1416] {strides = array<i32>} : memref<16x128xi32, #tpu.memory_space<vmem>>, vector<1x16xi32>,
    %swap3A_1418 = vector.shape_cast %swap3A_1417 : vector<1x16xi32> to vector<16xi32>
    %swap3A_1419 = vector.shape_cast %add3A_1413 : vector<16xi32> to vector<1x16xi32>
    tpu.vector_store %arg4[%swap3A_1415, %swap3A_1416], %swap3A_1419 {strides = array<i32>} : memref<16x128xi32, #tpu.memory_space<vmem>>, vector<1x16xi32>,
    %add3A_1420 = arith.constant 49152 : i32
    %add3A_1421 = arith.addi %add3A_1389, %add3A_1420 : i32
    %add3A_1422 = vector.broadcast %add3A_1421 : i32 to vector<16xi32>
    %add3A_1423 = arith.addi %mul3A_3, %add3A_1422 : vector<16xi32>
    %swap3A_1424 = arith.constant 7 : i32
    %swap3A_1425 = arith.index_cast %swap3A_1424 : i32 to index
    %swap3A_1426 = arith.constant 48 : index
    %swap3A_1427 = tpu.vector_load %arg4[%swap3A_1425, %swap3A_1426] {strides = array<i32>} : memref<16x128xi32, #tpu.memory_space<vmem>>, vector<1x16xi32>,
    %swap3A_1428 = vector.shape_cast %swap3A_1427 : vector<1x16xi32> to vector<16xi32>
    %swap3A_1429 = vector.shape_cast %add3A_1423 : vector<16xi32> to vector<1x16xi32>
    tpu.vector_store %arg4[%swap3A_1425, %swap3A_1426], %swap3A_1429 {strides = array<i32>} : memref<16x128xi32, #tpu.memory_space<vmem>>, vector<1x16xi32>,
    %add3A_1430 = arith.constant 65536 : i32
    %add3A_1431 = arith.addi %add3A_1389, %add3A_1430 : i32
    %add3A_1432 = vector.broadcast %add3A_1431 : i32 to vector<16xi32>
    %add3A_1433 = arith.addi %mul3A_3, %add3A_1432 : vector<16xi32>
    %swap3A_1434 = arith.constant 7 : i32
    %swap3A_1435 = arith.index_cast %swap3A_1434 : i32 to index
    %swap3A_1436 = arith.constant 64 : index
    %swap3A_1437 = tpu.vector_load %arg4[%swap3A_1435, %swap3A_1436] {strides = array<i32>} : memref<16x128xi32, #tpu.memory_space<vmem>>, vector<1x16xi32>,
    %swap3A_1438 = vector.shape_cast %swap3A_1437 : vector<1x16xi32> to vector<16xi32>
    %swap3A_1439 = vector.shape_cast %add3A_1433 : vector<16xi32> to vector<1x16xi32>
    tpu.vector_store %arg4[%swap3A_1435, %swap3A_1436], %swap3A_1439 {strides = array<i32>} : memref<16x128xi32, #tpu.memory_space<vmem>>, vector<1x16xi32>,
    %add3A_1440 = arith.constant 81920 : i32
    %add3A_1441 = arith.addi %add3A_1389, %add3A_1440 : i32
    %add3A_1442 = vector.broadcast %add3A_1441 : i32 to vector<16xi32>
    %add3A_1443 = arith.addi %mul3A_3, %add3A_1442 : vector<16xi32>
    %swap3A_1444 = arith.constant 7 : i32
    %swap3A_1445 = arith.index_cast %swap3A_1444 : i32 to index
    %swap3A_1446 = arith.constant 80 : index
    %swap3A_1447 = tpu.vector_load %arg4[%swap3A_1445, %swap3A_1446] {strides = array<i32>} : memref<16x128xi32, #tpu.memory_space<vmem>>, vector<1x16xi32>,
    %swap3A_1448 = vector.shape_cast %swap3A_1447 : vector<1x16xi32> to vector<16xi32>
    %swap3A_1449 = vector.shape_cast %add3A_1443 : vector<16xi32> to vector<1x16xi32>
    tpu.vector_store %arg4[%swap3A_1445, %swap3A_1446], %swap3A_1449 {strides = array<i32>} : memref<16x128xi32, #tpu.memory_space<vmem>>, vector<1x16xi32>,
    %add3A_1450 = arith.constant 98304 : i32
    %add3A_1451 = arith.addi %add3A_1389, %add3A_1450 : i32
    %add3A_1452 = vector.broadcast %add3A_1451 : i32 to vector<16xi32>
    %add3A_1453 = arith.addi %mul3A_3, %add3A_1452 : vector<16xi32>
    %swap3A_1454 = arith.constant 7 : i32
    %swap3A_1455 = arith.index_cast %swap3A_1454 : i32 to index
    %swap3A_1456 = arith.constant 96 : index
    %swap3A_1457 = tpu.vector_load %arg4[%swap3A_1455, %swap3A_1456] {strides = array<i32>} : memref<16x128xi32, #tpu.memory_space<vmem>>, vector<1x16xi32>,
    %swap3A_1458 = vector.shape_cast %swap3A_1457 : vector<1x16xi32> to vector<16xi32>
    %swap3A_1459 = vector.shape_cast %add3A_1453 : vector<16xi32> to vector<1x16xi32>
    tpu.vector_store %arg4[%swap3A_1455, %swap3A_1456], %swap3A_1459 {strides = array<i32>} : memref<16x128xi32, #tpu.memory_space<vmem>>, vector<1x16xi32>,
    %add3A_1460 = arith.constant 114688 : i32
    %add3A_1461 = arith.addi %add3A_1389, %add3A_1460 : i32
    %add3A_1462 = vector.broadcast %add3A_1461 : i32 to vector<16xi32>
    %add3A_1463 = arith.addi %mul3A_3, %add3A_1462 : vector<16xi32>
    %swap3A_1464 = arith.constant 7 : i32
    %swap3A_1465 = arith.index_cast %swap3A_1464 : i32 to index
    %swap3A_1466 = arith.constant 112 : index
    %swap3A_1467 = tpu.vector_load %arg4[%swap3A_1465, %swap3A_1466] {strides = array<i32>} : memref<16x128xi32, #tpu.memory_space<vmem>>, vector<1x16xi32>,
    %swap3A_1468 = vector.shape_cast %swap3A_1467 : vector<1x16xi32> to vector<16xi32>
    %swap3A_1469 = vector.shape_cast %add3A_1463 : vector<16xi32> to vector<1x16xi32>
    tpu.vector_store %arg4[%swap3A_1465, %swap3A_1466], %swap3A_1469 {strides = array<i32>} : memref<16x128xi32, #tpu.memory_space<vmem>>, vector<1x16xi32>,
    %dma_start3A_1470 = arith.constant 7 : i32
    %dma_start3A_1471 = arith.constant 7 : i32
    %dma_start3A_1472 = arith.constant 0 : i32
    %dma_start3A_1473 = tpu.memref_slice %arg5[%dma_start3A_1471, %dma_start3A_1472] : memref<16x128xf32, #tpu.memory_space<vmem>> -> memref<1x128xf32, #tpu.memory_space<vmem>>
    %dma_start3A_1474 = tpu.memref_squeeze %dma_start3A_1473 : memref<1x128xf32, #tpu.memory_space<vmem>> -> memref<128xf32, #tpu.memory_space<vmem>>
    %dma_start3A_1475 = arith.constant 0 : i32
    %dma_start3A_1476 = tpu.memref_slice %arg4[%dma_start3A_1470, %dma_start3A_1475] : memref<16x128xi32, #tpu.memory_space<vmem>> -> memref<1x128xi32, #tpu.memory_space<vmem>>
    %dma_start3A_1477 = tpu.memref_squeeze %dma_start3A_1476 : memref<1x128xi32, #tpu.memory_space<vmem>> -> memref<128xi32, #tpu.memory_space<vmem>>
    %dma_start3A_1478 = arith.constant 0 : i32
    %dma_start3A_1479 = tpu.memref_slice %arg2[%dma_start3A_1478] : memref<4259840xf32, #tpu.memory_space<hbm>> -> memref<4259840xf32, #tpu.memory_space<hbm>>
    tpu.enqueue_indirect_dma source(%dma_start3A_1479 : memref<4259840xf32, #tpu.memory_space<hbm>>) target(%dma_start3A_1474 : memref<128xf32, #tpu.memory_space<vmem>>) offsets(%dma_start3A_1477 : memref<128xi32, #tpu.memory_space<vmem>>) semaphore(%arg6 : memref<!tpu.dma_semaphore, #tpu.memory_space<semaphore_mem>>)
    %mul3A_1480 = arith.constant 16 : i32
    %mul3A_1481 = arith.muli %add3A, %mul3A_1480 : i32
    %add3A_1482 = arith.constant 8 : i32
    %add3A_1483 = arith.addi %mul3A_1481, %add3A_1482 : i32
    %jit3A_1484 = arith.constant 64 : i32
    %div3A_1485 = arith.divsi %add3A_1483, %jit3A_1484 : i32
    %sign3A_1486 = arith.constant 0 : i32
    %sign3A_1487 = arith.cmpi sgt, %add3A_1483, %sign3A_1486 : i32
    %sign3A_1488 = arith.extui %sign3A_1487 : i1 to i32
    %sign3A_1489 = arith.constant 0 : i32
    %sign3A_1490 = arith.cmpi slt, %add3A_1483, %sign3A_1489 : i32
    %sign3A_1491 = arith.extui %sign3A_1490 : i1 to i32
    %sign3A_1492 = arith.subi %sign3A_1488, %sign3A_1491 : i32
    %sign3A_1493 = arith.constant 0 : i32
    %sign3A_1494 = arith.cmpi sgt, %jit3A_1484, %sign3A_1493 : i32
    %sign3A_1495 = arith.extui %sign3A_1494 : i1 to i32
    %sign3A_1496 = arith.constant 0 : i32
    %sign3A_1497 = arith.cmpi slt, %jit3A_1484, %sign3A_1496 : i32
    %sign3A_1498 = arith.extui %sign3A_1497 : i1 to i32
    %sign3A_1499 = arith.subi %sign3A_1495, %sign3A_1498 : i32
    %ne3A_1500 = arith.cmpi ne, %sign3A_1492, %sign3A_1499 : i32
    %rem3A_1501 = arith.remsi %add3A_1483, %jit3A_1484 : i32
    %ne3A_1502 = arith.constant 0 : i32
    %ne3A_1503 = arith.cmpi ne, %rem3A_1501, %ne3A_1502 : i32
    %and3A_1504 = arith.andi %ne3A_1500, %ne3A_1503 : i1
    %sub3A_1505 = arith.constant 1 : i32
    %sub3A_1506 = arith.subi %div3A_1485, %sub3A_1505 : i32
    %select_n3A_1507 = arith.select %and3A_1504, %sub3A_1506, %div3A_1485 : i32
    %jit3A_1508 = arith.constant 64 : i32
    %eq3A_1509 = arith.constant 0 : i32
    %eq3A_1510 = arith.cmpi eq, %jit3A_1508, %eq3A_1509 : i32
    %jit3A_1511 = arith.constant 1 : i32
    %select_n3A_1512 = arith.select %eq3A_1510, %jit3A_1511, %jit3A_1508 : i32
    %rem3A_1513 = arith.remsi %add3A_1483, %select_n3A_1512 : i32
    %ne3A_1514 = arith.constant 0 : i32
    %ne3A_1515 = arith.cmpi ne, %rem3A_1513, %ne3A_1514 : i32
    %lt3A_1516 = arith.constant 0 : i32
    %lt3A_1517 = arith.cmpi slt, %rem3A_1513, %lt3A_1516 : i32
    %lt3A_1518 = arith.constant 0 : i32
    %lt3A_1519 = arith.cmpi slt, %select_n3A_1512, %lt3A_1518 : i32
    %ne3A_1520 = arith.xori %lt3A_1517, %lt3A_1519 : i1
    %and3A_1521 = arith.andi %ne3A_1520, %ne3A_1515 : i1
    %add3A_1522 = arith.addi %rem3A_1513, %select_n3A_1512 : i32
    %select_n3A_1523 = arith.select %and3A_1521, %add3A_1522, %rem3A_1513 : i32
    %jit3A_1524 = arith.constant 8 : i32
    %div3A_1525 = arith.divsi %select_n3A_1523, %jit3A_1524 : i32
    %sign3A_1526 = arith.constant 0 : i32
    %sign3A_1527 = arith.cmpi sgt, %select_n3A_1523, %sign3A_1526 : i32
    %sign3A_1528 = arith.extui %sign3A_1527 : i1 to i32
    %sign3A_1529 = arith.constant 0 : i32
    %sign3A_1530 = arith.cmpi slt, %select_n3A_1523, %sign3A_1529 : i32
    %sign3A_1531 = arith.extui %sign3A_1530 : i1 to i32
    %sign3A_1532 = arith.subi %sign3A_1528, %sign3A_1531 : i32
    %sign3A_1533 = arith.constant 0 : i32
    %sign3A_1534 = arith.cmpi sgt, %jit3A_1524, %sign3A_1533 : i32
    %sign3A_1535 = arith.extui %sign3A_1534 : i1 to i32
    %sign3A_1536 = arith.constant 0 : i32
    %sign3A_1537 = arith.cmpi slt, %jit3A_1524, %sign3A_1536 : i32
    %sign3A_1538 = arith.extui %sign3A_1537 : i1 to i32
    %sign3A_1539 = arith.subi %sign3A_1535, %sign3A_1538 : i32
    %ne3A_1540 = arith.cmpi ne, %sign3A_1532, %sign3A_1539 : i32
    %rem3A_1541 = arith.remsi %select_n3A_1523, %jit3A_1524 : i32
    %ne3A_1542 = arith.constant 0 : i32
    %ne3A_1543 = arith.cmpi ne, %rem3A_1541, %ne3A_1542 : i32
    %and3A_1544 = arith.andi %ne3A_1540, %ne3A_1543 : i1
    %sub3A_1545 = arith.constant 1 : i32
    %sub3A_1546 = arith.subi %div3A_1525, %sub3A_1545 : i32
    %select_n3A_1547 = arith.select %and3A_1544, %sub3A_1546, %div3A_1525 : i32
    %mul3A_1548 = arith.constant 520 : i32
    %mul3A_1549 = arith.muli %select_n3A_1547, %mul3A_1548 : i32
    %add3A_1550 = arith.constant 8 : i32
    %add3A_1551 = arith.addi %mul3A_1549, %add3A_1550 : i32
    %mul3A_1552 = arith.constant 128 : i32
    %mul3A_1553 = arith.muli %select_n3A_1507, %mul3A_1552 : i32
    %add3A_1554 = arith.addi %add3A_1551, %mul3A_1553 : i32
    %mul3A_1555 = arith.constant 1024 : i32
    %mul3A_1556 = arith.muli %add3A_1554, %mul3A_1555 : i32
    %jit3A_1557 = arith.constant 8 : i32
    %eq3A_1558 = arith.constant 0 : i32
    %eq3A_1559 = arith.cmpi eq, %jit3A_1557, %eq3A_1558 : i32
    %jit3A_1560 = arith.constant 1 : i32
    %select_n3A_1561 = arith.select %eq3A_1559, %jit3A_1560, %jit3A_1557 : i32
    %rem3A_1562 = arith.remsi %select_n3A_1523, %select_n3A_1561 : i32
    %ne3A_1563 = arith.constant 0 : i32
    %ne3A_1564 = arith.cmpi ne, %rem3A_1562, %ne3A_1563 : i32
    %lt3A_1565 = arith.constant 0 : i32
    %lt3A_1566 = arith.cmpi slt, %rem3A_1562, %lt3A_1565 : i32
    %lt3A_1567 = arith.constant 0 : i32
    %lt3A_1568 = arith.cmpi slt, %select_n3A_1561, %lt3A_1567 : i32
    %ne3A_1569 = arith.xori %lt3A_1566, %lt3A_1568 : i1
    %and3A_1570 = arith.andi %ne3A_1569, %ne3A_1564 : i1
    %add3A_1571 = arith.addi %rem3A_1562, %select_n3A_1561 : i32
    %select_n3A_1572 = arith.select %and3A_1570, %add3A_1571, %rem3A_1562 : i32
    %mul3A_1573 = arith.constant 128 : i32
    %mul3A_1574 = arith.muli %select_n3A_1572, %mul3A_1573 : i32
    %add3A_1575 = arith.addi %mul3A_1556, %mul3A_1574 : i32
    %add3A_1576 = arith.constant 0 : i32
    %add3A_1577 = arith.addi %add3A_1575, %add3A_1576 : i32
    %add3A_1578 = vector.broadcast %add3A_1577 : i32 to vector<16xi32>
    %add3A_1579 = arith.addi %mul3A_3, %add3A_1578 : vector<16xi32>
    %swap3A_1580 = arith.constant 8 : i32
    %swap3A_1581 = arith.index_cast %swap3A_1580 : i32 to index
    %swap3A_1582 = arith.constant 0 : index
    %swap3A_1583 = tpu.vector_load %arg4[%swap3A_1581, %swap3A_1582] {strides = array<i32>} : memref<16x128xi32, #tpu.memory_space<vmem>>, vector<1x16xi32>,
    %swap3A_1584 = vector.shape_cast %swap3A_1583 : vector<1x16xi32> to vector<16xi32>
    %swap3A_1585 = vector.shape_cast %add3A_1579 : vector<16xi32> to vector<1x16xi32>
    tpu.vector_store %arg4[%swap3A_1581, %swap3A_1582], %swap3A_1585 {strides = array<i32>} : memref<16x128xi32, #tpu.memory_space<vmem>>, vector<1x16xi32>,
    %add3A_1586 = arith.constant 16384 : i32
    %add3A_1587 = arith.addi %add3A_1575, %add3A_1586 : i32
    %add3A_1588 = vector.broadcast %add3A_1587 : i32 to vector<16xi32>
    %add3A_1589 = arith.addi %mul3A_3, %add3A_1588 : vector<16xi32>
    %swap3A_1590 = arith.constant 8 : i32
    %swap3A_1591 = arith.index_cast %swap3A_1590 : i32 to index
    %swap3A_1592 = arith.constant 16 : index
    %swap3A_1593 = tpu.vector_load %arg4[%swap3A_1591, %swap3A_1592] {strides = array<i32>} : memref<16x128xi32, #tpu.memory_space<vmem>>, vector<1x16xi32>,
    %swap3A_1594 = vector.shape_cast %swap3A_1593 : vector<1x16xi32> to vector<16xi32>
    %swap3A_1595 = vector.shape_cast %add3A_1589 : vector<16xi32> to vector<1x16xi32>
    tpu.vector_store %arg4[%swap3A_1591, %swap3A_1592], %swap3A_1595 {strides = array<i32>} : memref<16x128xi32, #tpu.memory_space<vmem>>, vector<1x16xi32>,
    %add3A_1596 = arith.constant 32768 : i32
    %add3A_1597 = arith.addi %add3A_1575, %add3A_1596 : i32
    %add3A_1598 = vector.broadcast %add3A_1597 : i32 to vector<16xi32>
    %add3A_1599 = arith.addi %mul3A_3, %add3A_1598 : vector<16xi32>
    %swap3A_1600 = arith.constant 8 : i32
    %swap3A_1601 = arith.index_cast %swap3A_1600 : i32 to index
    %swap3A_1602 = arith.constant 32 : index
    %swap3A_1603 = tpu.vector_load %arg4[%swap3A_1601, %swap3A_1602] {strides = array<i32>} : memref<16x128xi32, #tpu.memory_space<vmem>>, vector<1x16xi32>,
    %swap3A_1604 = vector.shape_cast %swap3A_1603 : vector<1x16xi32> to vector<16xi32>
    %swap3A_1605 = vector.shape_cast %add3A_1599 : vector<16xi32> to vector<1x16xi32>
    tpu.vector_store %arg4[%swap3A_1601, %swap3A_1602], %swap3A_1605 {strides = array<i32>} : memref<16x128xi32, #tpu.memory_space<vmem>>, vector<1x16xi32>,
    %add3A_1606 = arith.constant 49152 : i32
    %add3A_1607 = arith.addi %add3A_1575, %add3A_1606 : i32
    %add3A_1608 = vector.broadcast %add3A_1607 : i32 to vector<16xi32>
    %add3A_1609 = arith.addi %mul3A_3, %add3A_1608 : vector<16xi32>
    %swap3A_1610 = arith.constant 8 : i32
    %swap3A_1611 = arith.index_cast %swap3A_1610 : i32 to index
    %swap3A_1612 = arith.constant 48 : index
    %swap3A_1613 = tpu.vector_load %arg4[%swap3A_1611, %swap3A_1612] {strides = array<i32>} : memref<16x128xi32, #tpu.memory_space<vmem>>, vector<1x16xi32>,
    %swap3A_1614 = vector.shape_cast %swap3A_1613 : vector<1x16xi32> to vector<16xi32>
    %swap3A_1615 = vector.shape_cast %add3A_1609 : vector<16xi32> to vector<1x16xi32>
    tpu.vector_store %arg4[%swap3A_1611, %swap3A_1612], %swap3A_1615 {strides = array<i32>} : memref<16x128xi32, #tpu.memory_space<vmem>>, vector<1x16xi32>,
    %add3A_1616 = arith.constant 65536 : i32
    %add3A_1617 = arith.addi %add3A_1575, %add3A_1616 : i32
    %add3A_1618 = vector.broadcast %add3A_1617 : i32 to vector<16xi32>
    %add3A_1619 = arith.addi %mul3A_3, %add3A_1618 : vector<16xi32>
    %swap3A_1620 = arith.constant 8 : i32
    %swap3A_1621 = arith.index_cast %swap3A_1620 : i32 to index
    %swap3A_1622 = arith.constant 64 : index
    %swap3A_1623 = tpu.vector_load %arg4[%swap3A_1621, %swap3A_1622] {strides = array<i32>} : memref<16x128xi32, #tpu.memory_space<vmem>>, vector<1x16xi32>,
    %swap3A_1624 = vector.shape_cast %swap3A_1623 : vector<1x16xi32> to vector<16xi32>
    %swap3A_1625 = vector.shape_cast %add3A_1619 : vector<16xi32> to vector<1x16xi32>
    tpu.vector_store %arg4[%swap3A_1621, %swap3A_1622], %swap3A_1625 {strides = array<i32>} : memref<16x128xi32, #tpu.memory_space<vmem>>, vector<1x16xi32>,
    %add3A_1626 = arith.constant 81920 : i32
    %add3A_1627 = arith.addi %add3A_1575, %add3A_1626 : i32
    %add3A_1628 = vector.broadcast %add3A_1627 : i32 to vector<16xi32>
    %add3A_1629 = arith.addi %mul3A_3, %add3A_1628 : vector<16xi32>
    %swap3A_1630 = arith.constant 8 : i32
    %swap3A_1631 = arith.index_cast %swap3A_1630 : i32 to index
    %swap3A_1632 = arith.constant 80 : index
    %swap3A_1633 = tpu.vector_load %arg4[%swap3A_1631, %swap3A_1632] {strides = array<i32>} : memref<16x128xi32, #tpu.memory_space<vmem>>, vector<1x16xi32>,
    %swap3A_1634 = vector.shape_cast %swap3A_1633 : vector<1x16xi32> to vector<16xi32>
    %swap3A_1635 = vector.shape_cast %add3A_1629 : vector<16xi32> to vector<1x16xi32>
    tpu.vector_store %arg4[%swap3A_1631, %swap3A_1632], %swap3A_1635 {strides = array<i32>} : memref<16x128xi32, #tpu.memory_space<vmem>>, vector<1x16xi32>,
    %add3A_1636 = arith.constant 98304 : i32
    %add3A_1637 = arith.addi %add3A_1575, %add3A_1636 : i32
    %add3A_1638 = vector.broadcast %add3A_1637 : i32 to vector<16xi32>
    %add3A_1639 = arith.addi %mul3A_3, %add3A_1638 : vector<16xi32>
    %swap3A_1640 = arith.constant 8 : i32
    %swap3A_1641 = arith.index_cast %swap3A_1640 : i32 to index
    %swap3A_1642 = arith.constant 96 : index
    %swap3A_1643 = tpu.vector_load %arg4[%swap3A_1641, %swap3A_1642] {strides = array<i32>} : memref<16x128xi32, #tpu.memory_space<vmem>>, vector<1x16xi32>,
    %swap3A_1644 = vector.shape_cast %swap3A_1643 : vector<1x16xi32> to vector<16xi32>
    %swap3A_1645 = vector.shape_cast %add3A_1639 : vector<16xi32> to vector<1x16xi32>
    tpu.vector_store %arg4[%swap3A_1641, %swap3A_1642], %swap3A_1645 {strides = array<i32>} : memref<16x128xi32, #tpu.memory_space<vmem>>, vector<1x16xi32>,
    %add3A_1646 = arith.constant 114688 : i32
    %add3A_1647 = arith.addi %add3A_1575, %add3A_1646 : i32
    %add3A_1648 = vector.broadcast %add3A_1647 : i32 to vector<16xi32>
    %add3A_1649 = arith.addi %mul3A_3, %add3A_1648 : vector<16xi32>
    %swap3A_1650 = arith.constant 8 : i32
    %swap3A_1651 = arith.index_cast %swap3A_1650 : i32 to index
    %swap3A_1652 = arith.constant 112 : index
    %swap3A_1653 = tpu.vector_load %arg4[%swap3A_1651, %swap3A_1652] {strides = array<i32>} : memref<16x128xi32, #tpu.memory_space<vmem>>, vector<1x16xi32>,
    %swap3A_1654 = vector.shape_cast %swap3A_1653 : vector<1x16xi32> to vector<16xi32>
    %swap3A_1655 = vector.shape_cast %add3A_1649 : vector<16xi32> to vector<1x16xi32>
    tpu.vector_store %arg4[%swap3A_1651, %swap3A_1652], %swap3A_1655 {strides = array<i32>} : memref<16x128xi32, #tpu.memory_space<vmem>>, vector<1x16xi32>,
    %dma_start3A_1656 = arith.constant 8 : i32
    %dma_start3A_1657 = arith.constant 8 : i32
    %dma_start3A_1658 = arith.constant 0 : i32
    %dma_start3A_1659 = tpu.memref_slice %arg5[%dma_start3A_1657, %dma_start3A_1658] : memref<16x128xf32, #tpu.memory_space<vmem>> -> memref<1x128xf32, #tpu.memory_space<vmem>>
    %dma_start3A_1660 = tpu.memref_squeeze %dma_start3A_1659 : memref<1x128xf32, #tpu.memory_space<vmem>> -> memref<128xf32, #tpu.memory_space<vmem>>
    %dma_start3A_1661 = arith.constant 0 : i32
    %dma_start3A_1662 = tpu.memref_slice %arg4[%dma_start3A_1656, %dma_start3A_1661] : memref<16x128xi32, #tpu.memory_space<vmem>> -> memref<1x128xi32, #tpu.memory_space<vmem>>
    %dma_start3A_1663 = tpu.memref_squeeze %dma_start3A_1662 : memref<1x128xi32, #tpu.memory_space<vmem>> -> memref<128xi32, #tpu.memory_space<vmem>>
    %dma_start3A_1664 = arith.constant 0 : i32
    %dma_start3A_1665 = tpu.memref_slice %arg2[%dma_start3A_1664] : memref<4259840xf32, #tpu.memory_space<hbm>> -> memref<4259840xf32, #tpu.memory_space<hbm>>
    tpu.enqueue_indirect_dma source(%dma_start3A_1665 : memref<4259840xf32, #tpu.memory_space<hbm>>) target(%dma_start3A_1660 : memref<128xf32, #tpu.memory_space<vmem>>) offsets(%dma_start3A_1663 : memref<128xi32, #tpu.memory_space<vmem>>) semaphore(%arg6 : memref<!tpu.dma_semaphore, #tpu.memory_space<semaphore_mem>>)
    %mul3A_1666 = arith.constant 16 : i32
    %mul3A_1667 = arith.muli %add3A, %mul3A_1666 : i32
    %add3A_1668 = arith.constant 9 : i32
    %add3A_1669 = arith.addi %mul3A_1667, %add3A_1668 : i32
    %jit3A_1670 = arith.constant 64 : i32
    %div3A_1671 = arith.divsi %add3A_1669, %jit3A_1670 : i32
    %sign3A_1672 = arith.constant 0 : i32
    %sign3A_1673 = arith.cmpi sgt, %add3A_1669, %sign3A_1672 : i32
    %sign3A_1674 = arith.extui %sign3A_1673 : i1 to i32
    %sign3A_1675 = arith.constant 0 : i32
    %sign3A_1676 = arith.cmpi slt, %add3A_1669, %sign3A_1675 : i32
    %sign3A_1677 = arith.extui %sign3A_1676 : i1 to i32
    %sign3A_1678 = arith.subi %sign3A_1674, %sign3A_1677 : i32
    %sign3A_1679 = arith.constant 0 : i32
    %sign3A_1680 = arith.cmpi sgt, %jit3A_1670, %sign3A_1679 : i32
    %sign3A_1681 = arith.extui %sign3A_1680 : i1 to i32
    %sign3A_1682 = arith.constant 0 : i32
    %sign3A_1683 = arith.cmpi slt, %jit3A_1670, %sign3A_1682 : i32
    %sign3A_1684 = arith.extui %sign3A_1683 : i1 to i32
    %sign3A_1685 = arith.subi %sign3A_1681, %sign3A_1684 : i32
    %ne3A_1686 = arith.cmpi ne, %sign3A_1678, %sign3A_1685 : i32
    %rem3A_1687 = arith.remsi %add3A_1669, %jit3A_1670 : i32
    %ne3A_1688 = arith.constant 0 : i32
    %ne3A_1689 = arith.cmpi ne, %rem3A_1687, %ne3A_1688 : i32
    %and3A_1690 = arith.andi %ne3A_1686, %ne3A_1689 : i1
    %sub3A_1691 = arith.constant 1 : i32
    %sub3A_1692 = arith.subi %div3A_1671, %sub3A_1691 : i32
    %select_n3A_1693 = arith.select %and3A_1690, %sub3A_1692, %div3A_1671 : i32
    %jit3A_1694 = arith.constant 64 : i32
    %eq3A_1695 = arith.constant 0 : i32
    %eq3A_1696 = arith.cmpi eq, %jit3A_1694, %eq3A_1695 : i32
    %jit3A_1697 = arith.constant 1 : i32
    %select_n3A_1698 = arith.select %eq3A_1696, %jit3A_1697, %jit3A_1694 : i32
    %rem3A_1699 = arith.remsi %add3A_1669, %select_n3A_1698 : i32
    %ne3A_1700 = arith.constant 0 : i32
    %ne3A_1701 = arith.cmpi ne, %rem3A_1699, %ne3A_1700 : i32
    %lt3A_1702 = arith.constant 0 : i32
    %lt3A_1703 = arith.cmpi slt, %rem3A_1699, %lt3A_1702 : i32
    %lt3A_1704 = arith.constant 0 : i32
    %lt3A_1705 = arith.cmpi slt, %select_n3A_1698, %lt3A_1704 : i32
    %ne3A_1706 = arith.xori %lt3A_1703, %lt3A_1705 : i1
    %and3A_1707 = arith.andi %ne3A_1706, %ne3A_1701 : i1
    %add3A_1708 = arith.addi %rem3A_1699, %select_n3A_1698 : i32
    %select_n3A_1709 = arith.select %and3A_1707, %add3A_1708, %rem3A_1699 : i32
    %jit3A_1710 = arith.constant 8 : i32
    %div3A_1711 = arith.divsi %select_n3A_1709, %jit3A_1710 : i32
    %sign3A_1712 = arith.constant 0 : i32
    %sign3A_1713 = arith.cmpi sgt, %select_n3A_1709, %sign3A_1712 : i32
    %sign3A_1714 = arith.extui %sign3A_1713 : i1 to i32
    %sign3A_1715 = arith.constant 0 : i32
    %sign3A_1716 = arith.cmpi slt, %select_n3A_1709, %sign3A_1715 : i32
    %sign3A_1717 = arith.extui %sign3A_1716 : i1 to i32
    %sign3A_1718 = arith.subi %sign3A_1714, %sign3A_1717 : i32
    %sign3A_1719 = arith.constant 0 : i32
    %sign3A_1720 = arith.cmpi sgt, %jit3A_1710, %sign3A_1719 : i32
    %sign3A_1721 = arith.extui %sign3A_1720 : i1 to i32
    %sign3A_1722 = arith.constant 0 : i32
    %sign3A_1723 = arith.cmpi slt, %jit3A_1710, %sign3A_1722 : i32
    %sign3A_1724 = arith.extui %sign3A_1723 : i1 to i32
    %sign3A_1725 = arith.subi %sign3A_1721, %sign3A_1724 : i32
    %ne3A_1726 = arith.cmpi ne, %sign3A_1718, %sign3A_1725 : i32
    %rem3A_1727 = arith.remsi %select_n3A_1709, %jit3A_1710 : i32
    %ne3A_1728 = arith.constant 0 : i32
    %ne3A_1729 = arith.cmpi ne, %rem3A_1727, %ne3A_1728 : i32
    %and3A_1730 = arith.andi %ne3A_1726, %ne3A_1729 : i1
    %sub3A_1731 = arith.constant 1 : i32
    %sub3A_1732 = arith.subi %div3A_1711, %sub3A_1731 : i32
    %select_n3A_1733 = arith.select %and3A_1730, %sub3A_1732, %div3A_1711 : i32
    %mul3A_1734 = arith.constant 520 : i32
    %mul3A_1735 = arith.muli %select_n3A_1733, %mul3A_1734 : i32
    %add3A_1736 = arith.constant 8 : i32
    %add3A_1737 = arith.addi %mul3A_1735, %add3A_1736 : i32
    %mul3A_1738 = arith.constant 128 : i32
    %mul3A_1739 = arith.muli %select_n3A_1693, %mul3A_1738 : i32
    %add3A_1740 = arith.addi %add3A_1737, %mul3A_1739 : i32
    %mul3A_1741 = arith.constant 1024 : i32
    %mul3A_1742 = arith.muli %add3A_1740, %mul3A_1741 : i32
    %jit3A_1743 = arith.constant 8 : i32
    %eq3A_1744 = arith.constant 0 : i32
    %eq3A_1745 = arith.cmpi eq, %jit3A_1743, %eq3A_1744 : i32
    %jit3A_1746 = arith.constant 1 : i32
    %select_n3A_1747 = arith.select %eq3A_1745, %jit3A_1746, %jit3A_1743 : i32
    %rem3A_1748 = arith.remsi %select_n3A_1709, %select_n3A_1747 : i32
    %ne3A_1749 = arith.constant 0 : i32
    %ne3A_1750 = arith.cmpi ne, %rem3A_1748, %ne3A_1749 : i32
    %lt3A_1751 = arith.constant 0 : i32
    %lt3A_1752 = arith.cmpi slt, %rem3A_1748, %lt3A_1751 : i32
    %lt3A_1753 = arith.constant 0 : i32
    %lt3A_1754 = arith.cmpi slt, %select_n3A_1747, %lt3A_1753 : i32
    %ne3A_1755 = arith.xori %lt3A_1752, %lt3A_1754 : i1
    %and3A_1756 = arith.andi %ne3A_1755, %ne3A_1750 : i1
    %add3A_1757 = arith.addi %rem3A_1748, %select_n3A_1747 : i32
    %select_n3A_1758 = arith.select %and3A_1756, %add3A_1757, %rem3A_1748 : i32
    %mul3A_1759 = arith.constant 128 : i32
    %mul3A_1760 = arith.muli %select_n3A_1758, %mul3A_1759 : i32
    %add3A_1761 = arith.addi %mul3A_1742, %mul3A_1760 : i32
    %add3A_1762 = arith.constant 0 : i32
    %add3A_1763 = arith.addi %add3A_1761, %add3A_1762 : i32
    %add3A_1764 = vector.broadcast %add3A_1763 : i32 to vector<16xi32>
    %add3A_1765 = arith.addi %mul3A_3, %add3A_1764 : vector<16xi32>
    %swap3A_1766 = arith.constant 9 : i32
    %swap3A_1767 = arith.index_cast %swap3A_1766 : i32 to index
    %swap3A_1768 = arith.constant 0 : index
    %swap3A_1769 = tpu.vector_load %arg4[%swap3A_1767, %swap3A_1768] {strides = array<i32>} : memref<16x128xi32, #tpu.memory_space<vmem>>, vector<1x16xi32>,
    %swap3A_1770 = vector.shape_cast %swap3A_1769 : vector<1x16xi32> to vector<16xi32>
    %swap3A_1771 = vector.shape_cast %add3A_1765 : vector<16xi32> to vector<1x16xi32>
    tpu.vector_store %arg4[%swap3A_1767, %swap3A_1768], %swap3A_1771 {strides = array<i32>} : memref<16x128xi32, #tpu.memory_space<vmem>>, vector<1x16xi32>,
    %add3A_1772 = arith.constant 16384 : i32
    %add3A_1773 = arith.addi %add3A_1761, %add3A_1772 : i32
    %add3A_1774 = vector.broadcast %add3A_1773 : i32 to vector<16xi32>
    %add3A_1775 = arith.addi %mul3A_3, %add3A_1774 : vector<16xi32>
    %swap3A_1776 = arith.constant 9 : i32
    %swap3A_1777 = arith.index_cast %swap3A_1776 : i32 to index
    %swap3A_1778 = arith.constant 16 : index
    %swap3A_1779 = tpu.vector_load %arg4[%swap3A_1777, %swap3A_1778] {strides = array<i32>} : memref<16x128xi32, #tpu.memory_space<vmem>>, vector<1x16xi32>,
    %swap3A_1780 = vector.shape_cast %swap3A_1779 : vector<1x16xi32> to vector<16xi32>
    %swap3A_1781 = vector.shape_cast %add3A_1775 : vector<16xi32> to vector<1x16xi32>
    tpu.vector_store %arg4[%swap3A_1777, %swap3A_1778], %swap3A_1781 {strides = array<i32>} : memref<16x128xi32, #tpu.memory_space<vmem>>, vector<1x16xi32>,
    %add3A_1782 = arith.constant 32768 : i32
    %add3A_1783 = arith.addi %add3A_1761, %add3A_1782 : i32
    %add3A_1784 = vector.broadcast %add3A_1783 : i32 to vector<16xi32>
    %add3A_1785 = arith.addi %mul3A_3, %add3A_1784 : vector<16xi32>
    %swap3A_1786 = arith.constant 9 : i32
    %swap3A_1787 = arith.index_cast %swap3A_1786 : i32 to index
    %swap3A_1788 = arith.constant 32 : index
    %swap3A_1789 = tpu.vector_load %arg4[%swap3A_1787, %swap3A_1788] {strides = array<i32>} : memref<16x128xi32, #tpu.memory_space<vmem>>, vector<1x16xi32>,
    %swap3A_1790 = vector.shape_cast %swap3A_1789 : vector<1x16xi32> to vector<16xi32>
    %swap3A_1791 = vector.shape_cast %add3A_1785 : vector<16xi32> to vector<1x16xi32>
    tpu.vector_store %arg4[%swap3A_1787, %swap3A_1788], %swap3A_1791 {strides = array<i32>} : memref<16x128xi32, #tpu.memory_space<vmem>>, vector<1x16xi32>,
    %add3A_1792 = arith.constant 49152 : i32
    %add3A_1793 = arith.addi %add3A_1761, %add3A_1792 : i32
    %add3A_1794 = vector.broadcast %add3A_1793 : i32 to vector<16xi32>
    %add3A_1795 = arith.addi %mul3A_3, %add3A_1794 : vector<16xi32>
    %swap3A_1796 = arith.constant 9 : i32
    %swap3A_1797 = arith.index_cast %swap3A_1796 : i32 to index
    %swap3A_1798 = arith.constant 48 : index
    %swap3A_1799 = tpu.vector_load %arg4[%swap3A_1797, %swap3A_1798] {strides = array<i32>} : memref<16x128xi32, #tpu.memory_space<vmem>>, vector<1x16xi32>,
    %swap3A_1800 = vector.shape_cast %swap3A_1799 : vector<1x16xi32> to vector<16xi32>
    %swap3A_1801 = vector.shape_cast %add3A_1795 : vector<16xi32> to vector<1x16xi32>
    tpu.vector_store %arg4[%swap3A_1797, %swap3A_1798], %swap3A_1801 {strides = array<i32>} : memref<16x128xi32, #tpu.memory_space<vmem>>, vector<1x16xi32>,
    %add3A_1802 = arith.constant 65536 : i32
    %add3A_1803 = arith.addi %add3A_1761, %add3A_1802 : i32
    %add3A_1804 = vector.broadcast %add3A_1803 : i32 to vector<16xi32>
    %add3A_1805 = arith.addi %mul3A_3, %add3A_1804 : vector<16xi32>
    %swap3A_1806 = arith.constant 9 : i32
    %swap3A_1807 = arith.index_cast %swap3A_1806 : i32 to index
    %swap3A_1808 = arith.constant 64 : index
    %swap3A_1809 = tpu.vector_load %arg4[%swap3A_1807, %swap3A_1808] {strides = array<i32>} : memref<16x128xi32, #tpu.memory_space<vmem>>, vector<1x16xi32>,
    %swap3A_1810 = vector.shape_cast %swap3A_1809 : vector<1x16xi32> to vector<16xi32>
    %swap3A_1811 = vector.shape_cast %add3A_1805 : vector<16xi32> to vector<1x16xi32>
    tpu.vector_store %arg4[%swap3A_1807, %swap3A_1808], %swap3A_1811 {strides = array<i32>} : memref<16x128xi32, #tpu.memory_space<vmem>>, vector<1x16xi32>,
    %add3A_1812 = arith.constant 81920 : i32
    %add3A_1813 = arith.addi %add3A_1761, %add3A_1812 : i32
    %add3A_1814 = vector.broadcast %add3A_1813 : i32 to vector<16xi32>
    %add3A_1815 = arith.addi %mul3A_3, %add3A_1814 : vector<16xi32>
    %swap3A_1816 = arith.constant 9 : i32
    %swap3A_1817 = arith.index_cast %swap3A_1816 : i32 to index
    %swap3A_1818 = arith.constant 80 : index
    %swap3A_1819 = tpu.vector_load %arg4[%swap3A_1817, %swap3A_1818] {strides = array<i32>} : memref<16x128xi32, #tpu.memory_space<vmem>>, vector<1x16xi32>,
    %swap3A_1820 = vector.shape_cast %swap3A_1819 : vector<1x16xi32> to vector<16xi32>
    %swap3A_1821 = vector.shape_cast %add3A_1815 : vector<16xi32> to vector<1x16xi32>
    tpu.vector_store %arg4[%swap3A_1817, %swap3A_1818], %swap3A_1821 {strides = array<i32>} : memref<16x128xi32, #tpu.memory_space<vmem>>, vector<1x16xi32>,
    %add3A_1822 = arith.constant 98304 : i32
    %add3A_1823 = arith.addi %add3A_1761, %add3A_1822 : i32
    %add3A_1824 = vector.broadcast %add3A_1823 : i32 to vector<16xi32>
    %add3A_1825 = arith.addi %mul3A_3, %add3A_1824 : vector<16xi32>
    %swap3A_1826 = arith.constant 9 : i32
    %swap3A_1827 = arith.index_cast %swap3A_1826 : i32 to index
    %swap3A_1828 = arith.constant 96 : index
    %swap3A_1829 = tpu.vector_load %arg4[%swap3A_1827, %swap3A_1828] {strides = array<i32>} : memref<16x128xi32, #tpu.memory_space<vmem>>, vector<1x16xi32>,
    %swap3A_1830 = vector.shape_cast %swap3A_1829 : vector<1x16xi32> to vector<16xi32>
    %swap3A_1831 = vector.shape_cast %add3A_1825 : vector<16xi32> to vector<1x16xi32>
    tpu.vector_store %arg4[%swap3A_1827, %swap3A_1828], %swap3A_1831 {strides = array<i32>} : memref<16x128xi32, #tpu.memory_space<vmem>>, vector<1x16xi32>,
    %add3A_1832 = arith.constant 114688 : i32
    %add3A_1833 = arith.addi %add3A_1761, %add3A_1832 : i32
    %add3A_1834 = vector.broadcast %add3A_1833 : i32 to vector<16xi32>
    %add3A_1835 = arith.addi %mul3A_3, %add3A_1834 : vector<16xi32>
    %swap3A_1836 = arith.constant 9 : i32
    %swap3A_1837 = arith.index_cast %swap3A_1836 : i32 to index
    %swap3A_1838 = arith.constant 112 : index
    %swap3A_1839 = tpu.vector_load %arg4[%swap3A_1837, %swap3A_1838] {strides = array<i32>} : memref<16x128xi32, #tpu.memory_space<vmem>>, vector<1x16xi32>,
    %swap3A_1840 = vector.shape_cast %swap3A_1839 : vector<1x16xi32> to vector<16xi32>
    %swap3A_1841 = vector.shape_cast %add3A_1835 : vector<16xi32> to vector<1x16xi32>
    tpu.vector_store %arg4[%swap3A_1837, %swap3A_1838], %swap3A_1841 {strides = array<i32>} : memref<16x128xi32, #tpu.memory_space<vmem>>, vector<1x16xi32>,
    %dma_start3A_1842 = arith.constant 9 : i32
    %dma_start3A_1843 = arith.constant 9 : i32
    %dma_start3A_1844 = arith.constant 0 : i32
    %dma_start3A_1845 = tpu.memref_slice %arg5[%dma_start3A_1843, %dma_start3A_1844] : memref<16x128xf32, #tpu.memory_space<vmem>> -> memref<1x128xf32, #tpu.memory_space<vmem>>
    %dma_start3A_1846 = tpu.memref_squeeze %dma_start3A_1845 : memref<1x128xf32, #tpu.memory_space<vmem>> -> memref<128xf32, #tpu.memory_space<vmem>>
    %dma_start3A_1847 = arith.constant 0 : i32
    %dma_start3A_1848 = tpu.memref_slice %arg4[%dma_start3A_1842, %dma_start3A_1847] : memref<16x128xi32, #tpu.memory_space<vmem>> -> memref<1x128xi32, #tpu.memory_space<vmem>>
    %dma_start3A_1849 = tpu.memref_squeeze %dma_start3A_1848 : memref<1x128xi32, #tpu.memory_space<vmem>> -> memref<128xi32, #tpu.memory_space<vmem>>
    %dma_start3A_1850 = arith.constant 0 : i32
    %dma_start3A_1851 = tpu.memref_slice %arg2[%dma_start3A_1850] : memref<4259840xf32, #tpu.memory_space<hbm>> -> memref<4259840xf32, #tpu.memory_space<hbm>>
    tpu.enqueue_indirect_dma source(%dma_start3A_1851 : memref<4259840xf32, #tpu.memory_space<hbm>>) target(%dma_start3A_1846 : memref<128xf32, #tpu.memory_space<vmem>>) offsets(%dma_start3A_1849 : memref<128xi32, #tpu.memory_space<vmem>>) semaphore(%arg6 : memref<!tpu.dma_semaphore, #tpu.memory_space<semaphore_mem>>)
    %mul3A_1852 = arith.constant 16 : i32
    %mul3A_1853 = arith.muli %add3A, %mul3A_1852 : i32
    %add3A_1854 = arith.constant 10 : i32
    %add3A_1855 = arith.addi %mul3A_1853, %add3A_1854 : i32
    %jit3A_1856 = arith.constant 64 : i32
    %div3A_1857 = arith.divsi %add3A_1855, %jit3A_1856 : i32
    %sign3A_1858 = arith.constant 0 : i32
    %sign3A_1859 = arith.cmpi sgt, %add3A_1855, %sign3A_1858 : i32
    %sign3A_1860 = arith.extui %sign3A_1859 : i1 to i32
    %sign3A_1861 = arith.constant 0 : i32
    %sign3A_1862 = arith.cmpi slt, %add3A_1855, %sign3A_1861 : i32
    %sign3A_1863 = arith.extui %sign3A_1862 : i1 to i32
    %sign3A_1864 = arith.subi %sign3A_1860, %sign3A_1863 : i32
    %sign3A_1865 = arith.constant 0 : i32
    %sign3A_1866 = arith.cmpi sgt, %jit3A_1856, %sign3A_1865 : i32
    %sign3A_1867 = arith.extui %sign3A_1866 : i1 to i32
    %sign3A_1868 = arith.constant 0 : i32
    %sign3A_1869 = arith.cmpi slt, %jit3A_1856, %sign3A_1868 : i32
    %sign3A_1870 = arith.extui %sign3A_1869 : i1 to i32
    %sign3A_1871 = arith.subi %sign3A_1867, %sign3A_1870 : i32
    %ne3A_1872 = arith.cmpi ne, %sign3A_1864, %sign3A_1871 : i32
    %rem3A_1873 = arith.remsi %add3A_1855, %jit3A_1856 : i32
    %ne3A_1874 = arith.constant 0 : i32
    %ne3A_1875 = arith.cmpi ne, %rem3A_1873, %ne3A_1874 : i32
    %and3A_1876 = arith.andi %ne3A_1872, %ne3A_1875 : i1
    %sub3A_1877 = arith.constant 1 : i32
    %sub3A_1878 = arith.subi %div3A_1857, %sub3A_1877 : i32
    %select_n3A_1879 = arith.select %and3A_1876, %sub3A_1878, %div3A_1857 : i32
    %jit3A_1880 = arith.constant 64 : i32
    %eq3A_1881 = arith.constant 0 : i32
    %eq3A_1882 = arith.cmpi eq, %jit3A_1880, %eq3A_1881 : i32
    %jit3A_1883 = arith.constant 1 : i32
    %select_n3A_1884 = arith.select %eq3A_1882, %jit3A_1883, %jit3A_1880 : i32
    %rem3A_1885 = arith.remsi %add3A_1855, %select_n3A_1884 : i32
    %ne3A_1886 = arith.constant 0 : i32
    %ne3A_1887 = arith.cmpi ne, %rem3A_1885, %ne3A_1886 : i32
    %lt3A_1888 = arith.constant 0 : i32
    %lt3A_1889 = arith.cmpi slt, %rem3A_1885, %lt3A_1888 : i32
    %lt3A_1890 = arith.constant 0 : i32
    %lt3A_1891 = arith.cmpi slt, %select_n3A_1884, %lt3A_1890 : i32
    %ne3A_1892 = arith.xori %lt3A_1889, %lt3A_1891 : i1
    %and3A_1893 = arith.andi %ne3A_1892, %ne3A_1887 : i1
    %add3A_1894 = arith.addi %rem3A_1885, %select_n3A_1884 : i32
    %select_n3A_1895 = arith.select %and3A_1893, %add3A_1894, %rem3A_1885 : i32
    %jit3A_1896 = arith.constant 8 : i32
    %div3A_1897 = arith.divsi %select_n3A_1895, %jit3A_1896 : i32
    %sign3A_1898 = arith.constant 0 : i32
    %sign3A_1899 = arith.cmpi sgt, %select_n3A_1895, %sign3A_1898 : i32
    %sign3A_1900 = arith.extui %sign3A_1899 : i1 to i32
    %sign3A_1901 = arith.constant 0 : i32
    %sign3A_1902 = arith.cmpi slt, %select_n3A_1895, %sign3A_1901 : i32
    %sign3A_1903 = arith.extui %sign3A_1902 : i1 to i32
    %sign3A_1904 = arith.subi %sign3A_1900, %sign3A_1903 : i32
    %sign3A_1905 = arith.constant 0 : i32
    %sign3A_1906 = arith.cmpi sgt, %jit3A_1896, %sign3A_1905 : i32
    %sign3A_1907 = arith.extui %sign3A_1906 : i1 to i32
    %sign3A_1908 = arith.constant 0 : i32
    %sign3A_1909 = arith.cmpi slt, %jit3A_1896, %sign3A_1908 : i32
    %sign3A_1910 = arith.extui %sign3A_1909 : i1 to i32
    %sign3A_1911 = arith.subi %sign3A_1907, %sign3A_1910 : i32
    %ne3A_1912 = arith.cmpi ne, %sign3A_1904, %sign3A_1911 : i32
    %rem3A_1913 = arith.remsi %select_n3A_1895, %jit3A_1896 : i32
    %ne3A_1914 = arith.constant 0 : i32
    %ne3A_1915 = arith.cmpi ne, %rem3A_1913, %ne3A_1914 : i32
    %and3A_1916 = arith.andi %ne3A_1912, %ne3A_1915 : i1
    %sub3A_1917 = arith.constant 1 : i32
    %sub3A_1918 = arith.subi %div3A_1897, %sub3A_1917 : i32
    %select_n3A_1919 = arith.select %and3A_1916, %sub3A_1918, %div3A_1897 : i32
    %mul3A_1920 = arith.constant 520 : i32
    %mul3A_1921 = arith.muli %select_n3A_1919, %mul3A_1920 : i32
    %add3A_1922 = arith.constant 8 : i32
    %add3A_1923 = arith.addi %mul3A_1921, %add3A_1922 : i32
    %mul3A_1924 = arith.constant 128 : i32
    %mul3A_1925 = arith.muli %select_n3A_1879, %mul3A_1924 : i32
    %add3A_1926 = arith.addi %add3A_1923, %mul3A_1925 : i32
    %mul3A_1927 = arith.constant 1024 : i32
    %mul3A_1928 = arith.muli %add3A_1926, %mul3A_1927 : i32
    %jit3A_1929 = arith.constant 8 : i32
    %eq3A_1930 = arith.constant 0 : i32
    %eq3A_1931 = arith.cmpi eq, %jit3A_1929, %eq3A_1930 : i32
    %jit3A_1932 = arith.constant 1 : i32
    %select_n3A_1933 = arith.select %eq3A_1931, %jit3A_1932, %jit3A_1929 : i32
    %rem3A_1934 = arith.remsi %select_n3A_1895, %select_n3A_1933 : i32
    %ne3A_1935 = arith.constant 0 : i32
    %ne3A_1936 = arith.cmpi ne, %rem3A_1934, %ne3A_1935 : i32
    %lt3A_1937 = arith.constant 0 : i32
    %lt3A_1938 = arith.cmpi slt, %rem3A_1934, %lt3A_1937 : i32
    %lt3A_1939 = arith.constant 0 : i32
    %lt3A_1940 = arith.cmpi slt, %select_n3A_1933, %lt3A_1939 : i32
    %ne3A_1941 = arith.xori %lt3A_1938, %lt3A_1940 : i1
    %and3A_1942 = arith.andi %ne3A_1941, %ne3A_1936 : i1
    %add3A_1943 = arith.addi %rem3A_1934, %select_n3A_1933 : i32
    %select_n3A_1944 = arith.select %and3A_1942, %add3A_1943, %rem3A_1934 : i32
    %mul3A_1945 = arith.constant 128 : i32
    %mul3A_1946 = arith.muli %select_n3A_1944, %mul3A_1945 : i32
    %add3A_1947 = arith.addi %mul3A_1928, %mul3A_1946 : i32
    %add3A_1948 = arith.constant 0 : i32
    %add3A_1949 = arith.addi %add3A_1947, %add3A_1948 : i32
    %add3A_1950 = vector.broadcast %add3A_1949 : i32 to vector<16xi32>
    %add3A_1951 = arith.addi %mul3A_3, %add3A_1950 : vector<16xi32>
    %swap3A_1952 = arith.constant 10 : i32
    %swap3A_1953 = arith.index_cast %swap3A_1952 : i32 to index
    %swap3A_1954 = arith.constant 0 : index
    %swap3A_1955 = tpu.vector_load %arg4[%swap3A_1953, %swap3A_1954] {strides = array<i32>} : memref<16x128xi32, #tpu.memory_space<vmem>>, vector<1x16xi32>,
    %swap3A_1956 = vector.shape_cast %swap3A_1955 : vector<1x16xi32> to vector<16xi32>
    %swap3A_1957 = vector.shape_cast %add3A_1951 : vector<16xi32> to vector<1x16xi32>
    tpu.vector_store %arg4[%swap3A_1953, %swap3A_1954], %swap3A_1957 {strides = array<i32>} : memref<16x128xi32, #tpu.memory_space<vmem>>, vector<1x16xi32>,
    %add3A_1958 = arith.constant 16384 : i32
    %add3A_1959 = arith.addi %add3A_1947, %add3A_1958 : i32
    %add3A_1960 = vector.broadcast %add3A_1959 : i32 to vector<16xi32>
    %add3A_1961 = arith.addi %mul3A_3, %add3A_1960 : vector<16xi32>
    %swap3A_1962 = arith.constant 10 : i32
    %swap3A_1963 = arith.index_cast %swap3A_1962 : i32 to index
    %swap3A_1964 = arith.constant 16 : index
    %swap3A_1965 = tpu.vector_load %arg4[%swap3A_1963, %swap3A_1964] {strides = array<i32>} : memref<16x128xi32, #tpu.memory_space<vmem>>, vector<1x16xi32>,
    %swap3A_1966 = vector.shape_cast %swap3A_1965 : vector<1x16xi32> to vector<16xi32>
    %swap3A_1967 = vector.shape_cast %add3A_1961 : vector<16xi32> to vector<1x16xi32>
    tpu.vector_store %arg4[%swap3A_1963, %swap3A_1964], %swap3A_1967 {strides = array<i32>} : memref<16x128xi32, #tpu.memory_space<vmem>>, vector<1x16xi32>,
    %add3A_1968 = arith.constant 32768 : i32
    %add3A_1969 = arith.addi %add3A_1947, %add3A_1968 : i32
    %add3A_1970 = vector.broadcast %add3A_1969 : i32 to vector<16xi32>
    %add3A_1971 = arith.addi %mul3A_3, %add3A_1970 : vector<16xi32>
    %swap3A_1972 = arith.constant 10 : i32
    %swap3A_1973 = arith.index_cast %swap3A_1972 : i32 to index
    %swap3A_1974 = arith.constant 32 : index
    %swap3A_1975 = tpu.vector_load %arg4[%swap3A_1973, %swap3A_1974] {strides = array<i32>} : memref<16x128xi32, #tpu.memory_space<vmem>>, vector<1x16xi32>,
    %swap3A_1976 = vector.shape_cast %swap3A_1975 : vector<1x16xi32> to vector<16xi32>
    %swap3A_1977 = vector.shape_cast %add3A_1971 : vector<16xi32> to vector<1x16xi32>
    tpu.vector_store %arg4[%swap3A_1973, %swap3A_1974], %swap3A_1977 {strides = array<i32>} : memref<16x128xi32, #tpu.memory_space<vmem>>, vector<1x16xi32>,
    %add3A_1978 = arith.constant 49152 : i32
    %add3A_1979 = arith.addi %add3A_1947, %add3A_1978 : i32
    %add3A_1980 = vector.broadcast %add3A_1979 : i32 to vector<16xi32>
    %add3A_1981 = arith.addi %mul3A_3, %add3A_1980 : vector<16xi32>
    %swap3A_1982 = arith.constant 10 : i32
    %swap3A_1983 = arith.index_cast %swap3A_1982 : i32 to index
    %swap3A_1984 = arith.constant 48 : index
    %swap3A_1985 = tpu.vector_load %arg4[%swap3A_1983, %swap3A_1984] {strides = array<i32>} : memref<16x128xi32, #tpu.memory_space<vmem>>, vector<1x16xi32>,
    %swap3A_1986 = vector.shape_cast %swap3A_1985 : vector<1x16xi32> to vector<16xi32>
    %swap3A_1987 = vector.shape_cast %add3A_1981 : vector<16xi32> to vector<1x16xi32>
    tpu.vector_store %arg4[%swap3A_1983, %swap3A_1984], %swap3A_1987 {strides = array<i32>} : memref<16x128xi32, #tpu.memory_space<vmem>>, vector<1x16xi32>,
    %add3A_1988 = arith.constant 65536 : i32
    %add3A_1989 = arith.addi %add3A_1947, %add3A_1988 : i32
    %add3A_1990 = vector.broadcast %add3A_1989 : i32 to vector<16xi32>
    %add3A_1991 = arith.addi %mul3A_3, %add3A_1990 : vector<16xi32>
    %swap3A_1992 = arith.constant 10 : i32
    %swap3A_1993 = arith.index_cast %swap3A_1992 : i32 to index
    %swap3A_1994 = arith.constant 64 : index
    %swap3A_1995 = tpu.vector_load %arg4[%swap3A_1993, %swap3A_1994] {strides = array<i32>} : memref<16x128xi32, #tpu.memory_space<vmem>>, vector<1x16xi32>,
    %swap3A_1996 = vector.shape_cast %swap3A_1995 : vector<1x16xi32> to vector<16xi32>
    %swap3A_1997 = vector.shape_cast %add3A_1991 : vector<16xi32> to vector<1x16xi32>
    tpu.vector_store %arg4[%swap3A_1993, %swap3A_1994], %swap3A_1997 {strides = array<i32>} : memref<16x128xi32, #tpu.memory_space<vmem>>, vector<1x16xi32>,
    %add3A_1998 = arith.constant 81920 : i32
    %add3A_1999 = arith.addi %add3A_1947, %add3A_1998 : i32
    %add3A_2000 = vector.broadcast %add3A_1999 : i32 to vector<16xi32>
    %add3A_2001 = arith.addi %mul3A_3, %add3A_2000 : vector<16xi32>
    %swap3A_2002 = arith.constant 10 : i32
    %swap3A_2003 = arith.index_cast %swap3A_2002 : i32 to index
    %swap3A_2004 = arith.constant 80 : index
    %swap3A_2005 = tpu.vector_load %arg4[%swap3A_2003, %swap3A_2004] {strides = array<i32>} : memref<16x128xi32, #tpu.memory_space<vmem>>, vector<1x16xi32>,
    %swap3A_2006 = vector.shape_cast %swap3A_2005 : vector<1x16xi32> to vector<16xi32>
    %swap3A_2007 = vector.shape_cast %add3A_2001 : vector<16xi32> to vector<1x16xi32>
    tpu.vector_store %arg4[%swap3A_2003, %swap3A_2004], %swap3A_2007 {strides = array<i32>} : memref<16x128xi32, #tpu.memory_space<vmem>>, vector<1x16xi32>,
    %add3A_2008 = arith.constant 98304 : i32
    %add3A_2009 = arith.addi %add3A_1947, %add3A_2008 : i32
    %add3A_2010 = vector.broadcast %add3A_2009 : i32 to vector<16xi32>
    %add3A_2011 = arith.addi %mul3A_3, %add3A_2010 : vector<16xi32>
    %swap3A_2012 = arith.constant 10 : i32
    %swap3A_2013 = arith.index_cast %swap3A_2012 : i32 to index
    %swap3A_2014 = arith.constant 96 : index
    %swap3A_2015 = tpu.vector_load %arg4[%swap3A_2013, %swap3A_2014] {strides = array<i32>} : memref<16x128xi32, #tpu.memory_space<vmem>>, vector<1x16xi32>,
    %swap3A_2016 = vector.shape_cast %swap3A_2015 : vector<1x16xi32> to vector<16xi32>
    %swap3A_2017 = vector.shape_cast %add3A_2011 : vector<16xi32> to vector<1x16xi32>
    tpu.vector_store %arg4[%swap3A_2013, %swap3A_2014], %swap3A_2017 {strides = array<i32>} : memref<16x128xi32, #tpu.memory_space<vmem>>, vector<1x16xi32>,
    %add3A_2018 = arith.constant 114688 : i32
    %add3A_2019 = arith.addi %add3A_1947, %add3A_2018 : i32
    %add3A_2020 = vector.broadcast %add3A_2019 : i32 to vector<16xi32>
    %add3A_2021 = arith.addi %mul3A_3, %add3A_2020 : vector<16xi32>
    %swap3A_2022 = arith.constant 10 : i32
    %swap3A_2023 = arith.index_cast %swap3A_2022 : i32 to index
    %swap3A_2024 = arith.constant 112 : index
    %swap3A_2025 = tpu.vector_load %arg4[%swap3A_2023, %swap3A_2024] {strides = array<i32>} : memref<16x128xi32, #tpu.memory_space<vmem>>, vector<1x16xi32>,
    %swap3A_2026 = vector.shape_cast %swap3A_2025 : vector<1x16xi32> to vector<16xi32>
    %swap3A_2027 = vector.shape_cast %add3A_2021 : vector<16xi32> to vector<1x16xi32>
    tpu.vector_store %arg4[%swap3A_2023, %swap3A_2024], %swap3A_2027 {strides = array<i32>} : memref<16x128xi32, #tpu.memory_space<vmem>>, vector<1x16xi32>,
    %dma_start3A_2028 = arith.constant 10 : i32
    %dma_start3A_2029 = arith.constant 10 : i32
    %dma_start3A_2030 = arith.constant 0 : i32
    %dma_start3A_2031 = tpu.memref_slice %arg5[%dma_start3A_2029, %dma_start3A_2030] : memref<16x128xf32, #tpu.memory_space<vmem>> -> memref<1x128xf32, #tpu.memory_space<vmem>>
    %dma_start3A_2032 = tpu.memref_squeeze %dma_start3A_2031 : memref<1x128xf32, #tpu.memory_space<vmem>> -> memref<128xf32, #tpu.memory_space<vmem>>
    %dma_start3A_2033 = arith.constant 0 : i32
    %dma_start3A_2034 = tpu.memref_slice %arg4[%dma_start3A_2028, %dma_start3A_2033] : memref<16x128xi32, #tpu.memory_space<vmem>> -> memref<1x128xi32, #tpu.memory_space<vmem>>
    %dma_start3A_2035 = tpu.memref_squeeze %dma_start3A_2034 : memref<1x128xi32, #tpu.memory_space<vmem>> -> memref<128xi32, #tpu.memory_space<vmem>>
    %dma_start3A_2036 = arith.constant 0 : i32
    %dma_start3A_2037 = tpu.memref_slice %arg2[%dma_start3A_2036] : memref<4259840xf32, #tpu.memory_space<hbm>> -> memref<4259840xf32, #tpu.memory_space<hbm>>
    tpu.enqueue_indirect_dma source(%dma_start3A_2037 : memref<4259840xf32, #tpu.memory_space<hbm>>) target(%dma_start3A_2032 : memref<128xf32, #tpu.memory_space<vmem>>) offsets(%dma_start3A_2035 : memref<128xi32, #tpu.memory_space<vmem>>) semaphore(%arg6 : memref<!tpu.dma_semaphore, #tpu.memory_space<semaphore_mem>>)
    %mul3A_2038 = arith.constant 16 : i32
    %mul3A_2039 = arith.muli %add3A, %mul3A_2038 : i32
    %add3A_2040 = arith.constant 11 : i32
    %add3A_2041 = arith.addi %mul3A_2039, %add3A_2040 : i32
    %jit3A_2042 = arith.constant 64 : i32
    %div3A_2043 = arith.divsi %add3A_2041, %jit3A_2042 : i32
    %sign3A_2044 = arith.constant 0 : i32
    %sign3A_2045 = arith.cmpi sgt, %add3A_2041, %sign3A_2044 : i32
    %sign3A_2046 = arith.extui %sign3A_2045 : i1 to i32
    %sign3A_2047 = arith.constant 0 : i32
    %sign3A_2048 = arith.cmpi slt, %add3A_2041, %sign3A_2047 : i32
    %sign3A_2049 = arith.extui %sign3A_2048 : i1 to i32
    %sign3A_2050 = arith.subi %sign3A_2046, %sign3A_2049 : i32
    %sign3A_2051 = arith.constant 0 : i32
    %sign3A_2052 = arith.cmpi sgt, %jit3A_2042, %sign3A_2051 : i32
    %sign3A_2053 = arith.extui %sign3A_2052 : i1 to i32
    %sign3A_2054 = arith.constant 0 : i32
    %sign3A_2055 = arith.cmpi slt, %jit3A_2042, %sign3A_2054 : i32
    %sign3A_2056 = arith.extui %sign3A_2055 : i1 to i32
    %sign3A_2057 = arith.subi %sign3A_2053, %sign3A_2056 : i32
    %ne3A_2058 = arith.cmpi ne, %sign3A_2050, %sign3A_2057 : i32
    %rem3A_2059 = arith.remsi %add3A_2041, %jit3A_2042 : i32
    %ne3A_2060 = arith.constant 0 : i32
    %ne3A_2061 = arith.cmpi ne, %rem3A_2059, %ne3A_2060 : i32
    %and3A_2062 = arith.andi %ne3A_2058, %ne3A_2061 : i1
    %sub3A_2063 = arith.constant 1 : i32
    %sub3A_2064 = arith.subi %div3A_2043, %sub3A_2063 : i32
    %select_n3A_2065 = arith.select %and3A_2062, %sub3A_2064, %div3A_2043 : i32
    %jit3A_2066 = arith.constant 64 : i32
    %eq3A_2067 = arith.constant 0 : i32
    %eq3A_2068 = arith.cmpi eq, %jit3A_2066, %eq3A_2067 : i32
    %jit3A_2069 = arith.constant 1 : i32
    %select_n3A_2070 = arith.select %eq3A_2068, %jit3A_2069, %jit3A_2066 : i32
    %rem3A_2071 = arith.remsi %add3A_2041, %select_n3A_2070 : i32
    %ne3A_2072 = arith.constant 0 : i32
    %ne3A_2073 = arith.cmpi ne, %rem3A_2071, %ne3A_2072 : i32
    %lt3A_2074 = arith.constant 0 : i32
    %lt3A_2075 = arith.cmpi slt, %rem3A_2071, %lt3A_2074 : i32
    %lt3A_2076 = arith.constant 0 : i32
    %lt3A_2077 = arith.cmpi slt, %select_n3A_2070, %lt3A_2076 : i32
    %ne3A_2078 = arith.xori %lt3A_2075, %lt3A_2077 : i1
    %and3A_2079 = arith.andi %ne3A_2078, %ne3A_2073 : i1
    %add3A_2080 = arith.addi %rem3A_2071, %select_n3A_2070 : i32
    %select_n3A_2081 = arith.select %and3A_2079, %add3A_2080, %rem3A_2071 : i32
    %jit3A_2082 = arith.constant 8 : i32
    %div3A_2083 = arith.divsi %select_n3A_2081, %jit3A_2082 : i32
    %sign3A_2084 = arith.constant 0 : i32
    %sign3A_2085 = arith.cmpi sgt, %select_n3A_2081, %sign3A_2084 : i32
    %sign3A_2086 = arith.extui %sign3A_2085 : i1 to i32
    %sign3A_2087 = arith.constant 0 : i32
    %sign3A_2088 = arith.cmpi slt, %select_n3A_2081, %sign3A_2087 : i32
    %sign3A_2089 = arith.extui %sign3A_2088 : i1 to i32
    %sign3A_2090 = arith.subi %sign3A_2086, %sign3A_2089 : i32
    %sign3A_2091 = arith.constant 0 : i32
    %sign3A_2092 = arith.cmpi sgt, %jit3A_2082, %sign3A_2091 : i32
    %sign3A_2093 = arith.extui %sign3A_2092 : i1 to i32
    %sign3A_2094 = arith.constant 0 : i32
    %sign3A_2095 = arith.cmpi slt, %jit3A_2082, %sign3A_2094 : i32
    %sign3A_2096 = arith.extui %sign3A_2095 : i1 to i32
    %sign3A_2097 = arith.subi %sign3A_2093, %sign3A_2096 : i32
    %ne3A_2098 = arith.cmpi ne, %sign3A_2090, %sign3A_2097 : i32
    %rem3A_2099 = arith.remsi %select_n3A_2081, %jit3A_2082 : i32
    %ne3A_2100 = arith.constant 0 : i32
    %ne3A_2101 = arith.cmpi ne, %rem3A_2099, %ne3A_2100 : i32
    %and3A_2102 = arith.andi %ne3A_2098, %ne3A_2101 : i1
    %sub3A_2103 = arith.constant 1 : i32
    %sub3A_2104 = arith.subi %div3A_2083, %sub3A_2103 : i32
    %select_n3A_2105 = arith.select %and3A_2102, %sub3A_2104, %div3A_2083 : i32
    %mul3A_2106 = arith.constant 520 : i32
    %mul3A_2107 = arith.muli %select_n3A_2105, %mul3A_2106 : i32
    %add3A_2108 = arith.constant 8 : i32
    %add3A_2109 = arith.addi %mul3A_2107, %add3A_2108 : i32
    %mul3A_2110 = arith.constant 128 : i32
    %mul3A_2111 = arith.muli %select_n3A_2065, %mul3A_2110 : i32
    %add3A_2112 = arith.addi %add3A_2109, %mul3A_2111 : i32
    %mul3A_2113 = arith.constant 1024 : i32
    %mul3A_2114 = arith.muli %add3A_2112, %mul3A_2113 : i32
    %jit3A_2115 = arith.constant 8 : i32
    %eq3A_2116 = arith.constant 0 : i32
    %eq3A_2117 = arith.cmpi eq, %jit3A_2115, %eq3A_2116 : i32
    %jit3A_2118 = arith.constant 1 : i32
    %select_n3A_2119 = arith.select %eq3A_2117, %jit3A_2118, %jit3A_2115 : i32
    %rem3A_2120 = arith.remsi %select_n3A_2081, %select_n3A_2119 : i32
    %ne3A_2121 = arith.constant 0 : i32
    %ne3A_2122 = arith.cmpi ne, %rem3A_2120, %ne3A_2121 : i32
    %lt3A_2123 = arith.constant 0 : i32
    %lt3A_2124 = arith.cmpi slt, %rem3A_2120, %lt3A_2123 : i32
    %lt3A_2125 = arith.constant 0 : i32
    %lt3A_2126 = arith.cmpi slt, %select_n3A_2119, %lt3A_2125 : i32
    %ne3A_2127 = arith.xori %lt3A_2124, %lt3A_2126 : i1
    %and3A_2128 = arith.andi %ne3A_2127, %ne3A_2122 : i1
    %add3A_2129 = arith.addi %rem3A_2120, %select_n3A_2119 : i32
    %select_n3A_2130 = arith.select %and3A_2128, %add3A_2129, %rem3A_2120 : i32
    %mul3A_2131 = arith.constant 128 : i32
    %mul3A_2132 = arith.muli %select_n3A_2130, %mul3A_2131 : i32
    %add3A_2133 = arith.addi %mul3A_2114, %mul3A_2132 : i32
    %add3A_2134 = arith.constant 0 : i32
    %add3A_2135 = arith.addi %add3A_2133, %add3A_2134 : i32
    %add3A_2136 = vector.broadcast %add3A_2135 : i32 to vector<16xi32>
    %add3A_2137 = arith.addi %mul3A_3, %add3A_2136 : vector<16xi32>
    %swap3A_2138 = arith.constant 11 : i32
    %swap3A_2139 = arith.index_cast %swap3A_2138 : i32 to index
    %swap3A_2140 = arith.constant 0 : index
    %swap3A_2141 = tpu.vector_load %arg4[%swap3A_2139, %swap3A_2140] {strides = array<i32>} : memref<16x128xi32, #tpu.memory_space<vmem>>, vector<1x16xi32>,
    %swap3A_2142 = vector.shape_cast %swap3A_2141 : vector<1x16xi32> to vector<16xi32>
    %swap3A_2143 = vector.shape_cast %add3A_2137 : vector<16xi32> to vector<1x16xi32>
    tpu.vector_store %arg4[%swap3A_2139, %swap3A_2140], %swap3A_2143 {strides = array<i32>} : memref<16x128xi32, #tpu.memory_space<vmem>>, vector<1x16xi32>,
    %add3A_2144 = arith.constant 16384 : i32
    %add3A_2145 = arith.addi %add3A_2133, %add3A_2144 : i32
    %add3A_2146 = vector.broadcast %add3A_2145 : i32 to vector<16xi32>
    %add3A_2147 = arith.addi %mul3A_3, %add3A_2146 : vector<16xi32>
    %swap3A_2148 = arith.constant 11 : i32
    %swap3A_2149 = arith.index_cast %swap3A_2148 : i32 to index
    %swap3A_2150 = arith.constant 16 : index
    %swap3A_2151 = tpu.vector_load %arg4[%swap3A_2149, %swap3A_2150] {strides = array<i32>} : memref<16x128xi32, #tpu.memory_space<vmem>>, vector<1x16xi32>,
    %swap3A_2152 = vector.shape_cast %swap3A_2151 : vector<1x16xi32> to vector<16xi32>
    %swap3A_2153 = vector.shape_cast %add3A_2147 : vector<16xi32> to vector<1x16xi32>
    tpu.vector_store %arg4[%swap3A_2149, %swap3A_2150], %swap3A_2153 {strides = array<i32>} : memref<16x128xi32, #tpu.memory_space<vmem>>, vector<1x16xi32>,
    %add3A_2154 = arith.constant 32768 : i32
    %add3A_2155 = arith.addi %add3A_2133, %add3A_2154 : i32
    %add3A_2156 = vector.broadcast %add3A_2155 : i32 to vector<16xi32>
    %add3A_2157 = arith.addi %mul3A_3, %add3A_2156 : vector<16xi32>
    %swap3A_2158 = arith.constant 11 : i32
    %swap3A_2159 = arith.index_cast %swap3A_2158 : i32 to index
    %swap3A_2160 = arith.constant 32 : index
    %swap3A_2161 = tpu.vector_load %arg4[%swap3A_2159, %swap3A_2160] {strides = array<i32>} : memref<16x128xi32, #tpu.memory_space<vmem>>, vector<1x16xi32>,
    %swap3A_2162 = vector.shape_cast %swap3A_2161 : vector<1x16xi32> to vector<16xi32>
    %swap3A_2163 = vector.shape_cast %add3A_2157 : vector<16xi32> to vector<1x16xi32>
    tpu.vector_store %arg4[%swap3A_2159, %swap3A_2160], %swap3A_2163 {strides = array<i32>} : memref<16x128xi32, #tpu.memory_space<vmem>>, vector<1x16xi32>,
    %add3A_2164 = arith.constant 49152 : i32
    %add3A_2165 = arith.addi %add3A_2133, %add3A_2164 : i32
    %add3A_2166 = vector.broadcast %add3A_2165 : i32 to vector<16xi32>
    %add3A_2167 = arith.addi %mul3A_3, %add3A_2166 : vector<16xi32>
    %swap3A_2168 = arith.constant 11 : i32
    %swap3A_2169 = arith.index_cast %swap3A_2168 : i32 to index
    %swap3A_2170 = arith.constant 48 : index
    %swap3A_2171 = tpu.vector_load %arg4[%swap3A_2169, %swap3A_2170] {strides = array<i32>} : memref<16x128xi32, #tpu.memory_space<vmem>>, vector<1x16xi32>,
    %swap3A_2172 = vector.shape_cast %swap3A_2171 : vector<1x16xi32> to vector<16xi32>
    %swap3A_2173 = vector.shape_cast %add3A_2167 : vector<16xi32> to vector<1x16xi32>
    tpu.vector_store %arg4[%swap3A_2169, %swap3A_2170], %swap3A_2173 {strides = array<i32>} : memref<16x128xi32, #tpu.memory_space<vmem>>, vector<1x16xi32>,
    %add3A_2174 = arith.constant 65536 : i32
    %add3A_2175 = arith.addi %add3A_2133, %add3A_2174 : i32
    %add3A_2176 = vector.broadcast %add3A_2175 : i32 to vector<16xi32>
    %add3A_2177 = arith.addi %mul3A_3, %add3A_2176 : vector<16xi32>
    %swap3A_2178 = arith.constant 11 : i32
    %swap3A_2179 = arith.index_cast %swap3A_2178 : i32 to index
    %swap3A_2180 = arith.constant 64 : index
    %swap3A_2181 = tpu.vector_load %arg4[%swap3A_2179, %swap3A_2180] {strides = array<i32>} : memref<16x128xi32, #tpu.memory_space<vmem>>, vector<1x16xi32>,
    %swap3A_2182 = vector.shape_cast %swap3A_2181 : vector<1x16xi32> to vector<16xi32>
    %swap3A_2183 = vector.shape_cast %add3A_2177 : vector<16xi32> to vector<1x16xi32>
    tpu.vector_store %arg4[%swap3A_2179, %swap3A_2180], %swap3A_2183 {strides = array<i32>} : memref<16x128xi32, #tpu.memory_space<vmem>>, vector<1x16xi32>,
    %add3A_2184 = arith.constant 81920 : i32
    %add3A_2185 = arith.addi %add3A_2133, %add3A_2184 : i32
    %add3A_2186 = vector.broadcast %add3A_2185 : i32 to vector<16xi32>
    %add3A_2187 = arith.addi %mul3A_3, %add3A_2186 : vector<16xi32>
    %swap3A_2188 = arith.constant 11 : i32
    %swap3A_2189 = arith.index_cast %swap3A_2188 : i32 to index
    %swap3A_2190 = arith.constant 80 : index
    %swap3A_2191 = tpu.vector_load %arg4[%swap3A_2189, %swap3A_2190] {strides = array<i32>} : memref<16x128xi32, #tpu.memory_space<vmem>>, vector<1x16xi32>,
    %swap3A_2192 = vector.shape_cast %swap3A_2191 : vector<1x16xi32> to vector<16xi32>
    %swap3A_2193 = vector.shape_cast %add3A_2187 : vector<16xi32> to vector<1x16xi32>
    tpu.vector_store %arg4[%swap3A_2189, %swap3A_2190], %swap3A_2193 {strides = array<i32>} : memref<16x128xi32, #tpu.memory_space<vmem>>, vector<1x16xi32>,
    %add3A_2194 = arith.constant 98304 : i32
    %add3A_2195 = arith.addi %add3A_2133, %add3A_2194 : i32
    %add3A_2196 = vector.broadcast %add3A_2195 : i32 to vector<16xi32>
    %add3A_2197 = arith.addi %mul3A_3, %add3A_2196 : vector<16xi32>
    %swap3A_2198 = arith.constant 11 : i32
    %swap3A_2199 = arith.index_cast %swap3A_2198 : i32 to index
    %swap3A_2200 = arith.constant 96 : index
    %swap3A_2201 = tpu.vector_load %arg4[%swap3A_2199, %swap3A_2200] {strides = array<i32>} : memref<16x128xi32, #tpu.memory_space<vmem>>, vector<1x16xi32>,
    %swap3A_2202 = vector.shape_cast %swap3A_2201 : vector<1x16xi32> to vector<16xi32>
    %swap3A_2203 = vector.shape_cast %add3A_2197 : vector<16xi32> to vector<1x16xi32>
    tpu.vector_store %arg4[%swap3A_2199, %swap3A_2200], %swap3A_2203 {strides = array<i32>} : memref<16x128xi32, #tpu.memory_space<vmem>>, vector<1x16xi32>,
    %add3A_2204 = arith.constant 114688 : i32
    %add3A_2205 = arith.addi %add3A_2133, %add3A_2204 : i32
    %add3A_2206 = vector.broadcast %add3A_2205 : i32 to vector<16xi32>
    %add3A_2207 = arith.addi %mul3A_3, %add3A_2206 : vector<16xi32>
    %swap3A_2208 = arith.constant 11 : i32
    %swap3A_2209 = arith.index_cast %swap3A_2208 : i32 to index
    %swap3A_2210 = arith.constant 112 : index
    %swap3A_2211 = tpu.vector_load %arg4[%swap3A_2209, %swap3A_2210] {strides = array<i32>} : memref<16x128xi32, #tpu.memory_space<vmem>>, vector<1x16xi32>,
    %swap3A_2212 = vector.shape_cast %swap3A_2211 : vector<1x16xi32> to vector<16xi32>
    %swap3A_2213 = vector.shape_cast %add3A_2207 : vector<16xi32> to vector<1x16xi32>
    tpu.vector_store %arg4[%swap3A_2209, %swap3A_2210], %swap3A_2213 {strides = array<i32>} : memref<16x128xi32, #tpu.memory_space<vmem>>, vector<1x16xi32>,
    %dma_start3A_2214 = arith.constant 11 : i32
    %dma_start3A_2215 = arith.constant 11 : i32
    %dma_start3A_2216 = arith.constant 0 : i32
    %dma_start3A_2217 = tpu.memref_slice %arg5[%dma_start3A_2215, %dma_start3A_2216] : memref<16x128xf32, #tpu.memory_space<vmem>> -> memref<1x128xf32, #tpu.memory_space<vmem>>
    %dma_start3A_2218 = tpu.memref_squeeze %dma_start3A_2217 : memref<1x128xf32, #tpu.memory_space<vmem>> -> memref<128xf32, #tpu.memory_space<vmem>>
    %dma_start3A_2219 = arith.constant 0 : i32
    %dma_start3A_2220 = tpu.memref_slice %arg4[%dma_start3A_2214, %dma_start3A_2219] : memref<16x128xi32, #tpu.memory_space<vmem>> -> memref<1x128xi32, #tpu.memory_space<vmem>>
    %dma_start3A_2221 = tpu.memref_squeeze %dma_start3A_2220 : memref<1x128xi32, #tpu.memory_space<vmem>> -> memref<128xi32, #tpu.memory_space<vmem>>
    %dma_start3A_2222 = arith.constant 0 : i32
    %dma_start3A_2223 = tpu.memref_slice %arg2[%dma_start3A_2222] : memref<4259840xf32, #tpu.memory_space<hbm>> -> memref<4259840xf32, #tpu.memory_space<hbm>>
    tpu.enqueue_indirect_dma source(%dma_start3A_2223 : memref<4259840xf32, #tpu.memory_space<hbm>>) target(%dma_start3A_2218 : memref<128xf32, #tpu.memory_space<vmem>>) offsets(%dma_start3A_2221 : memref<128xi32, #tpu.memory_space<vmem>>) semaphore(%arg6 : memref<!tpu.dma_semaphore, #tpu.memory_space<semaphore_mem>>)
    %mul3A_2224 = arith.constant 16 : i32
    %mul3A_2225 = arith.muli %add3A, %mul3A_2224 : i32
    %add3A_2226 = arith.constant 12 : i32
    %add3A_2227 = arith.addi %mul3A_2225, %add3A_2226 : i32
    %jit3A_2228 = arith.constant 64 : i32
    %div3A_2229 = arith.divsi %add3A_2227, %jit3A_2228 : i32
    %sign3A_2230 = arith.constant 0 : i32
    %sign3A_2231 = arith.cmpi sgt, %add3A_2227, %sign3A_2230 : i32
    %sign3A_2232 = arith.extui %sign3A_2231 : i1 to i32
    %sign3A_2233 = arith.constant 0 : i32
    %sign3A_2234 = arith.cmpi slt, %add3A_2227, %sign3A_2233 : i32
    %sign3A_2235 = arith.extui %sign3A_2234 : i1 to i32
    %sign3A_2236 = arith.subi %sign3A_2232, %sign3A_2235 : i32
    %sign3A_2237 = arith.constant 0 : i32
    %sign3A_2238 = arith.cmpi sgt, %jit3A_2228, %sign3A_2237 : i32
    %sign3A_2239 = arith.extui %sign3A_2238 : i1 to i32
    %sign3A_2240 = arith.constant 0 : i32
    %sign3A_2241 = arith.cmpi slt, %jit3A_2228, %sign3A_2240 : i32
    %sign3A_2242 = arith.extui %sign3A_2241 : i1 to i32
    %sign3A_2243 = arith.subi %sign3A_2239, %sign3A_2242 : i32
    %ne3A_2244 = arith.cmpi ne, %sign3A_2236, %sign3A_2243 : i32
    %rem3A_2245 = arith.remsi %add3A_2227, %jit3A_2228 : i32
    %ne3A_2246 = arith.constant 0 : i32
    %ne3A_2247 = arith.cmpi ne, %rem3A_2245, %ne3A_2246 : i32
    %and3A_2248 = arith.andi %ne3A_2244, %ne3A_2247 : i1
    %sub3A_2249 = arith.constant 1 : i32
    %sub3A_2250 = arith.subi %div3A_2229, %sub3A_2249 : i32
    %select_n3A_2251 = arith.select %and3A_2248, %sub3A_2250, %div3A_2229 : i32
    %jit3A_2252 = arith.constant 64 : i32
    %eq3A_2253 = arith.constant 0 : i32
    %eq3A_2254 = arith.cmpi eq, %jit3A_2252, %eq3A_2253 : i32
    %jit3A_2255 = arith.constant 1 : i32
    %select_n3A_2256 = arith.select %eq3A_2254, %jit3A_2255, %jit3A_2252 : i32
    %rem3A_2257 = arith.remsi %add3A_2227, %select_n3A_2256 : i32
    %ne3A_2258 = arith.constant 0 : i32
    %ne3A_2259 = arith.cmpi ne, %rem3A_2257, %ne3A_2258 : i32
    %lt3A_2260 = arith.constant 0 : i32
    %lt3A_2261 = arith.cmpi slt, %rem3A_2257, %lt3A_2260 : i32
    %lt3A_2262 = arith.constant 0 : i32
    %lt3A_2263 = arith.cmpi slt, %select_n3A_2256, %lt3A_2262 : i32
    %ne3A_2264 = arith.xori %lt3A_2261, %lt3A_2263 : i1
    %and3A_2265 = arith.andi %ne3A_2264, %ne3A_2259 : i1
    %add3A_2266 = arith.addi %rem3A_2257, %select_n3A_2256 : i32
    %select_n3A_2267 = arith.select %and3A_2265, %add3A_2266, %rem3A_2257 : i32
    %jit3A_2268 = arith.constant 8 : i32
    %div3A_2269 = arith.divsi %select_n3A_2267, %jit3A_2268 : i32
    %sign3A_2270 = arith.constant 0 : i32
    %sign3A_2271 = arith.cmpi sgt, %select_n3A_2267, %sign3A_2270 : i32
    %sign3A_2272 = arith.extui %sign3A_2271 : i1 to i32
    %sign3A_2273 = arith.constant 0 : i32
    %sign3A_2274 = arith.cmpi slt, %select_n3A_2267, %sign3A_2273 : i32
    %sign3A_2275 = arith.extui %sign3A_2274 : i1 to i32
    %sign3A_2276 = arith.subi %sign3A_2272, %sign3A_2275 : i32
    %sign3A_2277 = arith.constant 0 : i32
    %sign3A_2278 = arith.cmpi sgt, %jit3A_2268, %sign3A_2277 : i32
    %sign3A_2279 = arith.extui %sign3A_2278 : i1 to i32
    %sign3A_2280 = arith.constant 0 : i32
    %sign3A_2281 = arith.cmpi slt, %jit3A_2268, %sign3A_2280 : i32
    %sign3A_2282 = arith.extui %sign3A_2281 : i1 to i32
    %sign3A_2283 = arith.subi %sign3A_2279, %sign3A_2282 : i32
    %ne3A_2284 = arith.cmpi ne, %sign3A_2276, %sign3A_2283 : i32
    %rem3A_2285 = arith.remsi %select_n3A_2267, %jit3A_2268 : i32
    %ne3A_2286 = arith.constant 0 : i32
    %ne3A_2287 = arith.cmpi ne, %rem3A_2285, %ne3A_2286 : i32
    %and3A_2288 = arith.andi %ne3A_2284, %ne3A_2287 : i1
    %sub3A_2289 = arith.constant 1 : i32
    %sub3A_2290 = arith.subi %div3A_2269, %sub3A_2289 : i32
    %select_n3A_2291 = arith.select %and3A_2288, %sub3A_2290, %div3A_2269 : i32
    %mul3A_2292 = arith.constant 520 : i32
    %mul3A_2293 = arith.muli %select_n3A_2291, %mul3A_2292 : i32
    %add3A_2294 = arith.constant 8 : i32
    %add3A_2295 = arith.addi %mul3A_2293, %add3A_2294 : i32
    %mul3A_2296 = arith.constant 128 : i32
    %mul3A_2297 = arith.muli %select_n3A_2251, %mul3A_2296 : i32
    %add3A_2298 = arith.addi %add3A_2295, %mul3A_2297 : i32
    %mul3A_2299 = arith.constant 1024 : i32
    %mul3A_2300 = arith.muli %add3A_2298, %mul3A_2299 : i32
    %jit3A_2301 = arith.constant 8 : i32
    %eq3A_2302 = arith.constant 0 : i32
    %eq3A_2303 = arith.cmpi eq, %jit3A_2301, %eq3A_2302 : i32
    %jit3A_2304 = arith.constant 1 : i32
    %select_n3A_2305 = arith.select %eq3A_2303, %jit3A_2304, %jit3A_2301 : i32
    %rem3A_2306 = arith.remsi %select_n3A_2267, %select_n3A_2305 : i32
    %ne3A_2307 = arith.constant 0 : i32
    %ne3A_2308 = arith.cmpi ne, %rem3A_2306, %ne3A_2307 : i32
    %lt3A_2309 = arith.constant 0 : i32
    %lt3A_2310 = arith.cmpi slt, %rem3A_2306, %lt3A_2309 : i32
    %lt3A_2311 = arith.constant 0 : i32
    %lt3A_2312 = arith.cmpi slt, %select_n3A_2305, %lt3A_2311 : i32
    %ne3A_2313 = arith.xori %lt3A_2310, %lt3A_2312 : i1
    %and3A_2314 = arith.andi %ne3A_2313, %ne3A_2308 : i1
    %add3A_2315 = arith.addi %rem3A_2306, %select_n3A_2305 : i32
    %select_n3A_2316 = arith.select %and3A_2314, %add3A_2315, %rem3A_2306 : i32
    %mul3A_2317 = arith.constant 128 : i32
    %mul3A_2318 = arith.muli %select_n3A_2316, %mul3A_2317 : i32
    %add3A_2319 = arith.addi %mul3A_2300, %mul3A_2318 : i32
    %add3A_2320 = arith.constant 0 : i32
    %add3A_2321 = arith.addi %add3A_2319, %add3A_2320 : i32
    %add3A_2322 = vector.broadcast %add3A_2321 : i32 to vector<16xi32>
    %add3A_2323 = arith.addi %mul3A_3, %add3A_2322 : vector<16xi32>
    %swap3A_2324 = arith.constant 12 : i32
    %swap3A_2325 = arith.index_cast %swap3A_2324 : i32 to index
    %swap3A_2326 = arith.constant 0 : index
    %swap3A_2327 = tpu.vector_load %arg4[%swap3A_2325, %swap3A_2326] {strides = array<i32>} : memref<16x128xi32, #tpu.memory_space<vmem>>, vector<1x16xi32>,
    %swap3A_2328 = vector.shape_cast %swap3A_2327 : vector<1x16xi32> to vector<16xi32>
    %swap3A_2329 = vector.shape_cast %add3A_2323 : vector<16xi32> to vector<1x16xi32>
    tpu.vector_store %arg4[%swap3A_2325, %swap3A_2326], %swap3A_2329 {strides = array<i32>} : memref<16x128xi32, #tpu.memory_space<vmem>>, vector<1x16xi32>,
    %add3A_2330 = arith.constant 16384 : i32
    %add3A_2331 = arith.addi %add3A_2319, %add3A_2330 : i32
    %add3A_2332 = vector.broadcast %add3A_2331 : i32 to vector<16xi32>
    %add3A_2333 = arith.addi %mul3A_3, %add3A_2332 : vector<16xi32>
    %swap3A_2334 = arith.constant 12 : i32
    %swap3A_2335 = arith.index_cast %swap3A_2334 : i32 to index
    %swap3A_2336 = arith.constant 16 : index
    %swap3A_2337 = tpu.vector_load %arg4[%swap3A_2335, %swap3A_2336] {strides = array<i32>} : memref<16x128xi32, #tpu.memory_space<vmem>>, vector<1x16xi32>,
    %swap3A_2338 = vector.shape_cast %swap3A_2337 : vector<1x16xi32> to vector<16xi32>
    %swap3A_2339 = vector.shape_cast %add3A_2333 : vector<16xi32> to vector<1x16xi32>
    tpu.vector_store %arg4[%swap3A_2335, %swap3A_2336], %swap3A_2339 {strides = array<i32>} : memref<16x128xi32, #tpu.memory_space<vmem>>, vector<1x16xi32>,
    %add3A_2340 = arith.constant 32768 : i32
    %add3A_2341 = arith.addi %add3A_2319, %add3A_2340 : i32
    %add3A_2342 = vector.broadcast %add3A_2341 : i32 to vector<16xi32>
    %add3A_2343 = arith.addi %mul3A_3, %add3A_2342 : vector<16xi32>
    %swap3A_2344 = arith.constant 12 : i32
    %swap3A_2345 = arith.index_cast %swap3A_2344 : i32 to index
    %swap3A_2346 = arith.constant 32 : index
    %swap3A_2347 = tpu.vector_load %arg4[%swap3A_2345, %swap3A_2346] {strides = array<i32>} : memref<16x128xi32, #tpu.memory_space<vmem>>, vector<1x16xi32>,
    %swap3A_2348 = vector.shape_cast %swap3A_2347 : vector<1x16xi32> to vector<16xi32>
    %swap3A_2349 = vector.shape_cast %add3A_2343 : vector<16xi32> to vector<1x16xi32>
    tpu.vector_store %arg4[%swap3A_2345, %swap3A_2346], %swap3A_2349 {strides = array<i32>} : memref<16x128xi32, #tpu.memory_space<vmem>>, vector<1x16xi32>,
    %add3A_2350 = arith.constant 49152 : i32
    %add3A_2351 = arith.addi %add3A_2319, %add3A_2350 : i32
    %add3A_2352 = vector.broadcast %add3A_2351 : i32 to vector<16xi32>
    %add3A_2353 = arith.addi %mul3A_3, %add3A_2352 : vector<16xi32>
    %swap3A_2354 = arith.constant 12 : i32
    %swap3A_2355 = arith.index_cast %swap3A_2354 : i32 to index
    %swap3A_2356 = arith.constant 48 : index
    %swap3A_2357 = tpu.vector_load %arg4[%swap3A_2355, %swap3A_2356] {strides = array<i32>} : memref<16x128xi32, #tpu.memory_space<vmem>>, vector<1x16xi32>,
    %swap3A_2358 = vector.shape_cast %swap3A_2357 : vector<1x16xi32> to vector<16xi32>
    %swap3A_2359 = vector.shape_cast %add3A_2353 : vector<16xi32> to vector<1x16xi32>
    tpu.vector_store %arg4[%swap3A_2355, %swap3A_2356], %swap3A_2359 {strides = array<i32>} : memref<16x128xi32, #tpu.memory_space<vmem>>, vector<1x16xi32>,
    %add3A_2360 = arith.constant 65536 : i32
    %add3A_2361 = arith.addi %add3A_2319, %add3A_2360 : i32
    %add3A_2362 = vector.broadcast %add3A_2361 : i32 to vector<16xi32>
    %add3A_2363 = arith.addi %mul3A_3, %add3A_2362 : vector<16xi32>
    %swap3A_2364 = arith.constant 12 : i32
    %swap3A_2365 = arith.index_cast %swap3A_2364 : i32 to index
    %swap3A_2366 = arith.constant 64 : index
    %swap3A_2367 = tpu.vector_load %arg4[%swap3A_2365, %swap3A_2366] {strides = array<i32>} : memref<16x128xi32, #tpu.memory_space<vmem>>, vector<1x16xi32>,
    %swap3A_2368 = vector.shape_cast %swap3A_2367 : vector<1x16xi32> to vector<16xi32>
    %swap3A_2369 = vector.shape_cast %add3A_2363 : vector<16xi32> to vector<1x16xi32>
    tpu.vector_store %arg4[%swap3A_2365, %swap3A_2366], %swap3A_2369 {strides = array<i32>} : memref<16x128xi32, #tpu.memory_space<vmem>>, vector<1x16xi32>,
    %add3A_2370 = arith.constant 81920 : i32
    %add3A_2371 = arith.addi %add3A_2319, %add3A_2370 : i32
    %add3A_2372 = vector.broadcast %add3A_2371 : i32 to vector<16xi32>
    %add3A_2373 = arith.addi %mul3A_3, %add3A_2372 : vector<16xi32>
    %swap3A_2374 = arith.constant 12 : i32
    %swap3A_2375 = arith.index_cast %swap3A_2374 : i32 to index
    %swap3A_2376 = arith.constant 80 : index
    %swap3A_2377 = tpu.vector_load %arg4[%swap3A_2375, %swap3A_2376] {strides = array<i32>} : memref<16x128xi32, #tpu.memory_space<vmem>>, vector<1x16xi32>,
    %swap3A_2378 = vector.shape_cast %swap3A_2377 : vector<1x16xi32> to vector<16xi32>
    %swap3A_2379 = vector.shape_cast %add3A_2373 : vector<16xi32> to vector<1x16xi32>
    tpu.vector_store %arg4[%swap3A_2375, %swap3A_2376], %swap3A_2379 {strides = array<i32>} : memref<16x128xi32, #tpu.memory_space<vmem>>, vector<1x16xi32>,
    %add3A_2380 = arith.constant 98304 : i32
    %add3A_2381 = arith.addi %add3A_2319, %add3A_2380 : i32
    %add3A_2382 = vector.broadcast %add3A_2381 : i32 to vector<16xi32>
    %add3A_2383 = arith.addi %mul3A_3, %add3A_2382 : vector<16xi32>
    %swap3A_2384 = arith.constant 12 : i32
    %swap3A_2385 = arith.index_cast %swap3A_2384 : i32 to index
    %swap3A_2386 = arith.constant 96 : index
    %swap3A_2387 = tpu.vector_load %arg4[%swap3A_2385, %swap3A_2386] {strides = array<i32>} : memref<16x128xi32, #tpu.memory_space<vmem>>, vector<1x16xi32>,
    %swap3A_2388 = vector.shape_cast %swap3A_2387 : vector<1x16xi32> to vector<16xi32>
    %swap3A_2389 = vector.shape_cast %add3A_2383 : vector<16xi32> to vector<1x16xi32>
    tpu.vector_store %arg4[%swap3A_2385, %swap3A_2386], %swap3A_2389 {strides = array<i32>} : memref<16x128xi32, #tpu.memory_space<vmem>>, vector<1x16xi32>,
    %add3A_2390 = arith.constant 114688 : i32
    %add3A_2391 = arith.addi %add3A_2319, %add3A_2390 : i32
    %add3A_2392 = vector.broadcast %add3A_2391 : i32 to vector<16xi32>
    %add3A_2393 = arith.addi %mul3A_3, %add3A_2392 : vector<16xi32>
    %swap3A_2394 = arith.constant 12 : i32
    %swap3A_2395 = arith.index_cast %swap3A_2394 : i32 to index
    %swap3A_2396 = arith.constant 112 : index
    %swap3A_2397 = tpu.vector_load %arg4[%swap3A_2395, %swap3A_2396] {strides = array<i32>} : memref<16x128xi32, #tpu.memory_space<vmem>>, vector<1x16xi32>,
    %swap3A_2398 = vector.shape_cast %swap3A_2397 : vector<1x16xi32> to vector<16xi32>
    %swap3A_2399 = vector.shape_cast %add3A_2393 : vector<16xi32> to vector<1x16xi32>
    tpu.vector_store %arg4[%swap3A_2395, %swap3A_2396], %swap3A_2399 {strides = array<i32>} : memref<16x128xi32, #tpu.memory_space<vmem>>, vector<1x16xi32>,
    %dma_start3A_2400 = arith.constant 12 : i32
    %dma_start3A_2401 = arith.constant 12 : i32
    %dma_start3A_2402 = arith.constant 0 : i32
    %dma_start3A_2403 = tpu.memref_slice %arg5[%dma_start3A_2401, %dma_start3A_2402] : memref<16x128xf32, #tpu.memory_space<vmem>> -> memref<1x128xf32, #tpu.memory_space<vmem>>
    %dma_start3A_2404 = tpu.memref_squeeze %dma_start3A_2403 : memref<1x128xf32, #tpu.memory_space<vmem>> -> memref<128xf32, #tpu.memory_space<vmem>>
    %dma_start3A_2405 = arith.constant 0 : i32
    %dma_start3A_2406 = tpu.memref_slice %arg4[%dma_start3A_2400, %dma_start3A_2405] : memref<16x128xi32, #tpu.memory_space<vmem>> -> memref<1x128xi32, #tpu.memory_space<vmem>>
    %dma_start3A_2407 = tpu.memref_squeeze %dma_start3A_2406 : memref<1x128xi32, #tpu.memory_space<vmem>> -> memref<128xi32, #tpu.memory_space<vmem>>
    %dma_start3A_2408 = arith.constant 0 : i32
    %dma_start3A_2409 = tpu.memref_slice %arg2[%dma_start3A_2408] : memref<4259840xf32, #tpu.memory_space<hbm>> -> memref<4259840xf32, #tpu.memory_space<hbm>>
    tpu.enqueue_indirect_dma source(%dma_start3A_2409 : memref<4259840xf32, #tpu.memory_space<hbm>>) target(%dma_start3A_2404 : memref<128xf32, #tpu.memory_space<vmem>>) offsets(%dma_start3A_2407 : memref<128xi32, #tpu.memory_space<vmem>>) semaphore(%arg6 : memref<!tpu.dma_semaphore, #tpu.memory_space<semaphore_mem>>)
    %mul3A_2410 = arith.constant 16 : i32
    %mul3A_2411 = arith.muli %add3A, %mul3A_2410 : i32
    %add3A_2412 = arith.constant 13 : i32
    %add3A_2413 = arith.addi %mul3A_2411, %add3A_2412 : i32
    %jit3A_2414 = arith.constant 64 : i32
    %div3A_2415 = arith.divsi %add3A_2413, %jit3A_2414 : i32
    %sign3A_2416 = arith.constant 0 : i32
    %sign3A_2417 = arith.cmpi sgt, %add3A_2413, %sign3A_2416 : i32
    %sign3A_2418 = arith.extui %sign3A_2417 : i1 to i32
    %sign3A_2419 = arith.constant 0 : i32
    %sign3A_2420 = arith.cmpi slt, %add3A_2413, %sign3A_2419 : i32
    %sign3A_2421 = arith.extui %sign3A_2420 : i1 to i32
    %sign3A_2422 = arith.subi %sign3A_2418, %sign3A_2421 : i32
    %sign3A_2423 = arith.constant 0 : i32
    %sign3A_2424 = arith.cmpi sgt, %jit3A_2414, %sign3A_2423 : i32
    %sign3A_2425 = arith.extui %sign3A_2424 : i1 to i32
    %sign3A_2426 = arith.constant 0 : i32
    %sign3A_2427 = arith.cmpi slt, %jit3A_2414, %sign3A_2426 : i32
    %sign3A_2428 = arith.extui %sign3A_2427 : i1 to i32
    %sign3A_2429 = arith.subi %sign3A_2425, %sign3A_2428 : i32
    %ne3A_2430 = arith.cmpi ne, %sign3A_2422, %sign3A_2429 : i32
    %rem3A_2431 = arith.remsi %add3A_2413, %jit3A_2414 : i32
    %ne3A_2432 = arith.constant 0 : i32
    %ne3A_2433 = arith.cmpi ne, %rem3A_2431, %ne3A_2432 : i32
    %and3A_2434 = arith.andi %ne3A_2430, %ne3A_2433 : i1
    %sub3A_2435 = arith.constant 1 : i32
    %sub3A_2436 = arith.subi %div3A_2415, %sub3A_2435 : i32
    %select_n3A_2437 = arith.select %and3A_2434, %sub3A_2436, %div3A_2415 : i32
    %jit3A_2438 = arith.constant 64 : i32
    %eq3A_2439 = arith.constant 0 : i32
    %eq3A_2440 = arith.cmpi eq, %jit3A_2438, %eq3A_2439 : i32
    %jit3A_2441 = arith.constant 1 : i32
    %select_n3A_2442 = arith.select %eq3A_2440, %jit3A_2441, %jit3A_2438 : i32
    %rem3A_2443 = arith.remsi %add3A_2413, %select_n3A_2442 : i32
    %ne3A_2444 = arith.constant 0 : i32
    %ne3A_2445 = arith.cmpi ne, %rem3A_2443, %ne3A_2444 : i32
    %lt3A_2446 = arith.constant 0 : i32
    %lt3A_2447 = arith.cmpi slt, %rem3A_2443, %lt3A_2446 : i32
    %lt3A_2448 = arith.constant 0 : i32
    %lt3A_2449 = arith.cmpi slt, %select_n3A_2442, %lt3A_2448 : i32
    %ne3A_2450 = arith.xori %lt3A_2447, %lt3A_2449 : i1
    %and3A_2451 = arith.andi %ne3A_2450, %ne3A_2445 : i1
    %add3A_2452 = arith.addi %rem3A_2443, %select_n3A_2442 : i32
    %select_n3A_2453 = arith.select %and3A_2451, %add3A_2452, %rem3A_2443 : i32
    %jit3A_2454 = arith.constant 8 : i32
    %div3A_2455 = arith.divsi %select_n3A_2453, %jit3A_2454 : i32
    %sign3A_2456 = arith.constant 0 : i32
    %sign3A_2457 = arith.cmpi sgt, %select_n3A_2453, %sign3A_2456 : i32
    %sign3A_2458 = arith.extui %sign3A_2457 : i1 to i32
    %sign3A_2459 = arith.constant 0 : i32
    %sign3A_2460 = arith.cmpi slt, %select_n3A_2453, %sign3A_2459 : i32
    %sign3A_2461 = arith.extui %sign3A_2460 : i1 to i32
    %sign3A_2462 = arith.subi %sign3A_2458, %sign3A_2461 : i32
    %sign3A_2463 = arith.constant 0 : i32
    %sign3A_2464 = arith.cmpi sgt, %jit3A_2454, %sign3A_2463 : i32
    %sign3A_2465 = arith.extui %sign3A_2464 : i1 to i32
    %sign3A_2466 = arith.constant 0 : i32
    %sign3A_2467 = arith.cmpi slt, %jit3A_2454, %sign3A_2466 : i32
    %sign3A_2468 = arith.extui %sign3A_2467 : i1 to i32
    %sign3A_2469 = arith.subi %sign3A_2465, %sign3A_2468 : i32
    %ne3A_2470 = arith.cmpi ne, %sign3A_2462, %sign3A_2469 : i32
    %rem3A_2471 = arith.remsi %select_n3A_2453, %jit3A_2454 : i32
    %ne3A_2472 = arith.constant 0 : i32
    %ne3A_2473 = arith.cmpi ne, %rem3A_2471, %ne3A_2472 : i32
    %and3A_2474 = arith.andi %ne3A_2470, %ne3A_2473 : i1
    %sub3A_2475 = arith.constant 1 : i32
    %sub3A_2476 = arith.subi %div3A_2455, %sub3A_2475 : i32
    %select_n3A_2477 = arith.select %and3A_2474, %sub3A_2476, %div3A_2455 : i32
    %mul3A_2478 = arith.constant 520 : i32
    %mul3A_2479 = arith.muli %select_n3A_2477, %mul3A_2478 : i32
    %add3A_2480 = arith.constant 8 : i32
    %add3A_2481 = arith.addi %mul3A_2479, %add3A_2480 : i32
    %mul3A_2482 = arith.constant 128 : i32
    %mul3A_2483 = arith.muli %select_n3A_2437, %mul3A_2482 : i32
    %add3A_2484 = arith.addi %add3A_2481, %mul3A_2483 : i32
    %mul3A_2485 = arith.constant 1024 : i32
    %mul3A_2486 = arith.muli %add3A_2484, %mul3A_2485 : i32
    %jit3A_2487 = arith.constant 8 : i32
    %eq3A_2488 = arith.constant 0 : i32
    %eq3A_2489 = arith.cmpi eq, %jit3A_2487, %eq3A_2488 : i32
    %jit3A_2490 = arith.constant 1 : i32
    %select_n3A_2491 = arith.select %eq3A_2489, %jit3A_2490, %jit3A_2487 : i32
    %rem3A_2492 = arith.remsi %select_n3A_2453, %select_n3A_2491 : i32
    %ne3A_2493 = arith.constant 0 : i32
    %ne3A_2494 = arith.cmpi ne, %rem3A_2492, %ne3A_2493 : i32
    %lt3A_2495 = arith.constant 0 : i32
    %lt3A_2496 = arith.cmpi slt, %rem3A_2492, %lt3A_2495 : i32
    %lt3A_2497 = arith.constant 0 : i32
    %lt3A_2498 = arith.cmpi slt, %select_n3A_2491, %lt3A_2497 : i32
    %ne3A_2499 = arith.xori %lt3A_2496, %lt3A_2498 : i1
    %and3A_2500 = arith.andi %ne3A_2499, %ne3A_2494 : i1
    %add3A_2501 = arith.addi %rem3A_2492, %select_n3A_2491 : i32
    %select_n3A_2502 = arith.select %and3A_2500, %add3A_2501, %rem3A_2492 : i32
    %mul3A_2503 = arith.constant 128 : i32
    %mul3A_2504 = arith.muli %select_n3A_2502, %mul3A_2503 : i32
    %add3A_2505 = arith.addi %mul3A_2486, %mul3A_2504 : i32
    %add3A_2506 = arith.constant 0 : i32
    %add3A_2507 = arith.addi %add3A_2505, %add3A_2506 : i32
    %add3A_2508 = vector.broadcast %add3A_2507 : i32 to vector<16xi32>
    %add3A_2509 = arith.addi %mul3A_3, %add3A_2508 : vector<16xi32>
    %swap3A_2510 = arith.constant 13 : i32
    %swap3A_2511 = arith.index_cast %swap3A_2510 : i32 to index
    %swap3A_2512 = arith.constant 0 : index
    %swap3A_2513 = tpu.vector_load %arg4[%swap3A_2511, %swap3A_2512] {strides = array<i32>} : memref<16x128xi32, #tpu.memory_space<vmem>>, vector<1x16xi32>,
    %swap3A_2514 = vector.shape_cast %swap3A_2513 : vector<1x16xi32> to vector<16xi32>
    %swap3A_2515 = vector.shape_cast %add3A_2509 : vector<16xi32> to vector<1x16xi32>
    tpu.vector_store %arg4[%swap3A_2511, %swap3A_2512], %swap3A_2515 {strides = array<i32>} : memref<16x128xi32, #tpu.memory_space<vmem>>, vector<1x16xi32>,
    %add3A_2516 = arith.constant 16384 : i32
    %add3A_2517 = arith.addi %add3A_2505, %add3A_2516 : i32
    %add3A_2518 = vector.broadcast %add3A_2517 : i32 to vector<16xi32>
    %add3A_2519 = arith.addi %mul3A_3, %add3A_2518 : vector<16xi32>
    %swap3A_2520 = arith.constant 13 : i32
    %swap3A_2521 = arith.index_cast %swap3A_2520 : i32 to index
    %swap3A_2522 = arith.constant 16 : index
    %swap3A_2523 = tpu.vector_load %arg4[%swap3A_2521, %swap3A_2522] {strides = array<i32>} : memref<16x128xi32, #tpu.memory_space<vmem>>, vector<1x16xi32>,
    %swap3A_2524 = vector.shape_cast %swap3A_2523 : vector<1x16xi32> to vector<16xi32>
    %swap3A_2525 = vector.shape_cast %add3A_2519 : vector<16xi32> to vector<1x16xi32>
    tpu.vector_store %arg4[%swap3A_2521, %swap3A_2522], %swap3A_2525 {strides = array<i32>} : memref<16x128xi32, #tpu.memory_space<vmem>>, vector<1x16xi32>,
    %add3A_2526 = arith.constant 32768 : i32
    %add3A_2527 = arith.addi %add3A_2505, %add3A_2526 : i32
    %add3A_2528 = vector.broadcast %add3A_2527 : i32 to vector<16xi32>
    %add3A_2529 = arith.addi %mul3A_3, %add3A_2528 : vector<16xi32>
    %swap3A_2530 = arith.constant 13 : i32
    %swap3A_2531 = arith.index_cast %swap3A_2530 : i32 to index
    %swap3A_2532 = arith.constant 32 : index
    %swap3A_2533 = tpu.vector_load %arg4[%swap3A_2531, %swap3A_2532] {strides = array<i32>} : memref<16x128xi32, #tpu.memory_space<vmem>>, vector<1x16xi32>,
    %swap3A_2534 = vector.shape_cast %swap3A_2533 : vector<1x16xi32> to vector<16xi32>
    %swap3A_2535 = vector.shape_cast %add3A_2529 : vector<16xi32> to vector<1x16xi32>
    tpu.vector_store %arg4[%swap3A_2531, %swap3A_2532], %swap3A_2535 {strides = array<i32>} : memref<16x128xi32, #tpu.memory_space<vmem>>, vector<1x16xi32>,
    %add3A_2536 = arith.constant 49152 : i32
    %add3A_2537 = arith.addi %add3A_2505, %add3A_2536 : i32
    %add3A_2538 = vector.broadcast %add3A_2537 : i32 to vector<16xi32>
    %add3A_2539 = arith.addi %mul3A_3, %add3A_2538 : vector<16xi32>
    %swap3A_2540 = arith.constant 13 : i32
    %swap3A_2541 = arith.index_cast %swap3A_2540 : i32 to index
    %swap3A_2542 = arith.constant 48 : index
    %swap3A_2543 = tpu.vector_load %arg4[%swap3A_2541, %swap3A_2542] {strides = array<i32>} : memref<16x128xi32, #tpu.memory_space<vmem>>, vector<1x16xi32>,
    %swap3A_2544 = vector.shape_cast %swap3A_2543 : vector<1x16xi32> to vector<16xi32>
    %swap3A_2545 = vector.shape_cast %add3A_2539 : vector<16xi32> to vector<1x16xi32>
    tpu.vector_store %arg4[%swap3A_2541, %swap3A_2542], %swap3A_2545 {strides = array<i32>} : memref<16x128xi32, #tpu.memory_space<vmem>>, vector<1x16xi32>,
    %add3A_2546 = arith.constant 65536 : i32
    %add3A_2547 = arith.addi %add3A_2505, %add3A_2546 : i32
    %add3A_2548 = vector.broadcast %add3A_2547 : i32 to vector<16xi32>
    %add3A_2549 = arith.addi %mul3A_3, %add3A_2548 : vector<16xi32>
    %swap3A_2550 = arith.constant 13 : i32
    %swap3A_2551 = arith.index_cast %swap3A_2550 : i32 to index
    %swap3A_2552 = arith.constant 64 : index
    %swap3A_2553 = tpu.vector_load %arg4[%swap3A_2551, %swap3A_2552] {strides = array<i32>} : memref<16x128xi32, #tpu.memory_space<vmem>>, vector<1x16xi32>,
    %swap3A_2554 = vector.shape_cast %swap3A_2553 : vector<1x16xi32> to vector<16xi32>
    %swap3A_2555 = vector.shape_cast %add3A_2549 : vector<16xi32> to vector<1x16xi32>
    tpu.vector_store %arg4[%swap3A_2551, %swap3A_2552], %swap3A_2555 {strides = array<i32>} : memref<16x128xi32, #tpu.memory_space<vmem>>, vector<1x16xi32>,
    %add3A_2556 = arith.constant 81920 : i32
    %add3A_2557 = arith.addi %add3A_2505, %add3A_2556 : i32
    %add3A_2558 = vector.broadcast %add3A_2557 : i32 to vector<16xi32>
    %add3A_2559 = arith.addi %mul3A_3, %add3A_2558 : vector<16xi32>
    %swap3A_2560 = arith.constant 13 : i32
    %swap3A_2561 = arith.index_cast %swap3A_2560 : i32 to index
    %swap3A_2562 = arith.constant 80 : index
    %swap3A_2563 = tpu.vector_load %arg4[%swap3A_2561, %swap3A_2562] {strides = array<i32>} : memref<16x128xi32, #tpu.memory_space<vmem>>, vector<1x16xi32>,
    %swap3A_2564 = vector.shape_cast %swap3A_2563 : vector<1x16xi32> to vector<16xi32>
    %swap3A_2565 = vector.shape_cast %add3A_2559 : vector<16xi32> to vector<1x16xi32>
    tpu.vector_store %arg4[%swap3A_2561, %swap3A_2562], %swap3A_2565 {strides = array<i32>} : memref<16x128xi32, #tpu.memory_space<vmem>>, vector<1x16xi32>,
    %add3A_2566 = arith.constant 98304 : i32
    %add3A_2567 = arith.addi %add3A_2505, %add3A_2566 : i32
    %add3A_2568 = vector.broadcast %add3A_2567 : i32 to vector<16xi32>
    %add3A_2569 = arith.addi %mul3A_3, %add3A_2568 : vector<16xi32>
    %swap3A_2570 = arith.constant 13 : i32
    %swap3A_2571 = arith.index_cast %swap3A_2570 : i32 to index
    %swap3A_2572 = arith.constant 96 : index
    %swap3A_2573 = tpu.vector_load %arg4[%swap3A_2571, %swap3A_2572] {strides = array<i32>} : memref<16x128xi32, #tpu.memory_space<vmem>>, vector<1x16xi32>,
    %swap3A_2574 = vector.shape_cast %swap3A_2573 : vector<1x16xi32> to vector<16xi32>
    %swap3A_2575 = vector.shape_cast %add3A_2569 : vector<16xi32> to vector<1x16xi32>
    tpu.vector_store %arg4[%swap3A_2571, %swap3A_2572], %swap3A_2575 {strides = array<i32>} : memref<16x128xi32, #tpu.memory_space<vmem>>, vector<1x16xi32>,
    %add3A_2576 = arith.constant 114688 : i32
    %add3A_2577 = arith.addi %add3A_2505, %add3A_2576 : i32
    %add3A_2578 = vector.broadcast %add3A_2577 : i32 to vector<16xi32>
    %add3A_2579 = arith.addi %mul3A_3, %add3A_2578 : vector<16xi32>
    %swap3A_2580 = arith.constant 13 : i32
    %swap3A_2581 = arith.index_cast %swap3A_2580 : i32 to index
    %swap3A_2582 = arith.constant 112 : index
    %swap3A_2583 = tpu.vector_load %arg4[%swap3A_2581, %swap3A_2582] {strides = array<i32>} : memref<16x128xi32, #tpu.memory_space<vmem>>, vector<1x16xi32>,
    %swap3A_2584 = vector.shape_cast %swap3A_2583 : vector<1x16xi32> to vector<16xi32>
    %swap3A_2585 = vector.shape_cast %add3A_2579 : vector<16xi32> to vector<1x16xi32>
    tpu.vector_store %arg4[%swap3A_2581, %swap3A_2582], %swap3A_2585 {strides = array<i32>} : memref<16x128xi32, #tpu.memory_space<vmem>>, vector<1x16xi32>,
    %dma_start3A_2586 = arith.constant 13 : i32
    %dma_start3A_2587 = arith.constant 13 : i32
    %dma_start3A_2588 = arith.constant 0 : i32
    %dma_start3A_2589 = tpu.memref_slice %arg5[%dma_start3A_2587, %dma_start3A_2588] : memref<16x128xf32, #tpu.memory_space<vmem>> -> memref<1x128xf32, #tpu.memory_space<vmem>>
    %dma_start3A_2590 = tpu.memref_squeeze %dma_start3A_2589 : memref<1x128xf32, #tpu.memory_space<vmem>> -> memref<128xf32, #tpu.memory_space<vmem>>
    %dma_start3A_2591 = arith.constant 0 : i32
    %dma_start3A_2592 = tpu.memref_slice %arg4[%dma_start3A_2586, %dma_start3A_2591] : memref<16x128xi32, #tpu.memory_space<vmem>> -> memref<1x128xi32, #tpu.memory_space<vmem>>
    %dma_start3A_2593 = tpu.memref_squeeze %dma_start3A_2592 : memref<1x128xi32, #tpu.memory_space<vmem>> -> memref<128xi32, #tpu.memory_space<vmem>>
    %dma_start3A_2594 = arith.constant 0 : i32
    %dma_start3A_2595 = tpu.memref_slice %arg2[%dma_start3A_2594] : memref<4259840xf32, #tpu.memory_space<hbm>> -> memref<4259840xf32, #tpu.memory_space<hbm>>
    tpu.enqueue_indirect_dma source(%dma_start3A_2595 : memref<4259840xf32, #tpu.memory_space<hbm>>) target(%dma_start3A_2590 : memref<128xf32, #tpu.memory_space<vmem>>) offsets(%dma_start3A_2593 : memref<128xi32, #tpu.memory_space<vmem>>) semaphore(%arg6 : memref<!tpu.dma_semaphore, #tpu.memory_space<semaphore_mem>>)
    %mul3A_2596 = arith.constant 16 : i32
    %mul3A_2597 = arith.muli %add3A, %mul3A_2596 : i32
    %add3A_2598 = arith.constant 14 : i32
    %add3A_2599 = arith.addi %mul3A_2597, %add3A_2598 : i32
    %jit3A_2600 = arith.constant 64 : i32
    %div3A_2601 = arith.divsi %add3A_2599, %jit3A_2600 : i32
    %sign3A_2602 = arith.constant 0 : i32
    %sign3A_2603 = arith.cmpi sgt, %add3A_2599, %sign3A_2602 : i32
    %sign3A_2604 = arith.extui %sign3A_2603 : i1 to i32
    %sign3A_2605 = arith.constant 0 : i32
    %sign3A_2606 = arith.cmpi slt, %add3A_2599, %sign3A_2605 : i32
    %sign3A_2607 = arith.extui %sign3A_2606 : i1 to i32
    %sign3A_2608 = arith.subi %sign3A_2604, %sign3A_2607 : i32
    %sign3A_2609 = arith.constant 0 : i32
    %sign3A_2610 = arith.cmpi sgt, %jit3A_2600, %sign3A_2609 : i32
    %sign3A_2611 = arith.extui %sign3A_2610 : i1 to i32
    %sign3A_2612 = arith.constant 0 : i32
    %sign3A_2613 = arith.cmpi slt, %jit3A_2600, %sign3A_2612 : i32
    %sign3A_2614 = arith.extui %sign3A_2613 : i1 to i32
    %sign3A_2615 = arith.subi %sign3A_2611, %sign3A_2614 : i32
    %ne3A_2616 = arith.cmpi ne, %sign3A_2608, %sign3A_2615 : i32
    %rem3A_2617 = arith.remsi %add3A_2599, %jit3A_2600 : i32
    %ne3A_2618 = arith.constant 0 : i32
    %ne3A_2619 = arith.cmpi ne, %rem3A_2617, %ne3A_2618 : i32
    %and3A_2620 = arith.andi %ne3A_2616, %ne3A_2619 : i1
    %sub3A_2621 = arith.constant 1 : i32
    %sub3A_2622 = arith.subi %div3A_2601, %sub3A_2621 : i32
    %select_n3A_2623 = arith.select %and3A_2620, %sub3A_2622, %div3A_2601 : i32
    %jit3A_2624 = arith.constant 64 : i32
    %eq3A_2625 = arith.constant 0 : i32
    %eq3A_2626 = arith.cmpi eq, %jit3A_2624, %eq3A_2625 : i32
    %jit3A_2627 = arith.constant 1 : i32
    %select_n3A_2628 = arith.select %eq3A_2626, %jit3A_2627, %jit3A_2624 : i32
    %rem3A_2629 = arith.remsi %add3A_2599, %select_n3A_2628 : i32
    %ne3A_2630 = arith.constant 0 : i32
    %ne3A_2631 = arith.cmpi ne, %rem3A_2629, %ne3A_2630 : i32
    %lt3A_2632 = arith.constant 0 : i32
    %lt3A_2633 = arith.cmpi slt, %rem3A_2629, %lt3A_2632 : i32
    %lt3A_2634 = arith.constant 0 : i32
    %lt3A_2635 = arith.cmpi slt, %select_n3A_2628, %lt3A_2634 : i32
    %ne3A_2636 = arith.xori %lt3A_2633, %lt3A_2635 : i1
    %and3A_2637 = arith.andi %ne3A_2636, %ne3A_2631 : i1
    %add3A_2638 = arith.addi %rem3A_2629, %select_n3A_2628 : i32
    %select_n3A_2639 = arith.select %and3A_2637, %add3A_2638, %rem3A_2629 : i32
    %jit3A_2640 = arith.constant 8 : i32
    %div3A_2641 = arith.divsi %select_n3A_2639, %jit3A_2640 : i32
    %sign3A_2642 = arith.constant 0 : i32
    %sign3A_2643 = arith.cmpi sgt, %select_n3A_2639, %sign3A_2642 : i32
    %sign3A_2644 = arith.extui %sign3A_2643 : i1 to i32
    %sign3A_2645 = arith.constant 0 : i32
    %sign3A_2646 = arith.cmpi slt, %select_n3A_2639, %sign3A_2645 : i32
    %sign3A_2647 = arith.extui %sign3A_2646 : i1 to i32
    %sign3A_2648 = arith.subi %sign3A_2644, %sign3A_2647 : i32
    %sign3A_2649 = arith.constant 0 : i32
    %sign3A_2650 = arith.cmpi sgt, %jit3A_2640, %sign3A_2649 : i32
    %sign3A_2651 = arith.extui %sign3A_2650 : i1 to i32
    %sign3A_2652 = arith.constant 0 : i32
    %sign3A_2653 = arith.cmpi slt, %jit3A_2640, %sign3A_2652 : i32
    %sign3A_2654 = arith.extui %sign3A_2653 : i1 to i32
    %sign3A_2655 = arith.subi %sign3A_2651, %sign3A_2654 : i32
    %ne3A_2656 = arith.cmpi ne, %sign3A_2648, %sign3A_2655 : i32
    %rem3A_2657 = arith.remsi %select_n3A_2639, %jit3A_2640 : i32
    %ne3A_2658 = arith.constant 0 : i32
    %ne3A_2659 = arith.cmpi ne, %rem3A_2657, %ne3A_2658 : i32
    %and3A_2660 = arith.andi %ne3A_2656, %ne3A_2659 : i1
    %sub3A_2661 = arith.constant 1 : i32
    %sub3A_2662 = arith.subi %div3A_2641, %sub3A_2661 : i32
    %select_n3A_2663 = arith.select %and3A_2660, %sub3A_2662, %div3A_2641 : i32
    %mul3A_2664 = arith.constant 520 : i32
    %mul3A_2665 = arith.muli %select_n3A_2663, %mul3A_2664 : i32
    %add3A_2666 = arith.constant 8 : i32
    %add3A_2667 = arith.addi %mul3A_2665, %add3A_2666 : i32
    %mul3A_2668 = arith.constant 128 : i32
    %mul3A_2669 = arith.muli %select_n3A_2623, %mul3A_2668 : i32
    %add3A_2670 = arith.addi %add3A_2667, %mul3A_2669 : i32
    %mul3A_2671 = arith.constant 1024 : i32
    %mul3A_2672 = arith.muli %add3A_2670, %mul3A_2671 : i32
    %jit3A_2673 = arith.constant 8 : i32
    %eq3A_2674 = arith.constant 0 : i32
    %eq3A_2675 = arith.cmpi eq, %jit3A_2673, %eq3A_2674 : i32
    %jit3A_2676 = arith.constant 1 : i32
    %select_n3A_2677 = arith.select %eq3A_2675, %jit3A_2676, %jit3A_2673 : i32
    %rem3A_2678 = arith.remsi %select_n3A_2639, %select_n3A_2677 : i32
    %ne3A_2679 = arith.constant 0 : i32
    %ne3A_2680 = arith.cmpi ne, %rem3A_2678, %ne3A_2679 : i32
    %lt3A_2681 = arith.constant 0 : i32
    %lt3A_2682 = arith.cmpi slt, %rem3A_2678, %lt3A_2681 : i32
    %lt3A_2683 = arith.constant 0 : i32
    %lt3A_2684 = arith.cmpi slt, %select_n3A_2677, %lt3A_2683 : i32
    %ne3A_2685 = arith.xori %lt3A_2682, %lt3A_2684 : i1
    %and3A_2686 = arith.andi %ne3A_2685, %ne3A_2680 : i1
    %add3A_2687 = arith.addi %rem3A_2678, %select_n3A_2677 : i32
    %select_n3A_2688 = arith.select %and3A_2686, %add3A_2687, %rem3A_2678 : i32
    %mul3A_2689 = arith.constant 128 : i32
    %mul3A_2690 = arith.muli %select_n3A_2688, %mul3A_2689 : i32
    %add3A_2691 = arith.addi %mul3A_2672, %mul3A_2690 : i32
    %add3A_2692 = arith.constant 0 : i32
    %add3A_2693 = arith.addi %add3A_2691, %add3A_2692 : i32
    %add3A_2694 = vector.broadcast %add3A_2693 : i32 to vector<16xi32>
    %add3A_2695 = arith.addi %mul3A_3, %add3A_2694 : vector<16xi32>
    %swap3A_2696 = arith.constant 14 : i32
    %swap3A_2697 = arith.index_cast %swap3A_2696 : i32 to index
    %swap3A_2698 = arith.constant 0 : index
    %swap3A_2699 = tpu.vector_load %arg4[%swap3A_2697, %swap3A_2698] {strides = array<i32>} : memref<16x128xi32, #tpu.memory_space<vmem>>, vector<1x16xi32>,
    %swap3A_2700 = vector.shape_cast %swap3A_2699 : vector<1x16xi32> to vector<16xi32>
    %swap3A_2701 = vector.shape_cast %add3A_2695 : vector<16xi32> to vector<1x16xi32>
    tpu.vector_store %arg4[%swap3A_2697, %swap3A_2698], %swap3A_2701 {strides = array<i32>} : memref<16x128xi32, #tpu.memory_space<vmem>>, vector<1x16xi32>,
    %add3A_2702 = arith.constant 16384 : i32
    %add3A_2703 = arith.addi %add3A_2691, %add3A_2702 : i32
    %add3A_2704 = vector.broadcast %add3A_2703 : i32 to vector<16xi32>
    %add3A_2705 = arith.addi %mul3A_3, %add3A_2704 : vector<16xi32>
    %swap3A_2706 = arith.constant 14 : i32
    %swap3A_2707 = arith.index_cast %swap3A_2706 : i32 to index
    %swap3A_2708 = arith.constant 16 : index
    %swap3A_2709 = tpu.vector_load %arg4[%swap3A_2707, %swap3A_2708] {strides = array<i32>} : memref<16x128xi32, #tpu.memory_space<vmem>>, vector<1x16xi32>,
    %swap3A_2710 = vector.shape_cast %swap3A_2709 : vector<1x16xi32> to vector<16xi32>
    %swap3A_2711 = vector.shape_cast %add3A_2705 : vector<16xi32> to vector<1x16xi32>
    tpu.vector_store %arg4[%swap3A_2707, %swap3A_2708], %swap3A_2711 {strides = array<i32>} : memref<16x128xi32, #tpu.memory_space<vmem>>, vector<1x16xi32>,
    %add3A_2712 = arith.constant 32768 : i32
    %add3A_2713 = arith.addi %add3A_2691, %add3A_2712 : i32
    %add3A_2714 = vector.broadcast %add3A_2713 : i32 to vector<16xi32>
    %add3A_2715 = arith.addi %mul3A_3, %add3A_2714 : vector<16xi32>
    %swap3A_2716 = arith.constant 14 : i32
    %swap3A_2717 = arith.index_cast %swap3A_2716 : i32 to index
    %swap3A_2718 = arith.constant 32 : index
    %swap3A_2719 = tpu.vector_load %arg4[%swap3A_2717, %swap3A_2718] {strides = array<i32>} : memref<16x128xi32, #tpu.memory_space<vmem>>, vector<1x16xi32>,
    %swap3A_2720 = vector.shape_cast %swap3A_2719 : vector<1x16xi32> to vector<16xi32>
    %swap3A_2721 = vector.shape_cast %add3A_2715 : vector<16xi32> to vector<1x16xi32>
    tpu.vector_store %arg4[%swap3A_2717, %swap3A_2718], %swap3A_2721 {strides = array<i32>} : memref<16x128xi32, #tpu.memory_space<vmem>>, vector<1x16xi32>,
    %add3A_2722 = arith.constant 49152 : i32
    %add3A_2723 = arith.addi %add3A_2691, %add3A_2722 : i32
    %add3A_2724 = vector.broadcast %add3A_2723 : i32 to vector<16xi32>
    %add3A_2725 = arith.addi %mul3A_3, %add3A_2724 : vector<16xi32>
    %swap3A_2726 = arith.constant 14 : i32
    %swap3A_2727 = arith.index_cast %swap3A_2726 : i32 to index
    %swap3A_2728 = arith.constant 48 : index
    %swap3A_2729 = tpu.vector_load %arg4[%swap3A_2727, %swap3A_2728] {strides = array<i32>} : memref<16x128xi32, #tpu.memory_space<vmem>>, vector<1x16xi32>,
    %swap3A_2730 = vector.shape_cast %swap3A_2729 : vector<1x16xi32> to vector<16xi32>
    %swap3A_2731 = vector.shape_cast %add3A_2725 : vector<16xi32> to vector<1x16xi32>
    tpu.vector_store %arg4[%swap3A_2727, %swap3A_2728], %swap3A_2731 {strides = array<i32>} : memref<16x128xi32, #tpu.memory_space<vmem>>, vector<1x16xi32>,
    %add3A_2732 = arith.constant 65536 : i32
    %add3A_2733 = arith.addi %add3A_2691, %add3A_2732 : i32
    %add3A_2734 = vector.broadcast %add3A_2733 : i32 to vector<16xi32>
    %add3A_2735 = arith.addi %mul3A_3, %add3A_2734 : vector<16xi32>
    %swap3A_2736 = arith.constant 14 : i32
    %swap3A_2737 = arith.index_cast %swap3A_2736 : i32 to index
    %swap3A_2738 = arith.constant 64 : index
    %swap3A_2739 = tpu.vector_load %arg4[%swap3A_2737, %swap3A_2738] {strides = array<i32>} : memref<16x128xi32, #tpu.memory_space<vmem>>, vector<1x16xi32>,
    %swap3A_2740 = vector.shape_cast %swap3A_2739 : vector<1x16xi32> to vector<16xi32>
    %swap3A_2741 = vector.shape_cast %add3A_2735 : vector<16xi32> to vector<1x16xi32>
    tpu.vector_store %arg4[%swap3A_2737, %swap3A_2738], %swap3A_2741 {strides = array<i32>} : memref<16x128xi32, #tpu.memory_space<vmem>>, vector<1x16xi32>,
    %add3A_2742 = arith.constant 81920 : i32
    %add3A_2743 = arith.addi %add3A_2691, %add3A_2742 : i32
    %add3A_2744 = vector.broadcast %add3A_2743 : i32 to vector<16xi32>
    %add3A_2745 = arith.addi %mul3A_3, %add3A_2744 : vector<16xi32>
    %swap3A_2746 = arith.constant 14 : i32
    %swap3A_2747 = arith.index_cast %swap3A_2746 : i32 to index
    %swap3A_2748 = arith.constant 80 : index
    %swap3A_2749 = tpu.vector_load %arg4[%swap3A_2747, %swap3A_2748] {strides = array<i32>} : memref<16x128xi32, #tpu.memory_space<vmem>>, vector<1x16xi32>,
    %swap3A_2750 = vector.shape_cast %swap3A_2749 : vector<1x16xi32> to vector<16xi32>
    %swap3A_2751 = vector.shape_cast %add3A_2745 : vector<16xi32> to vector<1x16xi32>
    tpu.vector_store %arg4[%swap3A_2747, %swap3A_2748], %swap3A_2751 {strides = array<i32>} : memref<16x128xi32, #tpu.memory_space<vmem>>, vector<1x16xi32>,
    %add3A_2752 = arith.constant 98304 : i32
    %add3A_2753 = arith.addi %add3A_2691, %add3A_2752 : i32
    %add3A_2754 = vector.broadcast %add3A_2753 : i32 to vector<16xi32>
    %add3A_2755 = arith.addi %mul3A_3, %add3A_2754 : vector<16xi32>
    %swap3A_2756 = arith.constant 14 : i32
    %swap3A_2757 = arith.index_cast %swap3A_2756 : i32 to index
    %swap3A_2758 = arith.constant 96 : index
    %swap3A_2759 = tpu.vector_load %arg4[%swap3A_2757, %swap3A_2758] {strides = array<i32>} : memref<16x128xi32, #tpu.memory_space<vmem>>, vector<1x16xi32>,
    %swap3A_2760 = vector.shape_cast %swap3A_2759 : vector<1x16xi32> to vector<16xi32>
    %swap3A_2761 = vector.shape_cast %add3A_2755 : vector<16xi32> to vector<1x16xi32>
    tpu.vector_store %arg4[%swap3A_2757, %swap3A_2758], %swap3A_2761 {strides = array<i32>} : memref<16x128xi32, #tpu.memory_space<vmem>>, vector<1x16xi32>,
    %add3A_2762 = arith.constant 114688 : i32
    %add3A_2763 = arith.addi %add3A_2691, %add3A_2762 : i32
    %add3A_2764 = vector.broadcast %add3A_2763 : i32 to vector<16xi32>
    %add3A_2765 = arith.addi %mul3A_3, %add3A_2764 : vector<16xi32>
    %swap3A_2766 = arith.constant 14 : i32
    %swap3A_2767 = arith.index_cast %swap3A_2766 : i32 to index
    %swap3A_2768 = arith.constant 112 : index
    %swap3A_2769 = tpu.vector_load %arg4[%swap3A_2767, %swap3A_2768] {strides = array<i32>} : memref<16x128xi32, #tpu.memory_space<vmem>>, vector<1x16xi32>,
    %swap3A_2770 = vector.shape_cast %swap3A_2769 : vector<1x16xi32> to vector<16xi32>
    %swap3A_2771 = vector.shape_cast %add3A_2765 : vector<16xi32> to vector<1x16xi32>
    tpu.vector_store %arg4[%swap3A_2767, %swap3A_2768], %swap3A_2771 {strides = array<i32>} : memref<16x128xi32, #tpu.memory_space<vmem>>, vector<1x16xi32>,
    %dma_start3A_2772 = arith.constant 14 : i32
    %dma_start3A_2773 = arith.constant 14 : i32
    %dma_start3A_2774 = arith.constant 0 : i32
    %dma_start3A_2775 = tpu.memref_slice %arg5[%dma_start3A_2773, %dma_start3A_2774] : memref<16x128xf32, #tpu.memory_space<vmem>> -> memref<1x128xf32, #tpu.memory_space<vmem>>
    %dma_start3A_2776 = tpu.memref_squeeze %dma_start3A_2775 : memref<1x128xf32, #tpu.memory_space<vmem>> -> memref<128xf32, #tpu.memory_space<vmem>>
    %dma_start3A_2777 = arith.constant 0 : i32
    %dma_start3A_2778 = tpu.memref_slice %arg4[%dma_start3A_2772, %dma_start3A_2777] : memref<16x128xi32, #tpu.memory_space<vmem>> -> memref<1x128xi32, #tpu.memory_space<vmem>>
    %dma_start3A_2779 = tpu.memref_squeeze %dma_start3A_2778 : memref<1x128xi32, #tpu.memory_space<vmem>> -> memref<128xi32, #tpu.memory_space<vmem>>
    %dma_start3A_2780 = arith.constant 0 : i32
    %dma_start3A_2781 = tpu.memref_slice %arg2[%dma_start3A_2780] : memref<4259840xf32, #tpu.memory_space<hbm>> -> memref<4259840xf32, #tpu.memory_space<hbm>>
    tpu.enqueue_indirect_dma source(%dma_start3A_2781 : memref<4259840xf32, #tpu.memory_space<hbm>>) target(%dma_start3A_2776 : memref<128xf32, #tpu.memory_space<vmem>>) offsets(%dma_start3A_2779 : memref<128xi32, #tpu.memory_space<vmem>>) semaphore(%arg6 : memref<!tpu.dma_semaphore, #tpu.memory_space<semaphore_mem>>)
    %mul3A_2782 = arith.constant 16 : i32
    %mul3A_2783 = arith.muli %add3A, %mul3A_2782 : i32
    %add3A_2784 = arith.constant 15 : i32
    %add3A_2785 = arith.addi %mul3A_2783, %add3A_2784 : i32
    %jit3A_2786 = arith.constant 64 : i32
    %div3A_2787 = arith.divsi %add3A_2785, %jit3A_2786 : i32
    %sign3A_2788 = arith.constant 0 : i32
    %sign3A_2789 = arith.cmpi sgt, %add3A_2785, %sign3A_2788 : i32
    %sign3A_2790 = arith.extui %sign3A_2789 : i1 to i32
    %sign3A_2791 = arith.constant 0 : i32
    %sign3A_2792 = arith.cmpi slt, %add3A_2785, %sign3A_2791 : i32
    %sign3A_2793 = arith.extui %sign3A_2792 : i1 to i32
    %sign3A_2794 = arith.subi %sign3A_2790, %sign3A_2793 : i32
    %sign3A_2795 = arith.constant 0 : i32
    %sign3A_2796 = arith.cmpi sgt, %jit3A_2786, %sign3A_2795 : i32
    %sign3A_2797 = arith.extui %sign3A_2796 : i1 to i32
    %sign3A_2798 = arith.constant 0 : i32
    %sign3A_2799 = arith.cmpi slt, %jit3A_2786, %sign3A_2798 : i32
    %sign3A_2800 = arith.extui %sign3A_2799 : i1 to i32
    %sign3A_2801 = arith.subi %sign3A_2797, %sign3A_2800 : i32
    %ne3A_2802 = arith.cmpi ne, %sign3A_2794, %sign3A_2801 : i32
    %rem3A_2803 = arith.remsi %add3A_2785, %jit3A_2786 : i32
    %ne3A_2804 = arith.constant 0 : i32
    %ne3A_2805 = arith.cmpi ne, %rem3A_2803, %ne3A_2804 : i32
    %and3A_2806 = arith.andi %ne3A_2802, %ne3A_2805 : i1
    %sub3A_2807 = arith.constant 1 : i32
    %sub3A_2808 = arith.subi %div3A_2787, %sub3A_2807 : i32
    %select_n3A_2809 = arith.select %and3A_2806, %sub3A_2808, %div3A_2787 : i32
    %jit3A_2810 = arith.constant 64 : i32
    %eq3A_2811 = arith.constant 0 : i32
    %eq3A_2812 = arith.cmpi eq, %jit3A_2810, %eq3A_2811 : i32
    %jit3A_2813 = arith.constant 1 : i32
    %select_n3A_2814 = arith.select %eq3A_2812, %jit3A_2813, %jit3A_2810 : i32
    %rem3A_2815 = arith.remsi %add3A_2785, %select_n3A_2814 : i32
    %ne3A_2816 = arith.constant 0 : i32
    %ne3A_2817 = arith.cmpi ne, %rem3A_2815, %ne3A_2816 : i32
    %lt3A_2818 = arith.constant 0 : i32
    %lt3A_2819 = arith.cmpi slt, %rem3A_2815, %lt3A_2818 : i32
    %lt3A_2820 = arith.constant 0 : i32
    %lt3A_2821 = arith.cmpi slt, %select_n3A_2814, %lt3A_2820 : i32
    %ne3A_2822 = arith.xori %lt3A_2819, %lt3A_2821 : i1
    %and3A_2823 = arith.andi %ne3A_2822, %ne3A_2817 : i1
    %add3A_2824 = arith.addi %rem3A_2815, %select_n3A_2814 : i32
    %select_n3A_2825 = arith.select %and3A_2823, %add3A_2824, %rem3A_2815 : i32
    %jit3A_2826 = arith.constant 8 : i32
    %div3A_2827 = arith.divsi %select_n3A_2825, %jit3A_2826 : i32
    %sign3A_2828 = arith.constant 0 : i32
    %sign3A_2829 = arith.cmpi sgt, %select_n3A_2825, %sign3A_2828 : i32
    %sign3A_2830 = arith.extui %sign3A_2829 : i1 to i32
    %sign3A_2831 = arith.constant 0 : i32
    %sign3A_2832 = arith.cmpi slt, %select_n3A_2825, %sign3A_2831 : i32
    %sign3A_2833 = arith.extui %sign3A_2832 : i1 to i32
    %sign3A_2834 = arith.subi %sign3A_2830, %sign3A_2833 : i32
    %sign3A_2835 = arith.constant 0 : i32
    %sign3A_2836 = arith.cmpi sgt, %jit3A_2826, %sign3A_2835 : i32
    %sign3A_2837 = arith.extui %sign3A_2836 : i1 to i32
    %sign3A_2838 = arith.constant 0 : i32
    %sign3A_2839 = arith.cmpi slt, %jit3A_2826, %sign3A_2838 : i32
    %sign3A_2840 = arith.extui %sign3A_2839 : i1 to i32
    %sign3A_2841 = arith.subi %sign3A_2837, %sign3A_2840 : i32
    %ne3A_2842 = arith.cmpi ne, %sign3A_2834, %sign3A_2841 : i32
    %rem3A_2843 = arith.remsi %select_n3A_2825, %jit3A_2826 : i32
    %ne3A_2844 = arith.constant 0 : i32
    %ne3A_2845 = arith.cmpi ne, %rem3A_2843, %ne3A_2844 : i32
    %and3A_2846 = arith.andi %ne3A_2842, %ne3A_2845 : i1
    %sub3A_2847 = arith.constant 1 : i32
    %sub3A_2848 = arith.subi %div3A_2827, %sub3A_2847 : i32
    %select_n3A_2849 = arith.select %and3A_2846, %sub3A_2848, %div3A_2827 : i32
    %mul3A_2850 = arith.constant 520 : i32
    %mul3A_2851 = arith.muli %select_n3A_2849, %mul3A_2850 : i32
    %add3A_2852 = arith.constant 8 : i32
    %add3A_2853 = arith.addi %mul3A_2851, %add3A_2852 : i32
    %mul3A_2854 = arith.constant 128 : i32
    %mul3A_2855 = arith.muli %select_n3A_2809, %mul3A_2854 : i32
    %add3A_2856 = arith.addi %add3A_2853, %mul3A_2855 : i32
    %mul3A_2857 = arith.constant 1024 : i32
    %mul3A_2858 = arith.muli %add3A_2856, %mul3A_2857 : i32
    %jit3A_2859 = arith.constant 8 : i32
    %eq3A_2860 = arith.constant 0 : i32
    %eq3A_2861 = arith.cmpi eq, %jit3A_2859, %eq3A_2860 : i32
    %jit3A_2862 = arith.constant 1 : i32
    %select_n3A_2863 = arith.select %eq3A_2861, %jit3A_2862, %jit3A_2859 : i32
    %rem3A_2864 = arith.remsi %select_n3A_2825, %select_n3A_2863 : i32
    %ne3A_2865 = arith.constant 0 : i32
    %ne3A_2866 = arith.cmpi ne, %rem3A_2864, %ne3A_2865 : i32
    %lt3A_2867 = arith.constant 0 : i32
    %lt3A_2868 = arith.cmpi slt, %rem3A_2864, %lt3A_2867 : i32
    %lt3A_2869 = arith.constant 0 : i32
    %lt3A_2870 = arith.cmpi slt, %select_n3A_2863, %lt3A_2869 : i32
    %ne3A_2871 = arith.xori %lt3A_2868, %lt3A_2870 : i1
    %and3A_2872 = arith.andi %ne3A_2871, %ne3A_2866 : i1
    %add3A_2873 = arith.addi %rem3A_2864, %select_n3A_2863 : i32
    %select_n3A_2874 = arith.select %and3A_2872, %add3A_2873, %rem3A_2864 : i32
    %mul3A_2875 = arith.constant 128 : i32
    %mul3A_2876 = arith.muli %select_n3A_2874, %mul3A_2875 : i32
    %add3A_2877 = arith.addi %mul3A_2858, %mul3A_2876 : i32
    %add3A_2878 = arith.constant 0 : i32
    %add3A_2879 = arith.addi %add3A_2877, %add3A_2878 : i32
    %add3A_2880 = vector.broadcast %add3A_2879 : i32 to vector<16xi32>
    %add3A_2881 = arith.addi %mul3A_3, %add3A_2880 : vector<16xi32>
    %swap3A_2882 = arith.constant 15 : i32
    %swap3A_2883 = arith.index_cast %swap3A_2882 : i32 to index
    %swap3A_2884 = arith.constant 0 : index
    %swap3A_2885 = tpu.vector_load %arg4[%swap3A_2883, %swap3A_2884] {strides = array<i32>} : memref<16x128xi32, #tpu.memory_space<vmem>>, vector<1x16xi32>,
    %swap3A_2886 = vector.shape_cast %swap3A_2885 : vector<1x16xi32> to vector<16xi32>
    %swap3A_2887 = vector.shape_cast %add3A_2881 : vector<16xi32> to vector<1x16xi32>
    tpu.vector_store %arg4[%swap3A_2883, %swap3A_2884], %swap3A_2887 {strides = array<i32>} : memref<16x128xi32, #tpu.memory_space<vmem>>, vector<1x16xi32>,
    %add3A_2888 = arith.constant 16384 : i32
    %add3A_2889 = arith.addi %add3A_2877, %add3A_2888 : i32
    %add3A_2890 = vector.broadcast %add3A_2889 : i32 to vector<16xi32>
    %add3A_2891 = arith.addi %mul3A_3, %add3A_2890 : vector<16xi32>
    %swap3A_2892 = arith.constant 15 : i32
    %swap3A_2893 = arith.index_cast %swap3A_2892 : i32 to index
    %swap3A_2894 = arith.constant 16 : index
    %swap3A_2895 = tpu.vector_load %arg4[%swap3A_2893, %swap3A_2894] {strides = array<i32>} : memref<16x128xi32, #tpu.memory_space<vmem>>, vector<1x16xi32>,
    %swap3A_2896 = vector.shape_cast %swap3A_2895 : vector<1x16xi32> to vector<16xi32>
    %swap3A_2897 = vector.shape_cast %add3A_2891 : vector<16xi32> to vector<1x16xi32>
    tpu.vector_store %arg4[%swap3A_2893, %swap3A_2894], %swap3A_2897 {strides = array<i32>} : memref<16x128xi32, #tpu.memory_space<vmem>>, vector<1x16xi32>,
    %add3A_2898 = arith.constant 32768 : i32
    %add3A_2899 = arith.addi %add3A_2877, %add3A_2898 : i32
    %add3A_2900 = vector.broadcast %add3A_2899 : i32 to vector<16xi32>
    %add3A_2901 = arith.addi %mul3A_3, %add3A_2900 : vector<16xi32>
    %swap3A_2902 = arith.constant 15 : i32
    %swap3A_2903 = arith.index_cast %swap3A_2902 : i32 to index
    %swap3A_2904 = arith.constant 32 : index
    %swap3A_2905 = tpu.vector_load %arg4[%swap3A_2903, %swap3A_2904] {strides = array<i32>} : memref<16x128xi32, #tpu.memory_space<vmem>>, vector<1x16xi32>,
    %swap3A_2906 = vector.shape_cast %swap3A_2905 : vector<1x16xi32> to vector<16xi32>
    %swap3A_2907 = vector.shape_cast %add3A_2901 : vector<16xi32> to vector<1x16xi32>
    tpu.vector_store %arg4[%swap3A_2903, %swap3A_2904], %swap3A_2907 {strides = array<i32>} : memref<16x128xi32, #tpu.memory_space<vmem>>, vector<1x16xi32>,
    %add3A_2908 = arith.constant 49152 : i32
    %add3A_2909 = arith.addi %add3A_2877, %add3A_2908 : i32
    %add3A_2910 = vector.broadcast %add3A_2909 : i32 to vector<16xi32>
    %add3A_2911 = arith.addi %mul3A_3, %add3A_2910 : vector<16xi32>
    %swap3A_2912 = arith.constant 15 : i32
    %swap3A_2913 = arith.index_cast %swap3A_2912 : i32 to index
    %swap3A_2914 = arith.constant 48 : index
    %swap3A_2915 = tpu.vector_load %arg4[%swap3A_2913, %swap3A_2914] {strides = array<i32>} : memref<16x128xi32, #tpu.memory_space<vmem>>, vector<1x16xi32>,
    %swap3A_2916 = vector.shape_cast %swap3A_2915 : vector<1x16xi32> to vector<16xi32>
    %swap3A_2917 = vector.shape_cast %add3A_2911 : vector<16xi32> to vector<1x16xi32>
    tpu.vector_store %arg4[%swap3A_2913, %swap3A_2914], %swap3A_2917 {strides = array<i32>} : memref<16x128xi32, #tpu.memory_space<vmem>>, vector<1x16xi32>,
    %add3A_2918 = arith.constant 65536 : i32
    %add3A_2919 = arith.addi %add3A_2877, %add3A_2918 : i32
    %add3A_2920 = vector.broadcast %add3A_2919 : i32 to vector<16xi32>
    %add3A_2921 = arith.addi %mul3A_3, %add3A_2920 : vector<16xi32>
    %swap3A_2922 = arith.constant 15 : i32
    %swap3A_2923 = arith.index_cast %swap3A_2922 : i32 to index
    %swap3A_2924 = arith.constant 64 : index
    %swap3A_2925 = tpu.vector_load %arg4[%swap3A_2923, %swap3A_2924] {strides = array<i32>} : memref<16x128xi32, #tpu.memory_space<vmem>>, vector<1x16xi32>,
    %swap3A_2926 = vector.shape_cast %swap3A_2925 : vector<1x16xi32> to vector<16xi32>
    %swap3A_2927 = vector.shape_cast %add3A_2921 : vector<16xi32> to vector<1x16xi32>
    tpu.vector_store %arg4[%swap3A_2923, %swap3A_2924], %swap3A_2927 {strides = array<i32>} : memref<16x128xi32, #tpu.memory_space<vmem>>, vector<1x16xi32>,
    %add3A_2928 = arith.constant 81920 : i32
    %add3A_2929 = arith.addi %add3A_2877, %add3A_2928 : i32
    %add3A_2930 = vector.broadcast %add3A_2929 : i32 to vector<16xi32>
    %add3A_2931 = arith.addi %mul3A_3, %add3A_2930 : vector<16xi32>
    %swap3A_2932 = arith.constant 15 : i32
    %swap3A_2933 = arith.index_cast %swap3A_2932 : i32 to index
    %swap3A_2934 = arith.constant 80 : index
    %swap3A_2935 = tpu.vector_load %arg4[%swap3A_2933, %swap3A_2934] {strides = array<i32>} : memref<16x128xi32, #tpu.memory_space<vmem>>, vector<1x16xi32>,
    %swap3A_2936 = vector.shape_cast %swap3A_2935 : vector<1x16xi32> to vector<16xi32>
    %swap3A_2937 = vector.shape_cast %add3A_2931 : vector<16xi32> to vector<1x16xi32>
    tpu.vector_store %arg4[%swap3A_2933, %swap3A_2934], %swap3A_2937 {strides = array<i32>} : memref<16x128xi32, #tpu.memory_space<vmem>>, vector<1x16xi32>,
    %add3A_2938 = arith.constant 98304 : i32
    %add3A_2939 = arith.addi %add3A_2877, %add3A_2938 : i32
    %add3A_2940 = vector.broadcast %add3A_2939 : i32 to vector<16xi32>
    %add3A_2941 = arith.addi %mul3A_3, %add3A_2940 : vector<16xi32>
    %swap3A_2942 = arith.constant 15 : i32
    %swap3A_2943 = arith.index_cast %swap3A_2942 : i32 to index
    %swap3A_2944 = arith.constant 96 : index
    %swap3A_2945 = tpu.vector_load %arg4[%swap3A_2943, %swap3A_2944] {strides = array<i32>} : memref<16x128xi32, #tpu.memory_space<vmem>>, vector<1x16xi32>,
    %swap3A_2946 = vector.shape_cast %swap3A_2945 : vector<1x16xi32> to vector<16xi32>
    %swap3A_2947 = vector.shape_cast %add3A_2941 : vector<16xi32> to vector<1x16xi32>
    tpu.vector_store %arg4[%swap3A_2943, %swap3A_2944], %swap3A_2947 {strides = array<i32>} : memref<16x128xi32, #tpu.memory_space<vmem>>, vector<1x16xi32>,
    %add3A_2948 = arith.constant 114688 : i32
    %add3A_2949 = arith.addi %add3A_2877, %add3A_2948 : i32
    %add3A_2950 = vector.broadcast %add3A_2949 : i32 to vector<16xi32>
    %add3A_2951 = arith.addi %mul3A_3, %add3A_2950 : vector<16xi32>
    %swap3A_2952 = arith.constant 15 : i32
    %swap3A_2953 = arith.index_cast %swap3A_2952 : i32 to index
    %swap3A_2954 = arith.constant 112 : index
    %swap3A_2955 = tpu.vector_load %arg4[%swap3A_2953, %swap3A_2954] {strides = array<i32>} : memref<16x128xi32, #tpu.memory_space<vmem>>, vector<1x16xi32>,
    %swap3A_2956 = vector.shape_cast %swap3A_2955 : vector<1x16xi32> to vector<16xi32>
    %swap3A_2957 = vector.shape_cast %add3A_2951 : vector<16xi32> to vector<1x16xi32>
    tpu.vector_store %arg4[%swap3A_2953, %swap3A_2954], %swap3A_2957 {strides = array<i32>} : memref<16x128xi32, #tpu.memory_space<vmem>>, vector<1x16xi32>,
    %dma_start3A_2958 = arith.constant 15 : i32
    %dma_start3A_2959 = arith.constant 15 : i32
    %dma_start3A_2960 = arith.constant 0 : i32
    %dma_start3A_2961 = tpu.memref_slice %arg5[%dma_start3A_2959, %dma_start3A_2960] : memref<16x128xf32, #tpu.memory_space<vmem>> -> memref<1x128xf32, #tpu.memory_space<vmem>>
    %dma_start3A_2962 = tpu.memref_squeeze %dma_start3A_2961 : memref<1x128xf32, #tpu.memory_space<vmem>> -> memref<128xf32, #tpu.memory_space<vmem>>
    %dma_start3A_2963 = arith.constant 0 : i32
    %dma_start3A_2964 = tpu.memref_slice %arg4[%dma_start3A_2958, %dma_start3A_2963] : memref<16x128xi32, #tpu.memory_space<vmem>> -> memref<1x128xi32, #tpu.memory_space<vmem>>
    %dma_start3A_2965 = tpu.memref_squeeze %dma_start3A_2964 : memref<1x128xi32, #tpu.memory_space<vmem>> -> memref<128xi32, #tpu.memory_space<vmem>>
    %dma_start3A_2966 = arith.constant 0 : i32
    %dma_start3A_2967 = tpu.memref_slice %arg2[%dma_start3A_2966] : memref<4259840xf32, #tpu.memory_space<hbm>> -> memref<4259840xf32, #tpu.memory_space<hbm>>
    tpu.enqueue_indirect_dma source(%dma_start3A_2967 : memref<4259840xf32, #tpu.memory_space<hbm>>) target(%dma_start3A_2962 : memref<128xf32, #tpu.memory_space<vmem>>) offsets(%dma_start3A_2965 : memref<128xi32, #tpu.memory_space<vmem>>) semaphore(%arg6 : memref<!tpu.dma_semaphore, #tpu.memory_space<semaphore_mem>>)
    %dma_wait3A = arith.constant 0 : i32
    %dma_wait3A_2968 = arith.constant 0 : i32
    %dma_wait3A_2969 = arith.constant 0 : i32
    %dma_wait3A_2970 = tpu.memref_slice %arg5[%dma_wait3A_2968, %dma_wait3A_2969] : memref<16x128xf32, #tpu.memory_space<vmem>> -> memref<1x128xf32, #tpu.memory_space<vmem>>
    %dma_wait3A_2971 = tpu.memref_squeeze %dma_wait3A_2970 : memref<1x128xf32, #tpu.memory_space<vmem>> -> memref<128xf32, #tpu.memory_space<vmem>>
    %dma_wait3A_2972 = arith.constant 0 : i32
    %dma_wait3A_2973 = tpu.memref_slice %arg4[%dma_wait3A, %dma_wait3A_2972] : memref<16x128xi32, #tpu.memory_space<vmem>> -> memref<1x128xi32, #tpu.memory_space<vmem>>
    %dma_wait3A_2974 = tpu.memref_squeeze %dma_wait3A_2973 : memref<1x128xi32, #tpu.memory_space<vmem>> -> memref<128xi32, #tpu.memory_space<vmem>>
    %dma_wait3A_2975 = arith.constant 0 : i32
    %dma_wait3A_2976 = tpu.memref_slice %arg2[%dma_wait3A_2975] : memref<4259840xf32, #tpu.memory_space<hbm>> -> memref<4259840xf32, #tpu.memory_space<hbm>>
    tpu.wait_indirect_dma semaphore(%arg6 : memref<!tpu.dma_semaphore, #tpu.memory_space<semaphore_mem>>) src(%dma_wait3A_2976 : memref<4259840xf32, #tpu.memory_space<hbm>>) dst(%dma_wait3A_2971 : memref<128xf32, #tpu.memory_space<vmem>>)
    %dma_wait3A_2977 = arith.constant 1 : i32
    %dma_wait3A_2978 = arith.constant 1 : i32
    %dma_wait3A_2979 = arith.constant 0 : i32
    %dma_wait3A_2980 = tpu.memref_slice %arg5[%dma_wait3A_2978, %dma_wait3A_2979] : memref<16x128xf32, #tpu.memory_space<vmem>> -> memref<1x128xf32, #tpu.memory_space<vmem>>
    %dma_wait3A_2981 = tpu.memref_squeeze %dma_wait3A_2980 : memref<1x128xf32, #tpu.memory_space<vmem>> -> memref<128xf32, #tpu.memory_space<vmem>>
    %dma_wait3A_2982 = arith.constant 0 : i32
    %dma_wait3A_2983 = tpu.memref_slice %arg4[%dma_wait3A_2977, %dma_wait3A_2982] : memref<16x128xi32, #tpu.memory_space<vmem>> -> memref<1x128xi32, #tpu.memory_space<vmem>>
    %dma_wait3A_2984 = tpu.memref_squeeze %dma_wait3A_2983 : memref<1x128xi32, #tpu.memory_space<vmem>> -> memref<128xi32, #tpu.memory_space<vmem>>
    %dma_wait3A_2985 = arith.constant 0 : i32
    %dma_wait3A_2986 = tpu.memref_slice %arg2[%dma_wait3A_2985] : memref<4259840xf32, #tpu.memory_space<hbm>> -> memref<4259840xf32, #tpu.memory_space<hbm>>
    tpu.wait_indirect_dma semaphore(%arg6 : memref<!tpu.dma_semaphore, #tpu.memory_space<semaphore_mem>>) src(%dma_wait3A_2986 : memref<4259840xf32, #tpu.memory_space<hbm>>) dst(%dma_wait3A_2981 : memref<128xf32, #tpu.memory_space<vmem>>)
    %dma_wait3A_2987 = arith.constant 2 : i32
    %dma_wait3A_2988 = arith.constant 2 : i32
    %dma_wait3A_2989 = arith.constant 0 : i32
    %dma_wait3A_2990 = tpu.memref_slice %arg5[%dma_wait3A_2988, %dma_wait3A_2989] : memref<16x128xf32, #tpu.memory_space<vmem>> -> memref<1x128xf32, #tpu.memory_space<vmem>>
    %dma_wait3A_2991 = tpu.memref_squeeze %dma_wait3A_2990 : memref<1x128xf32, #tpu.memory_space<vmem>> -> memref<128xf32, #tpu.memory_space<vmem>>
    %dma_wait3A_2992 = arith.constant 0 : i32
    %dma_wait3A_2993 = tpu.memref_slice %arg4[%dma_wait3A_2987, %dma_wait3A_2992] : memref<16x128xi32, #tpu.memory_space<vmem>> -> memref<1x128xi32, #tpu.memory_space<vmem>>
    %dma_wait3A_2994 = tpu.memref_squeeze %dma_wait3A_2993 : memref<1x128xi32, #tpu.memory_space<vmem>> -> memref<128xi32, #tpu.memory_space<vmem>>
    %dma_wait3A_2995 = arith.constant 0 : i32
    %dma_wait3A_2996 = tpu.memref_slice %arg2[%dma_wait3A_2995] : memref<4259840xf32, #tpu.memory_space<hbm>> -> memref<4259840xf32, #tpu.memory_space<hbm>>
    tpu.wait_indirect_dma semaphore(%arg6 : memref<!tpu.dma_semaphore, #tpu.memory_space<semaphore_mem>>) src(%dma_wait3A_2996 : memref<4259840xf32, #tpu.memory_space<hbm>>) dst(%dma_wait3A_2991 : memref<128xf32, #tpu.memory_space<vmem>>)
    %dma_wait3A_2997 = arith.constant 3 : i32
    %dma_wait3A_2998 = arith.constant 3 : i32
    %dma_wait3A_2999 = arith.constant 0 : i32
    %dma_wait3A_3000 = tpu.memref_slice %arg5[%dma_wait3A_2998, %dma_wait3A_2999] : memref<16x128xf32, #tpu.memory_space<vmem>> -> memref<1x128xf32, #tpu.memory_space<vmem>>
    %dma_wait3A_3001 = tpu.memref_squeeze %dma_wait3A_3000 : memref<1x128xf32, #tpu.memory_space<vmem>> -> memref<128xf32, #tpu.memory_space<vmem>>
    %dma_wait3A_3002 = arith.constant 0 : i32
    %dma_wait3A_3003 = tpu.memref_slice %arg4[%dma_wait3A_2997, %dma_wait3A_3002] : memref<16x128xi32, #tpu.memory_space<vmem>> -> memref<1x128xi32, #tpu.memory_space<vmem>>
    %dma_wait3A_3004 = tpu.memref_squeeze %dma_wait3A_3003 : memref<1x128xi32, #tpu.memory_space<vmem>> -> memref<128xi32, #tpu.memory_space<vmem>>
    %dma_wait3A_3005 = arith.constant 0 : i32
    %dma_wait3A_3006 = tpu.memref_slice %arg2[%dma_wait3A_3005] : memref<4259840xf32, #tpu.memory_space<hbm>> -> memref<4259840xf32, #tpu.memory_space<hbm>>
    tpu.wait_indirect_dma semaphore(%arg6 : memref<!tpu.dma_semaphore, #tpu.memory_space<semaphore_mem>>) src(%dma_wait3A_3006 : memref<4259840xf32, #tpu.memory_space<hbm>>) dst(%dma_wait3A_3001 : memref<128xf32, #tpu.memory_space<vmem>>)
    %dma_wait3A_3007 = arith.constant 4 : i32
    %dma_wait3A_3008 = arith.constant 4 : i32
    %dma_wait3A_3009 = arith.constant 0 : i32
    %dma_wait3A_3010 = tpu.memref_slice %arg5[%dma_wait3A_3008, %dma_wait3A_3009] : memref<16x128xf32, #tpu.memory_space<vmem>> -> memref<1x128xf32, #tpu.memory_space<vmem>>
    %dma_wait3A_3011 = tpu.memref_squeeze %dma_wait3A_3010 : memref<1x128xf32, #tpu.memory_space<vmem>> -> memref<128xf32, #tpu.memory_space<vmem>>
    %dma_wait3A_3012 = arith.constant 0 : i32
    %dma_wait3A_3013 = tpu.memref_slice %arg4[%dma_wait3A_3007, %dma_wait3A_3012] : memref<16x128xi32, #tpu.memory_space<vmem>> -> memref<1x128xi32, #tpu.memory_space<vmem>>
    %dma_wait3A_3014 = tpu.memref_squeeze %dma_wait3A_3013 : memref<1x128xi32, #tpu.memory_space<vmem>> -> memref<128xi32, #tpu.memory_space<vmem>>
    %dma_wait3A_3015 = arith.constant 0 : i32
    %dma_wait3A_3016 = tpu.memref_slice %arg2[%dma_wait3A_3015] : memref<4259840xf32, #tpu.memory_space<hbm>> -> memref<4259840xf32, #tpu.memory_space<hbm>>
    tpu.wait_indirect_dma semaphore(%arg6 : memref<!tpu.dma_semaphore, #tpu.memory_space<semaphore_mem>>) src(%dma_wait3A_3016 : memref<4259840xf32, #tpu.memory_space<hbm>>) dst(%dma_wait3A_3011 : memref<128xf32, #tpu.memory_space<vmem>>)
    %dma_wait3A_3017 = arith.constant 5 : i32
    %dma_wait3A_3018 = arith.constant 5 : i32
    %dma_wait3A_3019 = arith.constant 0 : i32
    %dma_wait3A_3020 = tpu.memref_slice %arg5[%dma_wait3A_3018, %dma_wait3A_3019] : memref<16x128xf32, #tpu.memory_space<vmem>> -> memref<1x128xf32, #tpu.memory_space<vmem>>
    %dma_wait3A_3021 = tpu.memref_squeeze %dma_wait3A_3020 : memref<1x128xf32, #tpu.memory_space<vmem>> -> memref<128xf32, #tpu.memory_space<vmem>>
    %dma_wait3A_3022 = arith.constant 0 : i32
    %dma_wait3A_3023 = tpu.memref_slice %arg4[%dma_wait3A_3017, %dma_wait3A_3022] : memref<16x128xi32, #tpu.memory_space<vmem>> -> memref<1x128xi32, #tpu.memory_space<vmem>>
    %dma_wait3A_3024 = tpu.memref_squeeze %dma_wait3A_3023 : memref<1x128xi32, #tpu.memory_space<vmem>> -> memref<128xi32, #tpu.memory_space<vmem>>
    %dma_wait3A_3025 = arith.constant 0 : i32
    %dma_wait3A_3026 = tpu.memref_slice %arg2[%dma_wait3A_3025] : memref<4259840xf32, #tpu.memory_space<hbm>> -> memref<4259840xf32, #tpu.memory_space<hbm>>
    tpu.wait_indirect_dma semaphore(%arg6 : memref<!tpu.dma_semaphore, #tpu.memory_space<semaphore_mem>>) src(%dma_wait3A_3026 : memref<4259840xf32, #tpu.memory_space<hbm>>) dst(%dma_wait3A_3021 : memref<128xf32, #tpu.memory_space<vmem>>)
    %dma_wait3A_3027 = arith.constant 6 : i32
    %dma_wait3A_3028 = arith.constant 6 : i32
    %dma_wait3A_3029 = arith.constant 0 : i32
    %dma_wait3A_3030 = tpu.memref_slice %arg5[%dma_wait3A_3028, %dma_wait3A_3029] : memref<16x128xf32, #tpu.memory_space<vmem>> -> memref<1x128xf32, #tpu.memory_space<vmem>>
    %dma_wait3A_3031 = tpu.memref_squeeze %dma_wait3A_3030 : memref<1x128xf32, #tpu.memory_space<vmem>> -> memref<128xf32, #tpu.memory_space<vmem>>
    %dma_wait3A_3032 = arith.constant 0 : i32
    %dma_wait3A_3033 = tpu.memref_slice %arg4[%dma_wait3A_3027, %dma_wait3A_3032] : memref<16x128xi32, #tpu.memory_space<vmem>> -> memref<1x128xi32, #tpu.memory_space<vmem>>
    %dma_wait3A_3034 = tpu.memref_squeeze %dma_wait3A_3033 : memref<1x128xi32, #tpu.memory_space<vmem>> -> memref<128xi32, #tpu.memory_space<vmem>>
    %dma_wait3A_3035 = arith.constant 0 : i32
    %dma_wait3A_3036 = tpu.memref_slice %arg2[%dma_wait3A_3035] : memref<4259840xf32, #tpu.memory_space<hbm>> -> memref<4259840xf32, #tpu.memory_space<hbm>>
    tpu.wait_indirect_dma semaphore(%arg6 : memref<!tpu.dma_semaphore, #tpu.memory_space<semaphore_mem>>) src(%dma_wait3A_3036 : memref<4259840xf32, #tpu.memory_space<hbm>>) dst(%dma_wait3A_3031 : memref<128xf32, #tpu.memory_space<vmem>>)
    %dma_wait3A_3037 = arith.constant 7 : i32
    %dma_wait3A_3038 = arith.constant 7 : i32
    %dma_wait3A_3039 = arith.constant 0 : i32
    %dma_wait3A_3040 = tpu.memref_slice %arg5[%dma_wait3A_3038, %dma_wait3A_3039] : memref<16x128xf32, #tpu.memory_space<vmem>> -> memref<1x128xf32, #tpu.memory_space<vmem>>
    %dma_wait3A_3041 = tpu.memref_squeeze %dma_wait3A_3040 : memref<1x128xf32, #tpu.memory_space<vmem>> -> memref<128xf32, #tpu.memory_space<vmem>>
    %dma_wait3A_3042 = arith.constant 0 : i32
    %dma_wait3A_3043 = tpu.memref_slice %arg4[%dma_wait3A_3037, %dma_wait3A_3042] : memref<16x128xi32, #tpu.memory_space<vmem>> -> memref<1x128xi32, #tpu.memory_space<vmem>>
    %dma_wait3A_3044 = tpu.memref_squeeze %dma_wait3A_3043 : memref<1x128xi32, #tpu.memory_space<vmem>> -> memref<128xi32, #tpu.memory_space<vmem>>
    %dma_wait3A_3045 = arith.constant 0 : i32
    %dma_wait3A_3046 = tpu.memref_slice %arg2[%dma_wait3A_3045] : memref<4259840xf32, #tpu.memory_space<hbm>> -> memref<4259840xf32, #tpu.memory_space<hbm>>
    tpu.wait_indirect_dma semaphore(%arg6 : memref<!tpu.dma_semaphore, #tpu.memory_space<semaphore_mem>>) src(%dma_wait3A_3046 : memref<4259840xf32, #tpu.memory_space<hbm>>) dst(%dma_wait3A_3041 : memref<128xf32, #tpu.memory_space<vmem>>)
    %dma_wait3A_3047 = arith.constant 8 : i32
    %dma_wait3A_3048 = arith.constant 8 : i32
    %dma_wait3A_3049 = arith.constant 0 : i32
    %dma_wait3A_3050 = tpu.memref_slice %arg5[%dma_wait3A_3048, %dma_wait3A_3049] : memref<16x128xf32, #tpu.memory_space<vmem>> -> memref<1x128xf32, #tpu.memory_space<vmem>>
    %dma_wait3A_3051 = tpu.memref_squeeze %dma_wait3A_3050 : memref<1x128xf32, #tpu.memory_space<vmem>> -> memref<128xf32, #tpu.memory_space<vmem>>
    %dma_wait3A_3052 = arith.constant 0 : i32
    %dma_wait3A_3053 = tpu.memref_slice %arg4[%dma_wait3A_3047, %dma_wait3A_3052] : memref<16x128xi32, #tpu.memory_space<vmem>> -> memref<1x128xi32, #tpu.memory_space<vmem>>
    %dma_wait3A_3054 = tpu.memref_squeeze %dma_wait3A_3053 : memref<1x128xi32, #tpu.memory_space<vmem>> -> memref<128xi32, #tpu.memory_space<vmem>>
    %dma_wait3A_3055 = arith.constant 0 : i32
    %dma_wait3A_3056 = tpu.memref_slice %arg2[%dma_wait3A_3055] : memref<4259840xf32, #tpu.memory_space<hbm>> -> memref<4259840xf32, #tpu.memory_space<hbm>>
    tpu.wait_indirect_dma semaphore(%arg6 : memref<!tpu.dma_semaphore, #tpu.memory_space<semaphore_mem>>) src(%dma_wait3A_3056 : memref<4259840xf32, #tpu.memory_space<hbm>>) dst(%dma_wait3A_3051 : memref<128xf32, #tpu.memory_space<vmem>>)
    %dma_wait3A_3057 = arith.constant 9 : i32
    %dma_wait3A_3058 = arith.constant 9 : i32
    %dma_wait3A_3059 = arith.constant 0 : i32
    %dma_wait3A_3060 = tpu.memref_slice %arg5[%dma_wait3A_3058, %dma_wait3A_3059] : memref<16x128xf32, #tpu.memory_space<vmem>> -> memref<1x128xf32, #tpu.memory_space<vmem>>
    %dma_wait3A_3061 = tpu.memref_squeeze %dma_wait3A_3060 : memref<1x128xf32, #tpu.memory_space<vmem>> -> memref<128xf32, #tpu.memory_space<vmem>>
    %dma_wait3A_3062 = arith.constant 0 : i32
    %dma_wait3A_3063 = tpu.memref_slice %arg4[%dma_wait3A_3057, %dma_wait3A_3062] : memref<16x128xi32, #tpu.memory_space<vmem>> -> memref<1x128xi32, #tpu.memory_space<vmem>>
    %dma_wait3A_3064 = tpu.memref_squeeze %dma_wait3A_3063 : memref<1x128xi32, #tpu.memory_space<vmem>> -> memref<128xi32, #tpu.memory_space<vmem>>
    %dma_wait3A_3065 = arith.constant 0 : i32
    %dma_wait3A_3066 = tpu.memref_slice %arg2[%dma_wait3A_3065] : memref<4259840xf32, #tpu.memory_space<hbm>> -> memref<4259840xf32, #tpu.memory_space<hbm>>
    tpu.wait_indirect_dma semaphore(%arg6 : memref<!tpu.dma_semaphore, #tpu.memory_space<semaphore_mem>>) src(%dma_wait3A_3066 : memref<4259840xf32, #tpu.memory_space<hbm>>) dst(%dma_wait3A_3061 : memref<128xf32, #tpu.memory_space<vmem>>)
    %dma_wait3A_3067 = arith.constant 10 : i32
    %dma_wait3A_3068 = arith.constant 10 : i32
    %dma_wait3A_3069 = arith.constant 0 : i32
    %dma_wait3A_3070 = tpu.memref_slice %arg5[%dma_wait3A_3068, %dma_wait3A_3069] : memref<16x128xf32, #tpu.memory_space<vmem>> -> memref<1x128xf32, #tpu.memory_space<vmem>>
    %dma_wait3A_3071 = tpu.memref_squeeze %dma_wait3A_3070 : memref<1x128xf32, #tpu.memory_space<vmem>> -> memref<128xf32, #tpu.memory_space<vmem>>
    %dma_wait3A_3072 = arith.constant 0 : i32
    %dma_wait3A_3073 = tpu.memref_slice %arg4[%dma_wait3A_3067, %dma_wait3A_3072] : memref<16x128xi32, #tpu.memory_space<vmem>> -> memref<1x128xi32, #tpu.memory_space<vmem>>
    %dma_wait3A_3074 = tpu.memref_squeeze %dma_wait3A_3073 : memref<1x128xi32, #tpu.memory_space<vmem>> -> memref<128xi32, #tpu.memory_space<vmem>>
    %dma_wait3A_3075 = arith.constant 0 : i32
    %dma_wait3A_3076 = tpu.memref_slice %arg2[%dma_wait3A_3075] : memref<4259840xf32, #tpu.memory_space<hbm>> -> memref<4259840xf32, #tpu.memory_space<hbm>>
    tpu.wait_indirect_dma semaphore(%arg6 : memref<!tpu.dma_semaphore, #tpu.memory_space<semaphore_mem>>) src(%dma_wait3A_3076 : memref<4259840xf32, #tpu.memory_space<hbm>>) dst(%dma_wait3A_3071 : memref<128xf32, #tpu.memory_space<vmem>>)
    %dma_wait3A_3077 = arith.constant 11 : i32
    %dma_wait3A_3078 = arith.constant 11 : i32
    %dma_wait3A_3079 = arith.constant 0 : i32
    %dma_wait3A_3080 = tpu.memref_slice %arg5[%dma_wait3A_3078, %dma_wait3A_3079] : memref<16x128xf32, #tpu.memory_space<vmem>> -> memref<1x128xf32, #tpu.memory_space<vmem>>
    %dma_wait3A_3081 = tpu.memref_squeeze %dma_wait3A_3080 : memref<1x128xf32, #tpu.memory_space<vmem>> -> memref<128xf32, #tpu.memory_space<vmem>>
    %dma_wait3A_3082 = arith.constant 0 : i32
    %dma_wait3A_3083 = tpu.memref_slice %arg4[%dma_wait3A_3077, %dma_wait3A_3082] : memref<16x128xi32, #tpu.memory_space<vmem>> -> memref<1x128xi32, #tpu.memory_space<vmem>>
    %dma_wait3A_3084 = tpu.memref_squeeze %dma_wait3A_3083 : memref<1x128xi32, #tpu.memory_space<vmem>> -> memref<128xi32, #tpu.memory_space<vmem>>
    %dma_wait3A_3085 = arith.constant 0 : i32
    %dma_wait3A_3086 = tpu.memref_slice %arg2[%dma_wait3A_3085] : memref<4259840xf32, #tpu.memory_space<hbm>> -> memref<4259840xf32, #tpu.memory_space<hbm>>
    tpu.wait_indirect_dma semaphore(%arg6 : memref<!tpu.dma_semaphore, #tpu.memory_space<semaphore_mem>>) src(%dma_wait3A_3086 : memref<4259840xf32, #tpu.memory_space<hbm>>) dst(%dma_wait3A_3081 : memref<128xf32, #tpu.memory_space<vmem>>)
    %dma_wait3A_3087 = arith.constant 12 : i32
    %dma_wait3A_3088 = arith.constant 12 : i32
    %dma_wait3A_3089 = arith.constant 0 : i32
    %dma_wait3A_3090 = tpu.memref_slice %arg5[%dma_wait3A_3088, %dma_wait3A_3089] : memref<16x128xf32, #tpu.memory_space<vmem>> -> memref<1x128xf32, #tpu.memory_space<vmem>>
    %dma_wait3A_3091 = tpu.memref_squeeze %dma_wait3A_3090 : memref<1x128xf32, #tpu.memory_space<vmem>> -> memref<128xf32, #tpu.memory_space<vmem>>
    %dma_wait3A_3092 = arith.constant 0 : i32
    %dma_wait3A_3093 = tpu.memref_slice %arg4[%dma_wait3A_3087, %dma_wait3A_3092] : memref<16x128xi32, #tpu.memory_space<vmem>> -> memref<1x128xi32, #tpu.memory_space<vmem>>
    %dma_wait3A_3094 = tpu.memref_squeeze %dma_wait3A_3093 : memref<1x128xi32, #tpu.memory_space<vmem>> -> memref<128xi32, #tpu.memory_space<vmem>>
    %dma_wait3A_3095 = arith.constant 0 : i32
    %dma_wait3A_3096 = tpu.memref_slice %arg2[%dma_wait3A_3095] : memref<4259840xf32, #tpu.memory_space<hbm>> -> memref<4259840xf32, #tpu.memory_space<hbm>>
    tpu.wait_indirect_dma semaphore(%arg6 : memref<!tpu.dma_semaphore, #tpu.memory_space<semaphore_mem>>) src(%dma_wait3A_3096 : memref<4259840xf32, #tpu.memory_space<hbm>>) dst(%dma_wait3A_3091 : memref<128xf32, #tpu.memory_space<vmem>>)
    %dma_wait3A_3097 = arith.constant 13 : i32
    %dma_wait3A_3098 = arith.constant 13 : i32
    %dma_wait3A_3099 = arith.constant 0 : i32
    %dma_wait3A_3100 = tpu.memref_slice %arg5[%dma_wait3A_3098, %dma_wait3A_3099] : memref<16x128xf32, #tpu.memory_space<vmem>> -> memref<1x128xf32, #tpu.memory_space<vmem>>
    %dma_wait3A_3101 = tpu.memref_squeeze %dma_wait3A_3100 : memref<1x128xf32, #tpu.memory_space<vmem>> -> memref<128xf32, #tpu.memory_space<vmem>>
    %dma_wait3A_3102 = arith.constant 0 : i32
    %dma_wait3A_3103 = tpu.memref_slice %arg4[%dma_wait3A_3097, %dma_wait3A_3102] : memref<16x128xi32, #tpu.memory_space<vmem>> -> memref<1x128xi32, #tpu.memory_space<vmem>>
    %dma_wait3A_3104 = tpu.memref_squeeze %dma_wait3A_3103 : memref<1x128xi32, #tpu.memory_space<vmem>> -> memref<128xi32, #tpu.memory_space<vmem>>
    %dma_wait3A_3105 = arith.constant 0 : i32
    %dma_wait3A_3106 = tpu.memref_slice %arg2[%dma_wait3A_3105] : memref<4259840xf32, #tpu.memory_space<hbm>> -> memref<4259840xf32, #tpu.memory_space<hbm>>
    tpu.wait_indirect_dma semaphore(%arg6 : memref<!tpu.dma_semaphore, #tpu.memory_space<semaphore_mem>>) src(%dma_wait3A_3106 : memref<4259840xf32, #tpu.memory_space<hbm>>) dst(%dma_wait3A_3101 : memref<128xf32, #tpu.memory_space<vmem>>)
    %dma_wait3A_3107 = arith.constant 14 : i32
    %dma_wait3A_3108 = arith.constant 14 : i32
    %dma_wait3A_3109 = arith.constant 0 : i32
    %dma_wait3A_3110 = tpu.memref_slice %arg5[%dma_wait3A_3108, %dma_wait3A_3109] : memref<16x128xf32, #tpu.memory_space<vmem>> -> memref<1x128xf32, #tpu.memory_space<vmem>>
    %dma_wait3A_3111 = tpu.memref_squeeze %dma_wait3A_3110 : memref<1x128xf32, #tpu.memory_space<vmem>> -> memref<128xf32, #tpu.memory_space<vmem>>
    %dma_wait3A_3112 = arith.constant 0 : i32
    %dma_wait3A_3113 = tpu.memref_slice %arg4[%dma_wait3A_3107, %dma_wait3A_3112] : memref<16x128xi32, #tpu.memory_space<vmem>> -> memref<1x128xi32, #tpu.memory_space<vmem>>
    %dma_wait3A_3114 = tpu.memref_squeeze %dma_wait3A_3113 : memref<1x128xi32, #tpu.memory_space<vmem>> -> memref<128xi32, #tpu.memory_space<vmem>>
    %dma_wait3A_3115 = arith.constant 0 : i32
    %dma_wait3A_3116 = tpu.memref_slice %arg2[%dma_wait3A_3115] : memref<4259840xf32, #tpu.memory_space<hbm>> -> memref<4259840xf32, #tpu.memory_space<hbm>>
    tpu.wait_indirect_dma semaphore(%arg6 : memref<!tpu.dma_semaphore, #tpu.memory_space<semaphore_mem>>) src(%dma_wait3A_3116 : memref<4259840xf32, #tpu.memory_space<hbm>>) dst(%dma_wait3A_3111 : memref<128xf32, #tpu.memory_space<vmem>>)
    %dma_wait3A_3117 = arith.constant 15 : i32
    %dma_wait3A_3118 = arith.constant 15 : i32
    %dma_wait3A_3119 = arith.constant 0 : i32
    %dma_wait3A_3120 = tpu.memref_slice %arg5[%dma_wait3A_3118, %dma_wait3A_3119] : memref<16x128xf32, #tpu.memory_space<vmem>> -> memref<1x128xf32, #tpu.memory_space<vmem>>
    %dma_wait3A_3121 = tpu.memref_squeeze %dma_wait3A_3120 : memref<1x128xf32, #tpu.memory_space<vmem>> -> memref<128xf32, #tpu.memory_space<vmem>>
    %dma_wait3A_3122 = arith.constant 0 : i32
    %dma_wait3A_3123 = tpu.memref_slice %arg4[%dma_wait3A_3117, %dma_wait3A_3122] : memref<16x128xi32, #tpu.memory_space<vmem>> -> memref<1x128xi32, #tpu.memory_space<vmem>>
    %dma_wait3A_3124 = tpu.memref_squeeze %dma_wait3A_3123 : memref<1x128xi32, #tpu.memory_space<vmem>> -> memref<128xi32, #tpu.memory_space<vmem>>
    %dma_wait3A_3125 = arith.constant 0 : i32
    %dma_wait3A_3126 = tpu.memref_slice %arg2[%dma_wait3A_3125] : memref<4259840xf32, #tpu.memory_space<hbm>> -> memref<4259840xf32, #tpu.memory_space<hbm>>
    tpu.wait_indirect_dma semaphore(%arg6 : memref<!tpu.dma_semaphore, #tpu.memory_space<semaphore_mem>>) src(%dma_wait3A_3126 : memref<4259840xf32, #tpu.memory_space<hbm>>) dst(%dma_wait3A_3121 : memref<128xf32, #tpu.memory_space<vmem>>)
    "tpu.region"() ({
      %run_scoped3A = tpu.sem_alloc : memref<!tpu.dma_semaphore, #tpu.memory_space<semaphore_mem>>
      %dma_start3A_3127 = arith.constant 0 : i32
      %dma_start3A_3128 = arith.constant 0 : i32
      %dma_start3A_3129 = tpu.memref_slice %arg3[%add3A, %dma_start3A_3127, %dma_start3A_3128] : memref<16x16x128xf32, #tpu.memory_space<hbm>> -> memref<1x16x128xf32, #tpu.memory_space<hbm>>
      %dma_start3A_3130 = tpu.memref_squeeze %dma_start3A_3129 : memref<1x16x128xf32, #tpu.memory_space<hbm>> -> memref<16x128xf32, #tpu.memory_space<hbm>>
      %dma_start3A_3131 = arith.constant 0 : i32
      %dma_start3A_3132 = arith.constant 0 : i32
      %dma_start3A_3133 = tpu.memref_slice %arg3[%add3A, %dma_start3A_3131, %dma_start3A_3132] : memref<16x16x128xf32, #tpu.memory_space<hbm>> -> memref<1x16x128xf32, #tpu.memory_space<hbm>>
      %dma_start3A_3134 = tpu.memref_squeeze %dma_start3A_3133 : memref<1x16x128xf32, #tpu.memory_space<hbm>> -> memref<16x128xf32, #tpu.memory_space<hbm>>
      tpu.enqueue_dma source(%arg5 : memref<16x128xf32, #tpu.memory_space<vmem>>) target(%dma_start3A_3134 : memref<16x128xf32, #tpu.memory_space<hbm>>) target_semaphore(%run_scoped3A : memref<!tpu.dma_semaphore, #tpu.memory_space<semaphore_mem>>)
      %dma_wait3A_3135 = arith.constant 0 : i32
      %dma_wait3A_3136 = arith.constant 0 : i32
      %dma_wait3A_3137 = tpu.memref_slice %arg3[%add3A, %dma_wait3A_3135, %dma_wait3A_3136] : memref<16x16x128xf32, #tpu.memory_space<hbm>> -> memref<1x16x128xf32, #tpu.memory_space<hbm>>
      %dma_wait3A_3138 = tpu.memref_squeeze %dma_wait3A_3137 : memref<1x16x128xf32, #tpu.memory_space<hbm>> -> memref<16x128xf32, #tpu.memory_space<hbm>>
      %dma_wait3A_3139 = arith.constant 0 : i32
      %dma_wait3A_3140 = arith.constant 0 : i32
      %dma_wait3A_3141 = tpu.memref_slice %arg3[%add3A, %dma_wait3A_3139, %dma_wait3A_3140] : memref<16x16x128xf32, #tpu.memory_space<hbm>> -> memref<1x16x128xf32, #tpu.memory_space<hbm>>
      %dma_wait3A_3142 = tpu.memref_squeeze %dma_wait3A_3141 : memref<1x16x128xf32, #tpu.memory_space<hbm>> -> memref<16x128xf32, #tpu.memory_space<hbm>>
      tpu.wait_dma2 semaphore(%run_scoped3A : memref<!tpu.dma_semaphore, #tpu.memory_space<semaphore_mem>>) src(%arg5 : memref<16x128xf32, #tpu.memory_space<vmem>>) dst(%dma_wait3A_3142 : memref<16x128xf32, #tpu.memory_space<hbm>>)
      tpu.yield
    }) : () -> ()
    return
  }
}

module attributes {stable_mosaic.version = 14 : i64} {
  func.func @_tc_body(%arg0: i32, %arg1: memref<64x1024xf32, #tpu.memory_space<vmem>>, %arg2: memref<256x128xf32, #tpu.memory_space<vmem>>, %arg3: memref<8x4xf32, #tpu.memory_space<vmem>>, %arg4: memref<8x1xf32, #tpu.memory_space<vmem>>, %arg5: memref<8x128xf32, #tpu.memory_space<vmem>>, %arg6: memref<1x128xf32, #tpu.memory_space<vmem>>, %arg7: memref<128x128xf32, #tpu.memory_space<vmem>>, %arg8: memref<1x128xf32, #tpu.memory_space<vmem>>, %arg9: memref<64x128xf32, #tpu.memory_space<vmem>>) attributes {dimension_semantics = [#tpu.dimension_semantics<arbitrary>], iteration_bounds = array<i64: 1>, scalar_prefetch = 0 : i64, scratch_operands = 0 : i64, tpu.core_type = #tpu.core_type<tc>, window_params = [{transform_indices = @transform_0, window_bounds = array<i64: 64, 1024>}, {pipeline_mode = #tpu.pipeline_mode<synchronous>, transform_indices = @transform_1, window_bounds = array<i64: 256, 128>}, {pipeline_mode = #tpu.pipeline_mode<synchronous>, transform_indices = @transform_2, window_bounds = array<i64: 8, 4>}, {pipeline_mode = #tpu.pipeline_mode<synchronous>, transform_indices = @transform_3, window_bounds = array<i64: 8, 1>}, {pipeline_mode = #tpu.pipeline_mode<synchronous>, transform_indices = @transform_4, window_bounds = array<i64: 8, 128>}, {pipeline_mode = #tpu.pipeline_mode<synchronous>, transform_indices = @transform_5, window_bounds = array<i64: 1, 128>}, {pipeline_mode = #tpu.pipeline_mode<synchronous>, transform_indices = @transform_6, window_bounds = array<i64: 128, 128>}, {pipeline_mode = #tpu.pipeline_mode<synchronous>, transform_indices = @transform_7, window_bounds = array<i64: 1, 128>}, {pipeline_mode = #tpu.pipeline_mode<synchronous>, transform_indices = @transform_8, window_bounds = array<i64: 64, 128>}]} {
    %get3A = arith.constant 0 : index
    %get3A_0 = arith.constant 0 : index
    %get3A_1 = vector.load %arg1[%get3A, %get3A_0] : memref<64x1024xf32, #tpu.memory_space<vmem>>, vector<64x1024xf32>
    %reshape3A = vector.shape_cast %get3A_1 : vector<64x1024xf32> to vector<512x128xf32>
    %get3A_2 = arith.constant 0 : index
    %get3A_3 = arith.constant 0 : index
    %get3A_4 = vector.load %arg2[%get3A_2, %get3A_3] : memref<256x128xf32, #tpu.memory_space<vmem>>, vector<256x128xf32>
    %get3A_5 = arith.constant 0 : index
    %get3A_6 = arith.constant 0 : index
    %get3A_7 = vector.load %arg3[%get3A_5, %get3A_6] : memref<8x4xf32, #tpu.memory_space<vmem>>, vector<8x4xf32>
    %reshape3A_8 = vector.shape_cast %get3A_7 : vector<8x4xf32> to vector<1x8x4xf32>
    %broadcast_in_dim3A = vector.shape_cast %reshape3A_8 : vector<1x8x4xf32> to vector<1x8x4xf32>
    %broadcast_in_dim3A_9 = vector.broadcast %broadcast_in_dim3A : vector<1x8x4xf32> to vector<64x8x4xf32>
    %reshape3A_10 = vector.shape_cast %broadcast_in_dim3A_9 : vector<64x8x4xf32> to vector<512x4xf32>
    %get3A_11 = arith.constant 0 : index
    %get3A_12 = arith.constant 0 : index
    %get3A_13 = vector.load %arg4[%get3A_11, %get3A_12] : memref<8x1xf32, #tpu.memory_space<vmem>>, vector<8x1xf32>
    %reshape3A_14 = vector.shape_cast %get3A_13 : vector<8x1xf32> to vector<1x8x1xf32>
    %broadcast_in_dim3A_15 = vector.shape_cast %reshape3A_14 : vector<1x8x1xf32> to vector<1x8x1xf32>
    %broadcast_in_dim3A_16 = vector.broadcast %broadcast_in_dim3A_15 : vector<1x8x1xf32> to vector<64x8x1xf32>
    %reshape3A_17 = vector.shape_cast %broadcast_in_dim3A_16 : vector<64x8x1xf32> to vector<512x1xf32>
    %add3A = vector.broadcast %reshape3A_17 : vector<512x1xf32> to vector<512x128xf32>
    %add3A_18 = arith.addf %reshape3A, %add3A : vector<512x128xf32>
    %slice3A = vector.extract_strided_slice %get3A_4 {offsets = [0, 0], sizes = [64, 128], strides = [1, 1]} : vector<256x128xf32> to vector<64x128xf32>
    %reshape3A_19 = vector.shape_cast %slice3A : vector<64x128xf32> to vector<64x1x128xf32>
    %broadcast_in_dim3A_20 = vector.shape_cast %reshape3A_19 : vector<64x1x128xf32> to vector<64x1x128xf32>
    %broadcast_in_dim3A_21 = vector.broadcast %broadcast_in_dim3A_20 : vector<64x1x128xf32> to vector<64x8x128xf32>
    %reshape3A_22 = vector.shape_cast %broadcast_in_dim3A_21 : vector<64x8x128xf32> to vector<512x128xf32>
    %slice3A_23 = vector.extract_strided_slice %reshape3A_10 {offsets = [0, 0], sizes = [512, 1], strides = [1, 1]} : vector<512x4xf32> to vector<512x1xf32>
    %mul3A = vector.broadcast %slice3A_23 : vector<512x1xf32> to vector<512x128xf32>
    %mul3A_24 = arith.mulf %reshape3A_22, %mul3A : vector<512x128xf32>
    %add3A_25 = arith.addf %add3A_18, %mul3A_24 : vector<512x128xf32>
    %slice3A_26 = vector.extract_strided_slice %get3A_4 {offsets = [64, 0], sizes = [64, 128], strides = [1, 1]} : vector<256x128xf32> to vector<64x128xf32>
    %reshape3A_27 = vector.shape_cast %slice3A_26 : vector<64x128xf32> to vector<64x1x128xf32>
    %broadcast_in_dim3A_28 = vector.shape_cast %reshape3A_27 : vector<64x1x128xf32> to vector<64x1x128xf32>
    %broadcast_in_dim3A_29 = vector.broadcast %broadcast_in_dim3A_28 : vector<64x1x128xf32> to vector<64x8x128xf32>
    %reshape3A_30 = vector.shape_cast %broadcast_in_dim3A_29 : vector<64x8x128xf32> to vector<512x128xf32>
    %slice3A_31 = vector.extract_strided_slice %reshape3A_10 {offsets = [0, 1], sizes = [512, 1], strides = [1, 1]} : vector<512x4xf32> to vector<512x1xf32>
    %mul3A_32 = vector.broadcast %slice3A_31 : vector<512x1xf32> to vector<512x128xf32>
    %mul3A_33 = arith.mulf %reshape3A_30, %mul3A_32 : vector<512x128xf32>
    %add3A_34 = arith.addf %add3A_25, %mul3A_33 : vector<512x128xf32>
    %slice3A_35 = vector.extract_strided_slice %get3A_4 {offsets = [128, 0], sizes = [64, 128], strides = [1, 1]} : vector<256x128xf32> to vector<64x128xf32>
    %reshape3A_36 = vector.shape_cast %slice3A_35 : vector<64x128xf32> to vector<64x1x128xf32>
    %broadcast_in_dim3A_37 = vector.shape_cast %reshape3A_36 : vector<64x1x128xf32> to vector<64x1x128xf32>
    %broadcast_in_dim3A_38 = vector.broadcast %broadcast_in_dim3A_37 : vector<64x1x128xf32> to vector<64x8x128xf32>
    %reshape3A_39 = vector.shape_cast %broadcast_in_dim3A_38 : vector<64x8x128xf32> to vector<512x128xf32>
    %slice3A_40 = vector.extract_strided_slice %reshape3A_10 {offsets = [0, 2], sizes = [512, 1], strides = [1, 1]} : vector<512x4xf32> to vector<512x1xf32>
    %mul3A_41 = vector.broadcast %slice3A_40 : vector<512x1xf32> to vector<512x128xf32>
    %mul3A_42 = arith.mulf %reshape3A_39, %mul3A_41 : vector<512x128xf32>
    %add3A_43 = arith.addf %add3A_34, %mul3A_42 : vector<512x128xf32>
    %slice3A_44 = vector.extract_strided_slice %get3A_4 {offsets = [192, 0], sizes = [64, 128], strides = [1, 1]} : vector<256x128xf32> to vector<64x128xf32>
    %reshape3A_45 = vector.shape_cast %slice3A_44 : vector<64x128xf32> to vector<64x1x128xf32>
    %broadcast_in_dim3A_46 = vector.shape_cast %reshape3A_45 : vector<64x1x128xf32> to vector<64x1x128xf32>
    %broadcast_in_dim3A_47 = vector.broadcast %broadcast_in_dim3A_46 : vector<64x1x128xf32> to vector<64x8x128xf32>
    %reshape3A_48 = vector.shape_cast %broadcast_in_dim3A_47 : vector<64x8x128xf32> to vector<512x128xf32>
    %slice3A_49 = vector.extract_strided_slice %reshape3A_10 {offsets = [0, 3], sizes = [512, 1], strides = [1, 1]} : vector<512x4xf32> to vector<512x1xf32>
    %mul3A_50 = vector.broadcast %slice3A_49 : vector<512x1xf32> to vector<512x128xf32>
    %mul3A_51 = arith.mulf %reshape3A_48, %mul3A_50 : vector<512x128xf32>
    %add3A_52 = arith.addf %add3A_43, %mul3A_51 : vector<512x128xf32>
    %max3A = arith.constant 0.000000e+00 : f32
    %max3A_53 = vector.broadcast %max3A : f32 to vector<512x128xf32>
    %max3A_54 = arith.maximumf %add3A_52, %max3A_53 : vector<512x128xf32>
    %slice3A_55 = vector.extract_strided_slice %reshape3A {offsets = [0, 0], sizes = [512, 1], strides = [1, 1]} : vector<512x128xf32> to vector<512x1xf32>
    %reduce_sum3A = arith.constant dense<0.000000e+00> : vector<512xf32>
    %reduce_sum3A_56 = vector.multi_reduction <add>, %max3A_54, %reduce_sum3A [1] : vector<512x128xf32> to vector<512xf32>
    %broadcast_in_dim3A_57 = vector.shape_cast %reduce_sum3A_56 : vector<512xf32> to vector<512x1xf32>
    %add3A_58 = arith.addf %slice3A_55, %broadcast_in_dim3A_57 : vector<512x1xf32>
    %get3A_59 = arith.constant 0 : index
    %get3A_60 = arith.constant 0 : index
    %get3A_61 = vector.load %arg5[%get3A_59, %get3A_60] : memref<8x128xf32, #tpu.memory_space<vmem>>, vector<8x128xf32>
    %reshape3A_62 = vector.shape_cast %get3A_61 : vector<8x128xf32> to vector<1x8x128xf32>
    %broadcast_in_dim3A_63 = vector.shape_cast %reshape3A_62 : vector<1x8x128xf32> to vector<1x8x128xf32>
    %broadcast_in_dim3A_64 = vector.broadcast %broadcast_in_dim3A_63 : vector<1x8x128xf32> to vector<64x8x128xf32>
    %reshape3A_65 = vector.shape_cast %broadcast_in_dim3A_64 : vector<64x8x128xf32> to vector<512x128xf32>
    %mul3A_66 = vector.broadcast %add3A_58 : vector<512x1xf32> to vector<512x128xf32>
    %mul3A_67 = arith.mulf %mul3A_66, %reshape3A_65 : vector<512x128xf32>
    %reshape3A_68 = vector.shape_cast %mul3A_67 : vector<512x128xf32> to vector<64x8x128xf32>
    %reduce_sum3A_69 = arith.constant dense<0.000000e+00> : vector<64x128xf32>
    %reduce_sum3A_70 = vector.multi_reduction <add>, %reshape3A_68, %reduce_sum3A_69 [1] : vector<64x8x128xf32> to vector<64x128xf32>
    %get3A_71 = arith.constant 0 : index
    %get3A_72 = arith.constant 0 : index
    %get3A_73 = vector.load %arg6[%get3A_71, %get3A_72] : memref<1x128xf32, #tpu.memory_space<vmem>>, vector<1x128xf32>
    %add3A_74 = vector.broadcast %get3A_73 : vector<1x128xf32> to vector<64x128xf32>
    %add3A_75 = arith.addf %reduce_sum3A_70, %add3A_74 : vector<64x128xf32>
    %max3A_76 = arith.constant 0.000000e+00 : f32
    %max3A_77 = vector.broadcast %max3A_76 : f32 to vector<64x128xf32>
    %max3A_78 = arith.maximumf %add3A_75, %max3A_77 : vector<64x128xf32>
    %get3A_79 = arith.constant 0 : index
    %get3A_80 = arith.constant 0 : index
    %get3A_81 = vector.load %arg7[%get3A_79, %get3A_80] : memref<128x128xf32, #tpu.memory_space<vmem>>, vector<128x128xf32>
    %dot_general3A = arith.constant dense<0.000000e+00> : vector<64x128xf32>
    %dot_general3A_82 = tpu.matmul %max3A_78, %get3A_81, %dot_general3A {dimension_numbers = #tpu.dot_dimension_numbers<[1], [0], [0], [1], [0, 0, 1, 1], [], []>, transpose_lhs_hint = false} : vector<64x128xf32>, vector<128x128xf32>, vector<64x128xf32> -> vector<64x128xf32>
    %get3A_83 = arith.constant 0 : index
    %get3A_84 = arith.constant 0 : index
    %get3A_85 = vector.load %arg8[%get3A_83, %get3A_84] : memref<1x128xf32, #tpu.memory_space<vmem>>, vector<1x128xf32>
    %add3A_86 = vector.broadcast %get3A_85 : vector<1x128xf32> to vector<64x128xf32>
    %add3A_87 = arith.addf %dot_general3A_82, %add3A_86 : vector<64x128xf32>
    %max3A_88 = arith.constant 0.000000e+00 : f32
    %max3A_89 = vector.broadcast %max3A_88 : f32 to vector<64x128xf32>
    %max3A_90 = arith.maximumf %add3A_87, %max3A_89 : vector<64x128xf32>
    %swap3A = arith.constant 0 : index
    %swap3A_91 = arith.constant 0 : index
    %swap3A_92 = vector.load %arg9[%swap3A, %swap3A_91] : memref<64x128xf32, #tpu.memory_space<vmem>>, vector<64x128xf32>
    tpu.vector_store %arg9[%swap3A, %swap3A_91], %max3A_90 {strides = array<i32>} : memref<64x128xf32, #tpu.memory_space<vmem>>, vector<64x128xf32>,
    return
  }
  func.func @transform_0(%arg0: i32) -> (i32, i32) {
    %c0_i32 = arith.constant 0 : i32
    %c0_i32_0 = arith.constant 0 : i32
    %c0_i32_1 = arith.constant 0 : i32
    return %c0_i32, %c0_i32_0 : i32, i32
  }
  func.func @transform_1(%arg0: i32) -> (i32, i32) {
    %c0_i32 = arith.constant 0 : i32
    %c0_i32_0 = arith.constant 0 : i32
    %c0_i32_1 = arith.constant 0 : i32
    return %c0_i32, %c0_i32_0 : i32, i32
  }
  func.func @transform_2(%arg0: i32) -> (i32, i32) {
    %c0_i32 = arith.constant 0 : i32
    %c0_i32_0 = arith.constant 0 : i32
    %c0_i32_1 = arith.constant 0 : i32
    return %c0_i32, %c0_i32_0 : i32, i32
  }
  func.func @transform_3(%arg0: i32) -> (i32, i32) {
    %c0_i32 = arith.constant 0 : i32
    %c0_i32_0 = arith.constant 0 : i32
    %c0_i32_1 = arith.constant 0 : i32
    return %c0_i32, %c0_i32_0 : i32, i32
  }
  func.func @transform_4(%arg0: i32) -> (i32, i32) {
    %c0_i32 = arith.constant 0 : i32
    %c0_i32_0 = arith.constant 0 : i32
    %c0_i32_1 = arith.constant 0 : i32
    return %c0_i32, %c0_i32_0 : i32, i32
  }
  func.func @transform_5(%arg0: i32) -> (i32, i32) {
    %c0_i32 = arith.constant 0 : i32
    %c0_i32_0 = arith.constant 0 : i32
    %c0_i32_1 = arith.constant 0 : i32
    return %c0_i32, %c0_i32_0 : i32, i32
  }
  func.func @transform_6(%arg0: i32) -> (i32, i32) {
    %c0_i32 = arith.constant 0 : i32
    %c0_i32_0 = arith.constant 0 : i32
    %c0_i32_1 = arith.constant 0 : i32
    return %c0_i32, %c0_i32_0 : i32, i32
  }
  func.func @transform_7(%arg0: i32) -> (i32, i32) {
    %c0_i32 = arith.constant 0 : i32
    %c0_i32_0 = arith.constant 0 : i32
    %c0_i32_1 = arith.constant 0 : i32
    return %c0_i32, %c0_i32_0 : i32, i32
  }
  func.func @transform_8(%arg0: i32) -> (i32, i32) {
    %c0_i32 = arith.constant 0 : i32
    %c0_i32_0 = arith.constant 0 : i32
    %c0_i32_1 = arith.constant 0 : i32
    return %c0_i32, %c0_i32_0 : i32, i32
  }
}

</mosaic_0001>

<sc_bundles>
// kernel: kernel.4.cloned.1.call-start
scs
__scs_entry_jumppad:
0x0: {  	(pc) =	sbr.rel $0x88, $3  }
0x1: {  	(tag) =	ssettag $0x0;
	lr =	simm.s32 $0x1  }
0x2: {  	[smem:$0x3F9A] =	sst lr;
	_ =	strace $0xD0000000  }
0x3: {  	_ = 	snop  }
0x4: {  	_ = 	snop  }
0x5: {  	_ = 	snop  }
0x6: {  	_ = 	snop  }
0x7: {  	_ = 	snop  }
__scs_overlays_trampoline_lowered:
0x8: {  	[smem:$0x3FA9] =	sst s0  }
0x9: {  	[smem:$0x3FAA] =	sst s1  }
0xa: {  	[smem:$0x3FAB] =	sst s2  }
0xb: {  	[smem:$0x3FAC] =	sst s3  }
0xc: {  	[smem:$0x3FAD] =	sst s4  }
0xd: {  	[smem:$0x3FAE] =	sst s5  }
0xe: {  	[smem:$0x3FAF] =	sst s6  }
0xf: {  	[smem:$0x3FB0] =	sst s7  }
0x10: {  	[smem:$0x3FB1] =	sst s8  }
0x11: {  	[smem:$0x3FB2] =	sst s9;
	s0 =	simm.s32 @!p0 $0x0  }
0x12: {  	s1 =	sld [smem:$0x3F98];
	s0 =	simm.s32 @p0 $0x1  }
0x13: {  	[smem:$0x3FB3] =	sst s0;
	s0 =	simm.s32 @!p1 $0x0  }
0x14: {  	s2 =	sld [smem:$0x3F97];
	s0 =	simm.s32 @p1 $0x1  }
0x15: {  	[smem:$0x3FB4] =	sst s0;
	s0 =	simm.s32 @!p2 $0x0  }
0x16: {  	s3 =	sld [smem:$0x3FDB];
	s0 =	simm.s32 @p2 $0x1  }
0x17: {  	s4 =	simm.s32 $0x1BF5;
	[smem:$0x3FB6] =	sst s0  }
0x18: {  	s0 =	sld [smem:$0x3F99];
	_ =	swait.ge [sflag:s4], $0x0  }
0x19: {  	s7 =	sld [smem:$0x3F9A]  }
0x1a: {  	s8 =	sadd.s32 $0xFFFFE003, lr  }
0x1b: {  	s9 =	sadd.s32 $0xFFFFFEF7, lr;
	s5 =	simm.s32 $0xFFFFFFFF;
	p2 =	slt.u32 s8, $0xFFFFF086  }
0x1c: {  	p1 =	slt.u32 s9, $0xF7A;
	s5 =	simm.s32 @!p2 $0x0  }
0x1d: {  	s5 =	simm.s32 @p1 $0x1;
	p0 =	seq.s32 s7, s2  }
0x1e: {  	s7 =	smul.u32 @!p0 $0xF7A, s2;
	p2 =	seq.s32 @!p0 s5, $0x0  }
0x1f: {  	s9 =	smul.u32 $0xF7A, s1;
	s8 =	simm.s32 @!p0 $0x1BF5;
	p2 =	por !p2, p0  }
0x20: {  	[sflag:s8] =	ssyncset.s32 @!p0 $0xFFFFF086;
	s6 =	sadd.s32 @!p0 s3, s7;
	s7 =	simm.s32 @!p0 $0x108  }
0x21: {  	s3 =	sadd.s32 s3, s9;
	s6 =	sadd.s32 @!p0 $0x88, s6;
	s7 =	simm.s32 @p2 $0x1082  }
0x22: {  	[simem:s7], [sflag:s8] =	dma.local @!p0 [hbm:s6], $0xF7A  }
0x23: {  	s9 =	sor.u32 $0xD0000000, s2;
	s6 =	simm.s32 $0x108;
	_ =	swait.ge @!p0 [sflag:s8], $0x0  }
0x24: {  	s3 =	sadd.s32 $0x88, s3;
	s6 =	simm.s32 @!p1 $0x1082;
	[sflag:s4] =	ssyncset.s32 $0xFFFFF086  }
0x25: {  	[simem:s6], [sflag:s4] =	dma.local [hbm:s3], $0xF7A  }
0x26: {  	[smem:$0x3F9A] =	sst s1;
	(tag) =	ssettag s2;
	_ =	strace s9  }
0x27: {  	s1 =	sld [smem:$0x3FAA]  }
0x28: {  	s2 =	sld [smem:$0x3FAB]  }
0x29: {  	s4 =	sld [smem:$0x3FAD]  }
0x2a: {  	p0 =	seq.s32 s5, $0x0;
	s5 =	sld [smem:$0x3FAE]  }
0x2b: {  	s6 =	sld [smem:$0x3FAF]  }
0x2c: {  	s7 =	sld [smem:$0x3FB0]  }
0x2d: {  	s3 =	simm.s32 $0x108;
	s8 =	sld [smem:$0x3FB1]  }
0x2e: {  	s3 =	simm.s32 @!p0 $0x1082;
	s9 =	sld [smem:$0x3FB2]  }
0x2f: {  	lr =	sadd.s32 s0, s3;
	s0 =	sld [smem:$0x3FA9]  }
0x30: {  	s3 =	sld [smem:$0x3FAC]  }
0x31: {  	[smem:$0x3FB5] =	sst s10  }
0x32: {  	s10 =	sld [smem:$0x3FB3];
	_ =	sdelay $0x3  }
0x33: {  	p0 =	seq.s32 s10, $0x1;
	s10 =	sld [smem:$0x3FB5];
	_ =	sdelay $0x3  }
0x34: {  	[smem:$0x3FB5] =	sst s10  }
0x35: {  	s10 =	sld [smem:$0x3FB4];
	_ =	sdelay $0x3  }
0x36: {  	p1 =	seq.s32 s10, $0x1;
	s10 =	sld [smem:$0x3FB5];
	_ =	sdelay $0x3  }
0x37: {  	[smem:$0x3FB5] =	sst s10  }
0x38: {  	s10 =	sld [smem:$0x3FB6]  }
0x39: {  	_ = 	snop;
	(pc) =	sbr.ind lr, $3  }
0x3a: {  	_ = 	snop  }
0x3b: {  	_ = 	snop  }
0x3c: {  	p2 =	seq.s32 s10, $0x1;
	s10 =	sld [smem:$0x3FB5]  }
0x3d: {  	_ =	shalt  }
0x3e: {  	_ =	shalt  }
0x3f: {  	_ =	shalt  }
0x40: {  	_ =	shalt  }
0x41: {  	_ =	shalt  }
0x42: {  	_ =	shalt  }
0x43: {  	_ =	shalt  }
0x44: {  	_ =	shalt  }
0x45: {  	_ =	shalt  }
0x46: {  	_ =	shalt  }
0x47: {  	_ =	shalt  }
0x48: {  	_ =	shalt  }
0x49: {  	_ =	shalt  }
0x4a: {  	_ =	shalt  }
0x4b: {  	_ =	shalt  }
0x4c: {  	_ =	shalt  }
0x4d: {  	_ =	shalt  }
0x4e: {  	_ =	shalt  }
0x4f: {  	_ =	shalt  }
0x50: {  	_ =	shalt  }
0x51: {  	_ =	shalt  }
0x52: {  	_ =	shalt  }
0x53: {  	_ =	shalt  }
0x54: {  	_ =	shalt  }
0x55: {  	_ =	shalt  }
0x56: {  	_ =	shalt  }
0x57: {  	_ =	shalt  }
0x58: {  	_ =	shalt  }
0x59: {  	_ =	shalt  }
0x5a: {  	_ =	shalt  }
0x5b: {  	_ =	shalt  }
0x5c: {  	_ =	shalt  }
0x5d: {  	_ =	shalt  }
0x5e: {  	_ =	shalt  }
0x5f: {  	_ =	shalt  }
0x60: {  	_ =	shalt  }
0x61: {  	_ =	shalt  }
0x62: {  	_ =	shalt  }
0x63: {  	_ =	shalt  }
0x64: {  	_ =	shalt  }
0x65: {  	_ =	shalt  }
0x66: {  	_ =	shalt  }
0x67: {  	_ =	shalt  }
0x68: {  	_ =	shalt  }
0x69: {  	_ =	shalt  }
0x6a: {  	_ =	shalt  }
0x6b: {  	_ =	shalt  }
0x6c: {  	_ =	shalt  }
0x6d: {  	_ =	shalt  }
0x6e: {  	_ =	shalt  }
0x6f: {  	_ =	shalt  }
0x70: {  	_ =	shalt  }
0x71: {  	_ =	shalt  }
0x72: {  	_ =	shalt  }
0x73: {  	_ =	shalt  }
0x74: {  	_ =	shalt  }
0x75: {  	_ =	shalt  }
0x76: {  	_ =	shalt  }
0x77: {  	_ =	shalt  }
0x78: {  	_ =	shalt  }
0x79: {  	_ =	shalt  }
0x7a: {  	_ =	shalt  }
0x7b: {  	_ =	shalt  }
0x7c: {  	_ =	shalt  }
0x7d: {  	_ =	shalt  }
0x7e: {  	_ =	shalt  }
0x7f: {  	_ =	shalt  }
0x80: {  	_ =	shalt  }
0x81: {  	_ =	shalt  }
0x82: {  	_ =	shalt  }
0x83: {  	_ =	shalt  }
0x84: {  	_ =	shalt  }
0x85: {  	_ =	shalt  }
0x86: {  	_ =	shalt  }
0x87: {  	_ =	shalt  }
.Lfunc_end0:
.L_simem_size_0:
called_computation_lowered:
.L_overlay_start_0:
0x88: {  	s0 =	sld [smem:$0x3FD9]  }
0x89: {  	s1 =	sld [smem:$0x3FFE];
	_ =	sdelay $0x3  }
0x8a: {  	s0 =	sadd.s32 s1, s0  }
0x8b: {  	[smem:$0x3FC1] =	sst s0  }
0x8c: {  	_ = 	snop  }
0x8d: {  	s0 =	sld [smem:$0x3FC9];
	(tm) =	ssettm $0x1  }
0x8e: {  	s16 =	sld [smem:$0x3FFB];
	_ =	sdelay $0x3  }
0x8f: {  	_ =	strace s16  }
0x90: {  	s1 =	sld [smem:$0x3FFC];
	_ =	sdelay $0x3  }
0x91: {  	_ =	strace s1  }
0x92: {  	s1 =	sld [smem:$0x3FFD];
	_ =	sdelay $0x3  }
0x93: {  	_ =	strace s1  }
0x94: {  	_ =	strace $0x8FFFFFFF  }
0x95: {  	s17 =	sld [smem:$0x3FDB];
	_ =	sdelay $0x1  }
0x96: {  	s2 =	simm.s32 $_scs_section_size  }
0x97: {  	s3 =	simm.s32 $_size__tile_overlayer_lowered;
	s4 =	simm.s32 $_tile_overlayer_lowered  }
0x98: {  	s20 =	simm.s32 $0x1BFF;
	s19 =	sshll.u32 s4, $0x1;
	s1 =	sadd.s32 s2, s17  }
0x99: {  	s5 =	simm.s32 $0x0;
	s18 =	sshll.u32 s3, $0x1;
	s3 =	sadd.s32 s19, s1  }
0x9a: {  	[timem:s5], [sflag:s20] =	dma.local [hbm:s3], s18  }
0x9b: {  	_ =	swait.ge [sflag:s20], s18  }
0x9c: {  	s2 =	ssub.s32 $0x0, s18;
	[sflag:s20] =	ssyncset.done $0x0  }
0x9d: {  	[sflag:s20] =	ssyncadd.s32 s2;
	_ =	sdelay $0x1  }
0x9e: {  	s21 =	simm.s32 $0x1B8B  }
0x9f: {  	_ =	swait.ge [sflag:s21], $0x1  }
0xa0: {  	[sflag:s21] =	ssyncset.done $0x0  }
0xa1: {  	s23 =	simm.s32 $0x1B8E;
	s22 =	sld [smem:$0x3FFE];
	[sflag:s21] =	ssyncadd.s32 $0xFFFFFFFF  }
0xa2: {  	s24 =	simm.s32 $execute0_lowered;
	[smem:$0x3FD2] =	sst s23  }
0xa3: {  	s3 =	sshll.u32 s24, $0x1;
	_ =	strace $0x80000046;
	[dreg:$0x1] =	wrdreg $0xFFFFFFFF  }
0xa4: {  	s25 =	simm.s32 $_size_execute0_lowered;
	s1 =	sadd.s32 s1, s3;
	[dreg:$0x0] =	wrdreg $0x0  }
0xa5: {  	s3 =	sshll.u32 s25, $0x1;
	[dreg:$0x2] =	wrdreg s1  }
0xa6: {  	[dreg:$0x3] =	wrdreg s3  }
0xa7: {  	[dreg:$0x4] =	wrdreg $0xC0  }
0xa8: {  	_ =	task [dreg:s5], $0x5FFFF  }
0xa9: {  	[dreg:$0x1] =	wrdreg $0xFFFFFFFF  }
0xaa: {  	[dreg:$0x0] =	wrdreg $0x60  }
0xab: {  	[dreg:$0x2] =	wrdreg s0  }
0xac: {  	[dreg:$0x3] =	wrdreg s22  }
0xad: {  	[dreg:$0x4] =	wrdreg $0x9  }
0xae: {  	_ =	task.clear_ibuf [dreg:s5], $0x5FFFF;
	_ =	strace $0x90000046  }
0xaf: {  	s26 =	simm.s32 $0x9;
	_ =	strace $0x80000048  }
0xb0: {  	_ =	swait.ge [sflag:s26], $0x1  }
0xb1: {  	[sflag:s26] =	ssyncadd.s32 $0xFFFFFFFF  }
0xb2: {  	_ =	strace $0x90000048  }
0xb3: {  	_ =	sfence  }
0xb4: {  	s28 =	sld [smem:$0x0];
	_ =	sdelay $0x1  }
0xb5: {  	s29 =	srdreg.scid  }
0xb6: {  	s30 =	sshll.u32 s29, $0xD;
	s31 =	sshrl.u32 s29, $0x2  }
0xb7: {  	s2 =	sand.u32 $0x4000, s30;
	s1 =	sand.u32 $0x1, s29;
	s0 =	sadd.s32 s31, s28  }
0xb8: {  	s1 =	sor.u32 s2, s1;
	s0 =	sshll.u32 s0, $0x11  }
0xb9: {  	s0 =	sor.u32 s0, s1  }
0xba: {  	s0 =	sadd.s32 $0x8F2B, s0  }
0xbb: {  	[sflag:s0] =	ssyncadd.remote.s32 $0x1  }
0xbc: {  	_ =	sfence.sel $0xFFFF  }
0xbd: {  	[dreg:$0x0] =	wrdreg $0xFFFFFFFF;
	(pc) =	sbr.abs _section_cstart, $3  }
0xbe: {  	[dreg:$0x1] =	wrdreg $0xFFFFFFFF  }
0xbf: {  	_ =	task.clear_ibuf [dreg:s5], $0x2FFFF;
	_ =	strace $0x9FFFFFFF  }
0xc0: {  	(tm) =	ssettm $0x7FFFFFFF  }
0xc1: {  	_ =	shalt  }
tec
execute0_lowered:
.L_overlay_start_1:
0x0: {  	(tag) =	ssettag $0x1  }
0x1: {  	s0 =	stileid.u32  }
0x2: {  	s1 =	sshll.u32 s0, $0x1  }
0x3: {  	s1 =	sand.u32 $0x6, s1  }
0x4: {  	s3 =	sshll.u32 s0, $0xF;
	s4 =	smul.u32 $0x82000, s1  }
0x5: {  	v0 =	vlaneseq.u32;
	s6 =	sand.u32 $0x60000, s3  }
0x6: {  	s5 =	rddreg [dreg:$0x0];
	v0 =	vmul.u32 $0x400, v0;
	s6 =	sadd.s32 s6, s4  }
0x7: {  	s2 =	rddreg [dreg:$0x1];
	s3 =	simm.s32 $0x0;
	s4 =	sor.u32 $0x2000, s6  }
0x8: {  	[smem:$0x7FF] =	sst s3;
	s8 =	sadd.s32 $0x6000, s6;
	v1 =	vadd.s32 s4, v0  }
0x9: {  	s1 =	rddreg [dreg:$0x2];
	_ =	strace $0x80000047;
	s9 =	sadd.s32 $0xA000, s6;
	v58 =	vadd.s32 s8, v0;
	[tilespmem:$0x0] =	vst v1  }
0xa: {  	s10 =	sadd.s32 $0xE000, s6;
	v59 =	vadd.s32 s9, v0;
	[tilespmem:$0x10] =	vst v58  }
0xb: {  	s11 =	sadd.s32 $0x12000, s6;
	v60 =	vadd.s32 s10, v0;
	[tilespmem:$0x20] =	vst v59  }
0xc: {  	s12 =	sadd.s32 $0x16000, s6;
	v61 =	vadd.s32 s11, v0;
	[tilespmem:$0x30] =	vst v60  }
0xd: {  	s13 =	sadd.s32 $0x1A000, s6;
	v62 =	vadd.s32 s12, v0;
	[tilespmem:$0x40] =	vst v61  }
0xe: {  	s14 =	sadd.s32 $0x1E000, s6;
	v63 =	vadd.s32 s13, v0;
	[tilespmem:$0x50] =	vst v62  }
0xf: {  	s7 =	simm.s32 $0x80;
	v4 =	vadd.s32 s14, v0;
	[tilespmem:$0x60] =	vst v63  }
0x10: {  	s8 =	sor.u32 $0x2080, s6;
	s9 =	sadd.s32 $0x6080, s6;
	s4 =	simm.s32 $0x800;
	[tilespmem:$0x70] =	vst v4  }
0x11: {  	v5 =	vadd.s32 s8, v0;
	[tilespmem:s4], [sflag:$0x1] =	stream.indirect.gather [hbm4b:s5+s7], $0x1, s3, s7, $0xb8;
	[tilespmem:$0x1000] =	vst v63  }
0x12: {  	s15 =	sadd.s32 $0xA080, s6;
	v6 =	vadd.s32 s9, v0;
	[tilespmem:$0x80] =	vst v5  }
0x13: {  	s16 =	sadd.s32 $0xE080, s6;
	v7 =	vadd.s32 s15, v0;
	[tilespmem:$0x90] =	vst v6  }
0x14: {  	s17 =	sadd.s32 $0x12080, s6;
	v8 =	vadd.s32 s16, v0;
	[tilespmem:$0xA0] =	vst v7  }
0x15: {  	s18 =	sadd.s32 $0x16080, s6;
	v9 =	vadd.s32 s17, v0;
	[tilespmem:$0xB0] =	vst v8  }
0x16: {  	s19 =	sadd.s32 $0x1A080, s6;
	v10 =	vadd.s32 s18, v0;
	[tilespmem:$0xC0] =	vst v9  }
0x17: {  	s20 =	sadd.s32 $0x1E080, s6;
	v11 =	vadd.s32 s19, v0;
	[tilespmem:$0xD0] =	vst v10  }
0x18: {  	v12 =	vadd.s32 s20, v0;
	[tilespmem:$0xE0] =	vst v11  }
0x19: {  	s21 =	sor.u32 $0x2100, s6;
	s22 =	sadd.s32 $0x6100, s6;
	s10 =	simm.s32 $0x880;
	[tilespmem:$0xF0] =	vst v12  }
0x1a: {  	v13 =	vadd.s32 s21, v0;
	[tilespmem:s10], [sflag:$0x1] =	stream.indirect.gather [hbm4b:s5+s7], $0x1, s7, s7, $0xb8;
	[tilespmem:$0x1000] =	vst v63  }
0x1b: {  	s23 =	sadd.s32 $0xA100, s6;
	v14 =	vadd.s32 s22, v0;
	[tilespmem:$0x100] =	vst v13  }
0x1c: {  	s24 =	sadd.s32 $0xE100, s6;
	v15 =	vadd.s32 s23, v0;
	[tilespmem:$0x110] =	vst v14  }
0x1d: {  	s25 =	sadd.s32 $0x12100, s6;
	v16 =	vadd.s32 s24, v0;
	[tilespmem:$0x120] =	vst v15  }
0x1e: {  	s26 =	sadd.s32 $0x16100, s6;
	v17 =	vadd.s32 s25, v0;
	[tilespmem:$0x130] =	vst v16  }
0x1f: {  	s28 =	sadd.s32 $0x1A100, s6;
	v18 =	vadd.s32 s26, v0;
	[tilespmem:$0x140] =	vst v17  }
0x20: {  	s29 =	sadd.s32 $0x1E100, s6;
	v19 =	vadd.s32 s28, v0;
	[tilespmem:$0x150] =	vst v18  }
0x21: {  	s30 =	simm.s32 $0x100;
	v20 =	vadd.s32 s29, v0;
	[tilespmem:$0x160] =	vst v19  }
0x22: {  	s31 =	simm.s32 $0x900;
	s9 =	sor.u32 $0x2180, s6;
	s10 =	sadd.s32 $0x6180, s6;
	[tilespmem:$0x170] =	vst v20  }
0x23: {  	v21 =	vadd.s32 s9, v0;
	[tilespmem:s31], [sflag:$0x1] =	stream.indirect.gather [hbm4b:s5+s7], $0x1, s30, s7, $0xb8;
	[tilespmem:$0x1000] =	vst v63  }
0x24: {  	s11 =	sadd.s32 $0xA180, s6;
	v22 =	vadd.s32 s10, v0;
	[tilespmem:$0x180] =	vst v21  }
0x25: {  	s12 =	sadd.s32 $0xE180, s6;
	v23 =	vadd.s32 s11, v0;
	[tilespmem:$0x190] =	vst v22  }
0x26: {  	s13 =	sadd.s32 $0x12180, s6;
	v24 =	vadd.s32 s12, v0;
	[tilespmem:$0x1A0] =	vst v23  }
0x27: {  	s14 =	sadd.s32 $0x16180, s6;
	v25 =	vadd.s32 s13, v0;
	[tilespmem:$0x1B0] =	vst v24  }
0x28: {  	s15 =	sadd.s32 $0x1A180, s6;
	v26 =	vadd.s32 s14, v0;
	[tilespmem:$0x1C0] =	vst v25  }
0x29: {  	s16 =	sadd.s32 $0x1E180, s6;
	v27 =	vadd.s32 s15, v0;
	[tilespmem:$0x1D0] =	vst v26  }
0x2a: {  	s17 =	simm.s32 $0x180;
	v28 =	vadd.s32 s16, v0;
	[tilespmem:$0x1E0] =	vst v27  }
0x2b: {  	s18 =	simm.s32 $0x980;
	s19 =	sor.u32 $0x2200, s6;
	s20 =	sadd.s32 $0x6200, s6;
	[tilespmem:$0x1F0] =	vst v28  }
0x2c: {  	v29 =	vadd.s32 s19, v0;
	[tilespmem:s18], [sflag:$0x1] =	stream.indirect.gather [hbm4b:s5+s7], $0x1, s17, s7, $0xb8;
	[tilespmem:$0x1000] =	vst v63  }
0x2d: {  	s21 =	sadd.s32 $0xA200, s6;
	v30 =	vadd.s32 s20, v0;
	[tilespmem:$0x200] =	vst v29  }
0x2e: {  	s22 =	sadd.s32 $0xE200, s6;
	v31 =	vadd.s32 s21, v0;
	[tilespmem:$0x210] =	vst v30  }
0x2f: {  	s23 =	sadd.s32 $0x12200, s6;
	v32 =	vadd.s32 s22, v0;
	[tilespmem:$0x220] =	vst v31  }
0x30: {  	s24 =	sadd.s32 $0x16200, s6;
	v33 =	vadd.s32 s23, v0;
	[tilespmem:$0x230] =	vst v32  }
0x31: {  	s25 =	sadd.s32 $0x1A200, s6;
	v34 =	vadd.s32 s24, v0;
	[tilespmem:$0x240] =	vst v33  }
0x32: {  	s26 =	sadd.s32 $0x1E200, s6;
	v35 =	vadd.s32 s25, v0;
	[tilespmem:$0x250] =	vst v34  }
0x33: {  	s28 =	simm.s32 $0x200;
	v36 =	vadd.s32 s26, v0;
	[tilespmem:$0x260] =	vst v35  }
0x34: {  	s29 =	simm.s32 $0xA00;
	s30 =	sor.u32 $0x2280, s6;
	s31 =	sadd.s32 $0x6280, s6;
	[tilespmem:$0x270] =	vst v36  }
0x35: {  	v37 =	vadd.s32 s30, v0;
	[tilespmem:s29], [sflag:$0x1] =	stream.indirect.gather [hbm4b:s5+s7], $0x1, s28, s7, $0xb8;
	[tilespmem:$0x1000] =	vst v63  }
0x36: {  	s9 =	sadd.s32 $0xA280, s6;
	v38 =	vadd.s32 s31, v0;
	[tilespmem:$0x280] =	vst v37  }
0x37: {  	v39 =	vadd.s32 s9, v0;
	s10 =	sadd.s32 $0xE280, s6;
	[tilespmem:$0x290] =	vst v38  }
0x38: {  	s11 =	sadd.s32 $0x12280, s6;
	v40 =	vadd.s32 s10, v0;
	[tilespmem:$0x2A0] =	vst v39  }
0x39: {  	s12 =	sadd.s32 $0x16280, s6;
	v41 =	vadd.s32 s11, v0;
	[tilespmem:$0x2B0] =	vst v40  }
0x3a: {  	s13 =	sadd.s32 $0x1A280, s6;
	v42 =	vadd.s32 s12, v0;
	[tilespmem:$0x2C0] =	vst v41  }
0x3b: {  	s14 =	sadd.s32 $0x1E280, s6;
	v43 =	vadd.s32 s13, v0;
	[tilespmem:$0x2D0] =	vst v42  }
0x3c: {  	s15 =	simm.s32 $0x280;
	v44 =	vadd.s32 s14, v0;
	[tilespmem:$0x2E0] =	vst v43  }
0x3d: {  	s16 =	simm.s32 $0xA80;
	s17 =	sor.u32 $0x2300, s6;
	s18 =	sadd.s32 $0x6300, s6;
	[tilespmem:$0x2F0] =	vst v44  }
0x3e: {  	v45 =	vadd.s32 s17, v0;
	[tilespmem:s16], [sflag:$0x1] =	stream.indirect.gather [hbm4b:s5+s7], $0x1, s15, s7, $0xb8;
	[tilespmem:$0x1000] =	vst v63  }
0x3f: {  	s19 =	sadd.s32 $0xA300, s6;
	v46 =	vadd.s32 s18, v0;
	[tilespmem:$0x300] =	vst v45  }
0x40: {  	s20 =	sadd.s32 $0xE300, s6;
	v47 =	vadd.s32 s19, v0;
	[tilespmem:$0x310] =	vst v46  }
0x41: {  	s21 =	sadd.s32 $0x12300, s6;
	v48 =	vadd.s32 s20, v0;
	[tilespmem:$0x320] =	vst v47  }
0x42: {  	s22 =	sadd.s32 $0x16300, s6;
	v49 =	vadd.s32 s21, v0;
	[tilespmem:$0x330] =	vst v48  }
0x43: {  	s23 =	sadd.s32 $0x1A300, s6;
	v50 =	vadd.s32 s22, v0;
	[tilespmem:$0x340] =	vst v49  }
0x44: {  	s24 =	sadd.s32 $0x1E300, s6;
	v51 =	vadd.s32 s23, v0;
	[tilespmem:$0x350] =	vst v50  }
0x45: {  	s25 =	simm.s32 $0x300;
	v52 =	vadd.s32 s24, v0;
	[tilespmem:$0x360] =	vst v51  }
0x46: {  	s26 =	simm.s32 $0xB00;
	s28 =	sor.u32 $0x2380, s6;
	s29 =	sadd.s32 $0x6380, s6;
	[tilespmem:$0x370] =	vst v52  }
0x47: {  	v53 =	vadd.s32 s28, v0;
	[tilespmem:s26], [sflag:$0x1] =	stream.indirect.gather [hbm4b:s5+s7], $0x1, s25, s7, $0xb8;
	[tilespmem:$0x1000] =	vst v63  }
0x48: {  	s30 =	sadd.s32 $0xA380, s6;
	v54 =	vadd.s32 s29, v0;
	[tilespmem:$0x380] =	vst v53  }
0x49: {  	s31 =	sadd.s32 $0xE380, s6;
	v55 =	vadd.s32 s30, v0;
	[tilespmem:$0x390] =	vst v54  }
0x4a: {  	s9 =	sadd.s32 $0x12380, s6;
	v56 =	vadd.s32 s31, v0;
	[tilespmem:$0x3A0] =	vst v55  }
0x4b: {  	v57 =	vadd.s32 s9, v0;
	s10 =	sadd.s32 $0x16380, s6;
	[tilespmem:$0x3B0] =	vst v56  }
0x4c: {  	s11 =	sadd.s32 $0x1A380, s6;
	v58 =	vadd.s32 s10, v0;
	[tilespmem:$0x3C0] =	vst v57  }
0x4d: {  	s12 =	sadd.s32 $0x1E380, s6;
	v59 =	vadd.s32 s11, v0;
	[tilespmem:$0x3D0] =	vst v58  }
0x4e: {  	s13 =	simm.s32 $0x380;
	v60 =	vadd.s32 s12, v0;
	[tilespmem:$0x3E0] =	vst v59  }
0x4f: {  	s14 =	simm.s32 $0xB80;
	s15 =	sadd.s32 $0x84000, s6;
	s16 =	sadd.s32 $0x88000, s6;
	[tilespmem:$0x3F0] =	vst v60  }
0x50: {  	v61 =	vor.u32 s15, v0;
	[tilespmem:s14], [sflag:$0x1] =	stream.indirect.gather [hbm4b:s5+s7], $0x1, s13, s7, $0xb8;
	[tilespmem:$0x1000] =	vst v63  }
0x51: {  	s17 =	sadd.s32 $0x8C000, s6;
	v62 =	vor.u32 s16, v0;
	[tilespmem:$0x400] =	vst v61  }
0x52: {  	s18 =	sadd.s32 $0x90000, s6;
	v63 =	vor.u32 s17, v0;
	[tilespmem:$0x410] =	vst v62  }
0x53: {  	s19 =	sadd.s32 $0x94000, s6;
	v4 =	vor.u32 s18, v0;
	[tilespmem:$0x420] =	vst v63  }
0x54: {  	s20 =	sadd.s32 $0x98000, s6;
	v5 =	vor.u32 s19, v0;
	[tilespmem:$0x430] =	vst v4  }
0x55: {  	s21 =	sadd.s32 $0x9C000, s6;
	v6 =	vor.u32 s20, v0;
	[tilespmem:$0x440] =	vst v5  }
0x56: {  	s22 =	sadd.s32 $0xA0000, s6;
	v7 =	vor.u32 s21, v0;
	[tilespmem:$0x450] =	vst v6  }
0x57: {  	s23 =	simm.s32 $0x400;
	v8 =	vor.u32 s22, v0;
	[tilespmem:$0x460] =	vst v7  }
0x58: {  	s24 =	simm.s32 $0xC00;
	s25 =	sadd.s32 $0x84080, s6;
	s26 =	sadd.s32 $0x88080, s6;
	[tilespmem:$0x470] =	vst v8  }
0x59: {  	v9 =	vor.u32 s25, v0;
	[tilespmem:s24], [sflag:$0x1] =	stream.indirect.gather [hbm4b:s5+s7], $0x1, s23, s7, $0xb8;
	[tilespmem:$0x1000] =	vst v63  }
0x5a: {  	s28 =	sadd.s32 $0x8C080, s6;
	v10 =	vor.u32 s26, v0;
	[tilespmem:$0x480] =	vst v9  }
0x5b: {  	s29 =	sadd.s32 $0x90080, s6;
	v11 =	vor.u32 s28, v0;
	[tilespmem:$0x490] =	vst v10  }
0x5c: {  	s30 =	sadd.s32 $0x94080, s6;
	v12 =	vor.u32 s29, v0;
	[tilespmem:$0x4A0] =	vst v11  }
0x5d: {  	s31 =	sadd.s32 $0x98080, s6;
	v13 =	vor.u32 s30, v0;
	[tilespmem:$0x4B0] =	vst v12  }
0x5e: {  	s9 =	sadd.s32 $0x9C080, s6;
	v14 =	vor.u32 s31, v0;
	[tilespmem:$0x4C0] =	vst v13  }
0x5f: {  	v15 =	vor.u32 s9, v0;
	s10 =	sadd.s32 $0xA0080, s6;
	[tilespmem:$0x4D0] =	vst v14  }
0x60: {  	s11 =	simm.s32 $0x480;
	v16 =	vor.u32 s10, v0;
	[tilespmem:$0x4E0] =	vst v15  }
0x61: {  	s12 =	simm.s32 $0xC80;
	s13 =	sadd.s32 $0x84100, s6;
	s14 =	sadd.s32 $0x88100, s6;
	[tilespmem:$0x4F0] =	vst v16  }
0x62: {  	v17 =	vor.u32 s13, v0;
	[tilespmem:s12], [sflag:$0x1] =	stream.indirect.gather [hbm4b:s5+s7], $0x1, s11, s7, $0xb8;
	[tilespmem:$0x1000] =	vst v63  }
0x63: {  	s15 =	sadd.s32 $0x8C100, s6;
	v18 =	vor.u32 s14, v0;
	[tilespmem:$0x500] =	vst v17  }
0x64: {  	s16 =	sadd.s32 $0x90100, s6;
	v19 =	vor.u32 s15, v0;
	[tilespmem:$0x510] =	vst v18  }
0x65: {  	s17 =	sadd.s32 $0x94100, s6;
	v20 =	vor.u32 s16, v0;
	[tilespmem:$0x520] =	vst v19  }
0x66: {  	s18 =	sadd.s32 $0x98100, s6;
	v21 =	vor.u32 s17, v0;
	[tilespmem:$0x530] =	vst v20  }
0x67: {  	s19 =	sadd.s32 $0x9C100, s6;
	v22 =	vor.u32 s18, v0;
	[tilespmem:$0x540] =	vst v21  }
0x68: {  	s20 =	sadd.s32 $0xA0100, s6;
	v23 =	vor.u32 s19, v0;
	[tilespmem:$0x550] =	vst v22  }
0x69: {  	s21 =	simm.s32 $0x500;
	v24 =	vor.u32 s20, v0;
	[tilespmem:$0x560] =	vst v23  }
0x6a: {  	s22 =	simm.s32 $0xD00;
	s23 =	sadd.s32 $0x84180, s6;
	s24 =	sadd.s32 $0x88180, s6;
	[tilespmem:$0x570] =	vst v24  }
0x6b: {  	v25 =	vor.u32 s23, v0;
	[tilespmem:s22], [sflag:$0x1] =	stream.indirect.gather [hbm4b:s5+s7], $0x1, s21, s7, $0xb8;
	[tilespmem:$0x1000] =	vst v63  }
0x6c: {  	s25 =	sadd.s32 $0x8C180, s6;
	v26 =	vor.u32 s24, v0;
	[tilespmem:$0x580] =	vst v25  }
0x6d: {  	s26 =	sadd.s32 $0x90180, s6;
	v27 =	vor.u32 s25, v0;
	[tilespmem:$0x590] =	vst v26  }
0x6e: {  	s28 =	sadd.s32 $0x94180, s6;
	v28 =	vor.u32 s26, v0;
	[tilespmem:$0x5A0] =	vst v27  }
0x6f: {  	s29 =	sadd.s32 $0x98180, s6;
	v29 =	vor.u32 s28, v0;
	[tilespmem:$0x5B0] =	vst v28  }
0x70: {  	s30 =	sadd.s32 $0x9C180, s6;
	v30 =	vor.u32 s29, v0;
	[tilespmem:$0x5C0] =	vst v29  }
0x71: {  	s31 =	sadd.s32 $0xA0180, s6;
	v31 =	vor.u32 s30, v0;
	[tilespmem:$0x5D0] =	vst v30  }
0x72: {  	s9 =	simm.s32 $0x580;
	v32 =	vor.u32 s31, v0;
	[tilespmem:$0x5E0] =	vst v31  }
0x73: {  	s10 =	simm.s32 $0xD80;
	s11 =	sadd.s32 $0x84200, s6;
	s12 =	sadd.s32 $0x88200, s6;
	[tilespmem:$0x5F0] =	vst v32  }
0x74: {  	v33 =	vor.u32 s11, v0;
	[tilespmem:s10], [sflag:$0x1] =	stream.indirect.gather [hbm4b:s5+s7], $0x1, s9, s7, $0xb8;
	[tilespmem:$0x1000] =	vst v63  }
0x75: {  	s13 =	sadd.s32 $0x8C200, s6;
	v34 =	vor.u32 s12, v0;
	[tilespmem:$0x600] =	vst v33  }
0x76: {  	s14 =	sadd.s32 $0x90200, s6;
	v35 =	vor.u32 s13, v0;
	[tilespmem:$0x610] =	vst v34  }
0x77: {  	s15 =	sadd.s32 $0x94200, s6;
	v36 =	vor.u32 s14, v0;
	[tilespmem:$0x620] =	vst v35  }
0x78: {  	s16 =	sadd.s32 $0x98200, s6;
	v37 =	vor.u32 s15, v0;
	[tilespmem:$0x630] =	vst v36  }
0x79: {  	s17 =	sadd.s32 $0x9C200, s6;
	v38 =	vor.u32 s16, v0;
	[tilespmem:$0x640] =	vst v37  }
0x7a: {  	s18 =	sadd.s32 $0xA0200, s6;
	v39 =	vor.u32 s17, v0;
	[tilespmem:$0x650] =	vst v38  }
0x7b: {  	s19 =	simm.s32 $0x600;
	v40 =	vor.u32 s18, v0;
	[tilespmem:$0x660] =	vst v39  }
0x7c: {  	s20 =	simm.s32 $0xE00;
	s21 =	sadd.s32 $0x84280, s6;
	s22 =	sadd.s32 $0x88280, s6;
	[tilespmem:$0x670] =	vst v40  }
0x7d: {  	v41 =	vor.u32 s21, v0;
	[tilespmem:s20], [sflag:$0x1] =	stream.indirect.gather [hbm4b:s5+s7], $0x1, s19, s7, $0xb8;
	[tilespmem:$0x1000] =	vst v63  }
0x7e: {  	s23 =	sadd.s32 $0x8C280, s6;
	v42 =	vor.u32 s22, v0;
	[tilespmem:$0x680] =	vst v41  }
0x7f: {  	s24 =	sadd.s32 $0x90280, s6;
	v43 =	vor.u32 s23, v0;
	[tilespmem:$0x690] =	vst v42  }
0x80: {  	s25 =	sadd.s32 $0x94280, s6;
	v44 =	vor.u32 s24, v0;
	[tilespmem:$0x6A0] =	vst v43  }
0x81: {  	s26 =	sadd.s32 $0x98280, s6;
	v45 =	vor.u32 s25, v0;
	[tilespmem:$0x6B0] =	vst v44  }
0x82: {  	s28 =	sadd.s32 $0x9C280, s6;
	v46 =	vor.u32 s26, v0;
	[tilespmem:$0x6C0] =	vst v45  }
0x83: {  	s29 =	sadd.s32 $0xA0280, s6;
	v47 =	vor.u32 s28, v0;
	[tilespmem:$0x6D0] =	vst v46  }
0x84: {  	s30 =	simm.s32 $0x680;
	v48 =	vor.u32 s29, v0;
	[tilespmem:$0x6E0] =	vst v47  }
0x85: {  	s31 =	simm.s32 $0xE80;
	s9 =	sadd.s32 $0x84300, s6;
	s10 =	sadd.s32 $0x88300, s6;
	[tilespmem:$0x6F0] =	vst v48  }
0x86: {  	v49 =	vor.u32 s9, v0;
	[tilespmem:s31], [sflag:$0x1] =	stream.indirect.gather [hbm4b:s5+s7], $0x1, s30, s7, $0xb8;
	[tilespmem:$0x1000] =	vst v63  }
0x87: {  	s11 =	sadd.s32 $0x8C300, s6;
	v50 =	vor.u32 s10, v0;
	[tilespmem:$0x700] =	vst v49  }
0x88: {  	s12 =	sadd.s32 $0x90300, s6;
	v51 =	vor.u32 s11, v0;
	[tilespmem:$0x710] =	vst v50  }
0x89: {  	s13 =	sadd.s32 $0x94300, s6;
	v52 =	vor.u32 s12, v0;
	[tilespmem:$0x720] =	vst v51  }
0x8a: {  	s14 =	sadd.s32 $0x98300, s6;
	v53 =	vor.u32 s13, v0;
	[tilespmem:$0x730] =	vst v52  }
0x8b: {  	s15 =	sadd.s32 $0x9C300, s6;
	v54 =	vor.u32 s14, v0;
	[tilespmem:$0x740] =	vst v53  }
0x8c: {  	s16 =	sadd.s32 $0xA0300, s6;
	v55 =	vor.u32 s15, v0;
	[tilespmem:$0x750] =	vst v54  }
0x8d: {  	s17 =	simm.s32 $0x700;
	v56 =	vor.u32 s16, v0;
	[tilespmem:$0x760] =	vst v55  }
0x8e: {  	s18 =	simm.s32 $0xF00;
	s19 =	sadd.s32 $0x84380, s6;
	s20 =	sadd.s32 $0x88380, s6;
	[tilespmem:$0x770] =	vst v56  }
0x8f: {  	v57 =	vor.u32 s19, v0;
	[tilespmem:s18], [sflag:$0x1] =	stream.indirect.gather [hbm4b:s5+s7], $0x1, s17, s7, $0xb8;
	[tilespmem:$0x1000] =	vst v63  }
0x90: {  	s21 =	sadd.s32 $0x8C380, s6;
	v58 =	vor.u32 s20, v0;
	[tilespmem:$0x780] =	vst v57  }
0x91: {  	s22 =	sadd.s32 $0x90380, s6;
	v59 =	vor.u32 s21, v0;
	[tilespmem:$0x790] =	vst v58  }
0x92: {  	s23 =	sadd.s32 $0x94380, s6;
	v60 =	vor.u32 s22, v0;
	[tilespmem:$0x7A0] =	vst v59  }
0x93: {  	s24 =	sadd.s32 $0x98380, s6;
	v61 =	vor.u32 s23, v0;
	[tilespmem:$0x7B0] =	vst v60  }
0x94: {  	s25 =	sadd.s32 $0x9C380, s6;
	v62 =	vor.u32 s24, v0;
	[tilespmem:$0x7C0] =	vst v61  }
0x95: {  	v63 =	vor.u32 s25, v0;
	s6 =	sadd.s32 $0xA0380, s6;
	[tilespmem:$0x7D0] =	vst v62  }
0x96: {  	v0 =	vor.u32 s6, v0;
	[tilespmem:$0x7E0] =	vst v63  }
0x97: {  	s28 =	simm.s32 $0xF80;
	s29 =	simm.s32 $0x1;
	s26 =	simm.s32 $0x780;
	[tilespmem:$0x7F0] =	vst v0  }
0x98: {  	[tilespmem:s28], [sflag:$0x1] =	stream.indirect.gather [hbm4b:s5+s7], $0x1, s26, s7, $0xb8;
	[tilespmem:$0x1000] =	vst v63  }
0x99: {  	_ =	swait.ge [sflag:s29], $0x80  }
0x9a: {  	[sflag:s29] =	ssyncset.done $0x0  }
0x9b: {  	[sflag:s29] =	ssyncadd.s32 $0xFFFFFF80  }
0x9c: {  	_ =	swait.ge [sflag:s29], $0x80  }
0x9d: {  	[sflag:s29] =	ssyncset.done $0x0  }
0x9e: {  	[sflag:s29] =	ssyncadd.s32 $0xFFFFFF80  }
0x9f: {  	_ =	swait.ge [sflag:s29], $0x80  }
0xa0: {  	[sflag:s29] =	ssyncset.done $0x0  }
0xa1: {  	[sflag:s29] =	ssyncadd.s32 $0xFFFFFF80  }
0xa2: {  	_ =	swait.ge [sflag:s29], $0x80  }
0xa3: {  	[sflag:s29] =	ssyncset.done $0x0  }
0xa4: {  	[sflag:s29] =	ssyncadd.s32 $0xFFFFFF80  }
0xa5: {  	_ =	swait.ge [sflag:s29], $0x80  }
0xa6: {  	[sflag:s29] =	ssyncset.done $0x0  }
0xa7: {  	[sflag:s29] =	ssyncadd.s32 $0xFFFFFF80  }
0xa8: {  	_ =	swait.ge [sflag:s29], $0x80  }
0xa9: {  	[sflag:s29] =	ssyncset.done $0x0  }
0xaa: {  	[sflag:s29] =	ssyncadd.s32 $0xFFFFFF80  }
0xab: {  	_ =	swait.ge [sflag:s29], $0x80  }
0xac: {  	[sflag:s29] =	ssyncset.done $0x0  }
0xad: {  	[sflag:s29] =	ssyncadd.s32 $0xFFFFFF80  }
0xae: {  	_ =	swait.ge [sflag:s29], $0x80  }
0xaf: {  	[sflag:s29] =	ssyncset.done $0x0  }
0xb0: {  	[sflag:s29] =	ssyncadd.s32 $0xFFFFFF80  }
0xb1: {  	_ =	swait.ge [sflag:s29], $0x80  }
0xb2: {  	[sflag:s29] =	ssyncset.done $0x0  }
0xb3: {  	[sflag:s29] =	ssyncadd.s32 $0xFFFFFF80  }
0xb4: {  	_ =	swait.ge [sflag:s29], $0x80  }
0xb5: {  	[sflag:s29] =	ssyncset.done $0x0  }
0xb6: {  	[sflag:s29] =	ssyncadd.s32 $0xFFFFFF80  }
0xb7: {  	_ =	swait.ge [sflag:s29], $0x80  }
0xb8: {  	[sflag:s29] =	ssyncset.done $0x0  }
0xb9: {  	[sflag:s29] =	ssyncadd.s32 $0xFFFFFF80  }
0xba: {  	_ =	swait.ge [sflag:s29], $0x80  }
0xbb: {  	[sflag:s29] =	ssyncset.done $0x0  }
0xbc: {  	[sflag:s29] =	ssyncadd.s32 $0xFFFFFF80  }
0xbd: {  	_ =	swait.ge [sflag:s29], $0x80  }
0xbe: {  	[sflag:s29] =	ssyncset.done $0x0  }
0xbf: {  	[sflag:s29] =	ssyncadd.s32 $0xFFFFFF80  }
0xc0: {  	_ =	swait.ge [sflag:s29], $0x80  }
0xc1: {  	[sflag:s29] =	ssyncset.done $0x0  }
0xc2: {  	[sflag:s29] =	ssyncadd.s32 $0xFFFFFF80  }
0xc3: {  	_ =	swait.ge [sflag:s29], $0x80  }
0xc4: {  	[sflag:s29] =	ssyncset.done $0x0  }
0xc5: {  	[sflag:s29] =	ssyncadd.s32 $0xFFFFFF80  }
0xc6: {  	s30 =	sshll.u32 s0, $0x8;
	_ =	swait.ge [sflag:s29], $0x80  }
0xc7: {  	s2 =	sadd.s32 s30, s2;
	[sflag:s29] =	ssyncset.done $0x0  }
0xc8: {  	s31 =	simm.s32 $0x2;
	s2 =	sadd.s32 $0x1400, s2;
	[sflag:s29] =	ssyncadd.s32 $0xFFFFFF80  }
0xc9: {  	[hbm4b:s2+s3] =	stream.linear.scatter [tilespmem:s4], [sflag:$0x2], $0x800, $0x38;
	[tilespmem:$0x1000] =	vst v63  }
0xca: {  	_ =	swait.ge [sflag:s31], $0x800  }
0xcb: {  	[sflag:s31] =	ssyncset.done $0x0  }
0xcc: {  	[sflag:s31] =	ssyncadd.s32 $0xFFFFF800  }
0xcd: {  	_ =	sfence.sel $0x180000  }
0xce: {  	[bflag:$0x0] =	sbarrier.arrive $0xFFFF  }
0xcf: {  	p0 =	sne.s32 s0, $0x0;
	_ =	strace $0x90000047  }
0xd0: {  	s0 =	sadd.s32 @!p0 $0x100000, s1;
	[bflag:$0x2] =	sbarrier.arrive $0xFFFF  }
0xd1: {  	[sflag:s0] =	ssyncadd.tile.s32 @!p0 $0x1;
	_ =	shalt  }
.Lfunc_end2:
_tile_overlayer_lowered:
.L_overlay_start_2:
0xd2: {  	(tag) =	ssettag $0x2  }
0xd3: {  	s0 =	rddreg [dreg:$0x0];
	s2 =	stileid.u32  }
0xd4: {  	s1 =	rddreg [dreg:$0x1];
	p0 =	sne.s32 s2, $0x0  }
0xd5: {  	s3 =	rddreg [dreg:$0x2];
	[bflag:$0x3] =	sbarrier.arrive $0xFFFF;
	s2 =	simm.s32 @!p0 $0x1C02  }
0xd6: {  	[timem:s3], [sflag:s2] =	dma.local @!p0 [hbm:s0], s1  }
0xd7: {  	s0 =	simm.s32 @!p0 $0x2  }
0xd8: {  	_ =	swait.ge @!p0 [sflag:s0], s1  }
0xd9: {  	s1 =	ssub.s32 @!p0 $0x0, s1;
	[sflag:s0] =	ssyncset.done @!p0 $0x0  }
0xda: {  	[sflag:s0] =	ssyncadd.s32 @!p0 s1  }
0xdb: {  	[bflag:$0x3] =	sbarrier.arrive $0xFFFF  }
0xdc: {  	_ =	shalt  }

</sc_bundles>
